<compile_context>
chip_gen: v7x
topology: tpu7x:2x2x1
jax: 0.10.2.dev20260603
libtpu: 0.0.44.dev20260713+nightly
codegen_flags: <defaults>
</compile_context>

<pallas_src>
import functools

import jax
import jax.numpy as jnp
from jax import lax
from jax.experimental import pallas as pl
from jax.experimental.pallas import tpu as pltpu
from jax.experimental.pallas import tpu_sc as plsc

B, S, C = 4096, 200, 7

S_TC = 168
S_SC = S - S_TC
N_TILES = 32

LN2 = 0.6931471805599453
_P5 = (0.04342836333156592, -0.18772049275778527, 0.40871894392121627,
       -0.7057026209301516, 1.4412670742163989, 3.193085771768707e-05)


def _tc_kernel(ch_ref, lab_ref, mask_ref, rew_ref,
               num_ref, corr_ref, nval_ref, accf_ref, acci_ref):
    step = pl.program_id(0)
    nsteps = pl.num_programs(0)

    @pl.when(step == 0)
    def _init():
        accf_ref[0] = 0.0
        accf_ref[1] = 0.0
        acci_ref[0] = 0

    m = mask_ref[...]
    valid = m < 0.5
    vf = valid.astype(jnp.float32)

    loss_part = jnp.float32(0.0)
    correct = valid
    for i in range(3):
        lab = lab_ref[i]
        rew = rew_ref[i]
        ch0 = ch_ref[i, 0]
        mx = ch0
        g = ch0
        for k in range(1, C):
            chk = ch_ref[i, k]
            mx = jnp.maximum(mx, chk)
            g = jnp.where(lab == k, chk, g)
        loss_part += jnp.sum(jnp.log(g) * (rew * vf))
        correct = jnp.logical_and(correct, g >= mx)

    accf_ref[0] += loss_part
    accf_ref[1] += jnp.sum(vf)
    acci_ref[0] += jnp.sum(correct.astype(jnp.int32))

    @pl.when(step == nsteps - 1)
    def _fin():
        num_ref[0] = accf_ref[0]
        corr_ref[0] = acci_ref[0]
        nval_ref[0] = accf_ref[1]


def _ln_sc(x):
    bits = lax.bitcast_convert_type(x, jnp.int32)
    e = lax.shift_right_logical(bits, 23) - 127
    mbits = (bits & 0x007FFFFF) | 0x3F800000
    t = lax.bitcast_convert_type(mbits, jnp.float32) - 1.0
    p = jnp.full((16,), _P5[0], jnp.float32)
    for co in _P5[1:]:
        p = p * t + jnp.float32(co)
    return jnp.float32(LN2) * (e.astype(jnp.float32) + p)


def _sc_kernel(ch_hbm, lab_hbm, mask_hbm, rew_hbm, out_hbm,
               ch_v, lab_v, rew_v, mask_v, buf_v, sem):
    cid = lax.axis_index("c")
    sid = lax.axis_index("s")
    wid = sid * 2 + cid
    col0 = wid * 128
    row0 = S_TC

    copies = []
    for i in range(3):
        for k in range(C):
            copies.append(pltpu.async_copy(
                ch_hbm.at[i, k, pl.ds(row0, S_SC), pl.ds(col0, 128)],
                ch_v.at[i * C + k], sem))
        copies.append(pltpu.async_copy(
            lab_hbm.at[i, pl.ds(row0, S_SC), pl.ds(col0, 128)],
            lab_v.at[i], sem))
        copies.append(pltpu.async_copy(
            rew_hbm.at[i, pl.ds(row0, S_SC), pl.ds(col0, 128)],
            rew_v.at[i], sem))
    copies.append(pltpu.async_copy(
        mask_hbm.at[pl.ds(row0, S_SC), pl.ds(col0, 128)], mask_v, sem))
    for cp in copies:
        cp.wait()

    def body(j, accs):
        acc_l, acc_n, acc_c = accs
        r = j // 8
        cc = (j % 8) * 16
        mv = mask_v[r, pl.ds(cc, 16)]
        valid = mv < 0.5
        vf = jnp.where(valid, 1.0, 0.0).astype(jnp.float32)
        corr = valid
        for i in range(3):
            lab = lab_v[i, r, pl.ds(cc, 16)]
            rew = rew_v[i, r, pl.ds(cc, 16)]
            ch0 = ch_v[i * C, r, pl.ds(cc, 16)]
            mx = ch0
            g = ch0
            for k in range(1, C):
                chk = ch_v[i * C + k, r, pl.ds(cc, 16)]
                mx = jnp.maximum(mx, chk)
                g = jnp.where(lab == k, chk, g)
            acc_l = acc_l + _ln_sc(g) * (rew * vf)
            corr = jnp.logical_and(corr, g >= mx)
        acc_n = acc_n + vf
        acc_c = acc_c + jnp.where(corr, 1.0, 0.0).astype(jnp.float32)
        return (acc_l, acc_n, acc_c)

    z = jnp.zeros((16,), jnp.float32)
    acc_l, acc_n, acc_c = lax.fori_loop(0, S_SC * 8, body, (z, z, z))
    buf_v[0] = acc_l
    buf_v[1] = acc_n
    buf_v[2] = acc_c
    pltpu.sync_copy(buf_v, out_hbm.at[wid])


@functools.partial(jax.jit, static_argnames=("interpret",))
def _impl(output_list, labels_3, mask, reward, interpret):
    chans = jnp.transpose(output_list, (0, 3, 2, 1))
    lab_t = jnp.transpose(labels_3, (2, 1, 0))
    rew_t = jnp.transpose(reward, (2, 1, 0))
    mask_t = mask.T

    sc_call = pl.kernel(
        _sc_kernel,
        mesh=plsc.VectorSubcoreMesh(core_axis_name="c", subcore_axis_name="s"),
        out_type=jax.ShapeDtypeStruct((N_TILES, 3, 16), jnp.float32),
        scratch_types=[
            pltpu.VMEM((3 * C, S_SC, 128), jnp.float32),
            pltpu.VMEM((3, S_SC, 128), jnp.int32),
            pltpu.VMEM((3, S_SC, 128), jnp.float32),
            pltpu.VMEM((S_SC, 128), jnp.float32),
            pltpu.VMEM((3, 16), jnp.float32),
            pltpu.SemaphoreType.DMA,
        ],
    )
    sc_out = sc_call(chans, lab_t, mask_t, rew_t)

    ss = 24
    grid = (S_TC // ss,)
    num, corr, nval = pl.pallas_call(
        _tc_kernel,
        grid=grid,
        in_specs=[
            pl.BlockSpec((3, C, ss, B), lambda j: (0, 0, j, 0)),
            pl.BlockSpec((3, ss, B), lambda j: (0, j, 0)),
            pl.BlockSpec((ss, B), lambda j: (j, 0)),
            pl.BlockSpec((3, ss, B), lambda j: (0, j, 0)),
        ],
        out_specs=[
            pl.BlockSpec(memory_space=pltpu.MemorySpace.SMEM),
            pl.BlockSpec(memory_space=pltpu.MemorySpace.SMEM),
            pl.BlockSpec(memory_space=pltpu.MemorySpace.SMEM),
        ],
        out_shape=[
            jax.ShapeDtypeStruct((1,), jnp.float32),
            jax.ShapeDtypeStruct((1,), jnp.int32),
            jax.ShapeDtypeStruct((1,), jnp.float32),
        ],
        scratch_shapes=[
            pltpu.SMEM((2,), jnp.float32),
            pltpu.SMEM((1,), jnp.int32),
        ],
        interpret=interpret,
    )(chans, lab_t, mask_t, rew_t)

    num_t = num[0] + jnp.sum(sc_out[:, 0, :])
    nval_t = nval[0] + jnp.sum(sc_out[:, 1, :])
    corr_t = corr[0] + jnp.sum(sc_out[:, 2, :]).astype(jnp.int32)
    loss = -num_t / nval_t
    return (loss, corr_t, nval_t.astype(jnp.int32))


def kernel(output_list, labels_3, mask, reward):
    return _impl(output_list, labels_3, mask, reward, False)

# --- scband reference (transcript-rebuilt; emitter-appended) ---
"""Pipeline reference for scband-short-loss-3-74689481277493 (READ-ONLY COPY).

The authoritative reference and input builder live on the scoring server;
editing this copy changes nothing except your own understanding.
"""

import jax, jax.numpy as jnp
import numpy as np

B, S = 4096, 200

def setup_inputs(seed: int = 0):
    key = jax.random.key(seed)
    k1, k2, k3, k4 = jax.random.split(key, 4)
    output_list = jax.random.uniform(k1, (3, B, S, 7), dtype=jnp.float32, minval=1e-6, maxval=1.0)
    labels_3 = jax.random.randint(k2, (B, S, 3), 0, 7, dtype=jnp.int32)
    mask = jax.random.uniform(k3, (B, S), dtype=jnp.float32)
    reward = jax.random.uniform(k4, (B, S, 3), dtype=jnp.float32)
    return {"output_list": output_list, "labels_3": labels_3, "mask": mask, "reward": reward}

def reference(output_list, labels_3, mask, reward):
    # Faithful translation: boolean-mask selection (mask < 0.5) is expressed as
    # weighted masking, which yields identical loss / counts since invalid
    # entries contribute log(1.0)*0 = 0 and are excluded from counts.
    mask_flat = mask.reshape(-1)
    valid = mask_flat < 0.5
    valid_f = valid.astype(jnp.float32)
    n_valid = jnp.sum(valid_f)
    loss = jnp.float32(0.0)
    correct = jnp.ones(mask_flat.shape[0], dtype=jnp.int32)
    for i in range(3):
        out = output_list[i].reshape(-1, 7)
        lab = labels_3[:, :, i].reshape(-1)
        sr = reward[:, :, i].reshape(-1)
        op = jnp.take_along_axis(out, lab[:, None], axis=1)[:, 0]
        op_safe = jnp.where(valid, op, 1.0)
        loss = loss - jnp.dot(jnp.log(op_safe), sr * valid_f) / n_valid
        pred = jnp.argmax(out, axis=1)
        correct = correct * (pred == lab).astype(jnp.int32)
    n_correct = jnp.sum(correct * valid.astype(jnp.int32))
    return (loss, n_correct, n_valid.astype(jnp.int32))

if __name__ == "__main__":
    import jax
    _d = setup_inputs()
    print(jax.jit(kernel)(*tuple(_d.values())))

</pallas_src>

<mosaic_0001>
#map = affine_map<(d0, d1) -> (0, 0, 0, 0)>
#map1 = affine_map<(d0, d1) -> (0, 0, 0)>
#map2 = affine_map<(d0, d1) -> (0, 0)>
module attributes {stable_mosaic.version = 14 : i64} {
  func.func @_sc_kernel(%arg0: i32, %arg1: i32, %arg2: memref<3x7x200x4096xf32, #tpu.memory_space<hbm>>, %arg3: memref<3x200x4096xi32, #tpu.memory_space<hbm>>, %arg4: memref<200x4096xf32, #tpu.memory_space<hbm>>, %arg5: memref<3x200x4096xf32, #tpu.memory_space<hbm>>, %arg6: memref<32x3x16xf32, #tpu.memory_space<hbm>>, %arg7: memref<21x32x128xf32, #tpu.memory_space<vmem>>, %arg8: memref<3x32x128xi32, #tpu.memory_space<vmem>>, %arg9: memref<3x32x128xf32, #tpu.memory_space<vmem>>, %arg10: memref<32x128xf32, #tpu.memory_space<vmem>>, %arg11: memref<3x16xf32, #tpu.memory_space<vmem>>, %arg12: memref<!tpu.dma_semaphore, #tpu.memory_space<semaphore_mem>>) attributes {dimension_semantics = [#tpu.dimension_semantics<core_parallel>, #tpu.dimension_semantics<subcore_parallel>], iteration_bounds = array<i64: 2, 16>, scalar_prefetch = 0 : i64, scratch_operands = 6 : i64, tpu.core_type = #tpu.core_type<sc_vector_subcore>, window_params = [{transform_indices = #map}, {transform_indices = #map1}, {transform_indices = #map2}, {transform_indices = #map1}, {transform_indices = #map1}]} {
    %mul3A = arith.constant 2 : i32
    %mul3A_0 = arith.muli %arg1, %mul3A : i32
    %add3A = arith.addi %mul3A_0, %arg0 : i32
    %mul3A_1 = arith.constant 128 : i32
    %mul3A_2 = arith.muli %add3A, %mul3A_1 : i32
    %dma_start3A = arith.constant 0 : i32
    %dma_start3A_3 = arith.constant 0 : i32
    %dma_start3A_4 = arith.constant 0 : i32
    %dma_start3A_5 = arith.constant 0 : i32
    %dma_start3A_6 = arith.constant 0 : i32
    %dma_start3A_7 = tpu.memref_slice %arg7[%dma_start3A_4, %dma_start3A_5, %dma_start3A_6] : memref<21x32x128xf32, #tpu.memory_space<vmem>> -> memref<1x32x128xf32, #tpu.memory_space<vmem>>
    %dma_start3A_8 = tpu.memref_squeeze %dma_start3A_7 : memref<1x32x128xf32, #tpu.memory_space<vmem>> -> memref<32x128xf32, #tpu.memory_space<vmem>>
    %dma_start3A_9 = arith.constant 168 : i32
    %dma_start3A_10 = tpu.memref_slice %arg2[%dma_start3A, %dma_start3A_3, %dma_start3A_9, %mul3A_2] : memref<3x7x200x4096xf32, #tpu.memory_space<hbm>> -> memref<1x1x32x128xf32, #tpu.memory_space<hbm>>
    %dma_start3A_11 = tpu.memref_squeeze %dma_start3A_10 : memref<1x1x32x128xf32, #tpu.memory_space<hbm>> -> memref<32x128xf32, #tpu.memory_space<hbm>>
    %dma_start3A_12 = arith.constant 0 : i32
    %dma_start3A_13 = arith.constant 0 : i32
    %dma_start3A_14 = tpu.memref_slice %arg7[%dma_start3A_4, %dma_start3A_12, %dma_start3A_13] : memref<21x32x128xf32, #tpu.memory_space<vmem>> -> memref<1x32x128xf32, #tpu.memory_space<vmem>>
    %dma_start3A_15 = tpu.memref_squeeze %dma_start3A_14 : memref<1x32x128xf32, #tpu.memory_space<vmem>> -> memref<32x128xf32, #tpu.memory_space<vmem>>
    %dma_start3A_16 = arith.constant 168 : i32
    %dma_start3A_17 = tpu.memref_slice %arg2[%dma_start3A, %dma_start3A_3, %dma_start3A_16, %mul3A_2] : memref<3x7x200x4096xf32, #tpu.memory_space<hbm>> -> memref<1x1x32x128xf32, #tpu.memory_space<hbm>>
    %dma_start3A_18 = tpu.memref_squeeze %dma_start3A_17 : memref<1x1x32x128xf32, #tpu.memory_space<hbm>> -> memref<32x128xf32, #tpu.memory_space<hbm>>
    tpu.enqueue_dma source(%dma_start3A_18 : memref<32x128xf32, #tpu.memory_space<hbm>>) target(%dma_start3A_15 : memref<32x128xf32, #tpu.memory_space<vmem>>) target_semaphore(%arg12 : memref<!tpu.dma_semaphore, #tpu.memory_space<semaphore_mem>>)
    %dma_start3A_19 = arith.constant 0 : i32
    %dma_start3A_20 = arith.constant 1 : i32
    %dma_start3A_21 = arith.constant 1 : i32
    %dma_start3A_22 = arith.constant 0 : i32
    %dma_start3A_23 = arith.constant 0 : i32
    %dma_start3A_24 = tpu.memref_slice %arg7[%dma_start3A_21, %dma_start3A_22, %dma_start3A_23] : memref<21x32x128xf32, #tpu.memory_space<vmem>> -> memref<1x32x128xf32, #tpu.memory_space<vmem>>
    %dma_start3A_25 = tpu.memref_squeeze %dma_start3A_24 : memref<1x32x128xf32, #tpu.memory_space<vmem>> -> memref<32x128xf32, #tpu.memory_space<vmem>>
    %dma_start3A_26 = arith.constant 168 : i32
    %dma_start3A_27 = tpu.memref_slice %arg2[%dma_start3A_19, %dma_start3A_20, %dma_start3A_26, %mul3A_2] : memref<3x7x200x4096xf32, #tpu.memory_space<hbm>> -> memref<1x1x32x128xf32, #tpu.memory_space<hbm>>
    %dma_start3A_28 = tpu.memref_squeeze %dma_start3A_27 : memref<1x1x32x128xf32, #tpu.memory_space<hbm>> -> memref<32x128xf32, #tpu.memory_space<hbm>>
    %dma_start3A_29 = arith.constant 0 : i32
    %dma_start3A_30 = arith.constant 0 : i32
    %dma_start3A_31 = tpu.memref_slice %arg7[%dma_start3A_21, %dma_start3A_29, %dma_start3A_30] : memref<21x32x128xf32, #tpu.memory_space<vmem>> -> memref<1x32x128xf32, #tpu.memory_space<vmem>>
    %dma_start3A_32 = tpu.memref_squeeze %dma_start3A_31 : memref<1x32x128xf32, #tpu.memory_space<vmem>> -> memref<32x128xf32, #tpu.memory_space<vmem>>
    %dma_start3A_33 = arith.constant 168 : i32
    %dma_start3A_34 = tpu.memref_slice %arg2[%dma_start3A_19, %dma_start3A_20, %dma_start3A_33, %mul3A_2] : memref<3x7x200x4096xf32, #tpu.memory_space<hbm>> -> memref<1x1x32x128xf32, #tpu.memory_space<hbm>>
    %dma_start3A_35 = tpu.memref_squeeze %dma_start3A_34 : memref<1x1x32x128xf32, #tpu.memory_space<hbm>> -> memref<32x128xf32, #tpu.memory_space<hbm>>
    tpu.enqueue_dma source(%dma_start3A_35 : memref<32x128xf32, #tpu.memory_space<hbm>>) target(%dma_start3A_32 : memref<32x128xf32, #tpu.memory_space<vmem>>) target_semaphore(%arg12 : memref<!tpu.dma_semaphore, #tpu.memory_space<semaphore_mem>>)
    %dma_start3A_36 = arith.constant 0 : i32
    %dma_start3A_37 = arith.constant 2 : i32
    %dma_start3A_38 = arith.constant 2 : i32
    %dma_start3A_39 = arith.constant 0 : i32
    %dma_start3A_40 = arith.constant 0 : i32
    %dma_start3A_41 = tpu.memref_slice %arg7[%dma_start3A_38, %dma_start3A_39, %dma_start3A_40] : memref<21x32x128xf32, #tpu.memory_space<vmem>> -> memref<1x32x128xf32, #tpu.memory_space<vmem>>
    %dma_start3A_42 = tpu.memref_squeeze %dma_start3A_41 : memref<1x32x128xf32, #tpu.memory_space<vmem>> -> memref<32x128xf32, #tpu.memory_space<vmem>>
    %dma_start3A_43 = arith.constant 168 : i32
    %dma_start3A_44 = tpu.memref_slice %arg2[%dma_start3A_36, %dma_start3A_37, %dma_start3A_43, %mul3A_2] : memref<3x7x200x4096xf32, #tpu.memory_space<hbm>> -> memref<1x1x32x128xf32, #tpu.memory_space<hbm>>
    %dma_start3A_45 = tpu.memref_squeeze %dma_start3A_44 : memref<1x1x32x128xf32, #tpu.memory_space<hbm>> -> memref<32x128xf32, #tpu.memory_space<hbm>>
    %dma_start3A_46 = arith.constant 0 : i32
    %dma_start3A_47 = arith.constant 0 : i32
    %dma_start3A_48 = tpu.memref_slice %arg7[%dma_start3A_38, %dma_start3A_46, %dma_start3A_47] : memref<21x32x128xf32, #tpu.memory_space<vmem>> -> memref<1x32x128xf32, #tpu.memory_space<vmem>>
    %dma_start3A_49 = tpu.memref_squeeze %dma_start3A_48 : memref<1x32x128xf32, #tpu.memory_space<vmem>> -> memref<32x128xf32, #tpu.memory_space<vmem>>
    %dma_start3A_50 = arith.constant 168 : i32
    %dma_start3A_51 = tpu.memref_slice %arg2[%dma_start3A_36, %dma_start3A_37, %dma_start3A_50, %mul3A_2] : memref<3x7x200x4096xf32, #tpu.memory_space<hbm>> -> memref<1x1x32x128xf32, #tpu.memory_space<hbm>>
    %dma_start3A_52 = tpu.memref_squeeze %dma_start3A_51 : memref<1x1x32x128xf32, #tpu.memory_space<hbm>> -> memref<32x128xf32, #tpu.memory_space<hbm>>
    tpu.enqueue_dma source(%dma_start3A_52 : memref<32x128xf32, #tpu.memory_space<hbm>>) target(%dma_start3A_49 : memref<32x128xf32, #tpu.memory_space<vmem>>) target_semaphore(%arg12 : memref<!tpu.dma_semaphore, #tpu.memory_space<semaphore_mem>>)
    %dma_start3A_53 = arith.constant 0 : i32
    %dma_start3A_54 = arith.constant 3 : i32
    %dma_start3A_55 = arith.constant 3 : i32
    %dma_start3A_56 = arith.constant 0 : i32
    %dma_start3A_57 = arith.constant 0 : i32
    %dma_start3A_58 = tpu.memref_slice %arg7[%dma_start3A_55, %dma_start3A_56, %dma_start3A_57] : memref<21x32x128xf32, #tpu.memory_space<vmem>> -> memref<1x32x128xf32, #tpu.memory_space<vmem>>
    %dma_start3A_59 = tpu.memref_squeeze %dma_start3A_58 : memref<1x32x128xf32, #tpu.memory_space<vmem>> -> memref<32x128xf32, #tpu.memory_space<vmem>>
    %dma_start3A_60 = arith.constant 168 : i32
    %dma_start3A_61 = tpu.memref_slice %arg2[%dma_start3A_53, %dma_start3A_54, %dma_start3A_60, %mul3A_2] : memref<3x7x200x4096xf32, #tpu.memory_space<hbm>> -> memref<1x1x32x128xf32, #tpu.memory_space<hbm>>
    %dma_start3A_62 = tpu.memref_squeeze %dma_start3A_61 : memref<1x1x32x128xf32, #tpu.memory_space<hbm>> -> memref<32x128xf32, #tpu.memory_space<hbm>>
    %dma_start3A_63 = arith.constant 0 : i32
    %dma_start3A_64 = arith.constant 0 : i32
    %dma_start3A_65 = tpu.memref_slice %arg7[%dma_start3A_55, %dma_start3A_63, %dma_start3A_64] : memref<21x32x128xf32, #tpu.memory_space<vmem>> -> memref<1x32x128xf32, #tpu.memory_space<vmem>>
    %dma_start3A_66 = tpu.memref_squeeze %dma_start3A_65 : memref<1x32x128xf32, #tpu.memory_space<vmem>> -> memref<32x128xf32, #tpu.memory_space<vmem>>
    %dma_start3A_67 = arith.constant 168 : i32
    %dma_start3A_68 = tpu.memref_slice %arg2[%dma_start3A_53, %dma_start3A_54, %dma_start3A_67, %mul3A_2] : memref<3x7x200x4096xf32, #tpu.memory_space<hbm>> -> memref<1x1x32x128xf32, #tpu.memory_space<hbm>>
    %dma_start3A_69 = tpu.memref_squeeze %dma_start3A_68 : memref<1x1x32x128xf32, #tpu.memory_space<hbm>> -> memref<32x128xf32, #tpu.memory_space<hbm>>
    tpu.enqueue_dma source(%dma_start3A_69 : memref<32x128xf32, #tpu.memory_space<hbm>>) target(%dma_start3A_66 : memref<32x128xf32, #tpu.memory_space<vmem>>) target_semaphore(%arg12 : memref<!tpu.dma_semaphore, #tpu.memory_space<semaphore_mem>>)
    %dma_start3A_70 = arith.constant 0 : i32
    %dma_start3A_71 = arith.constant 4 : i32
    %dma_start3A_72 = arith.constant 4 : i32
    %dma_start3A_73 = arith.constant 0 : i32
    %dma_start3A_74 = arith.constant 0 : i32
    %dma_start3A_75 = tpu.memref_slice %arg7[%dma_start3A_72, %dma_start3A_73, %dma_start3A_74] : memref<21x32x128xf32, #tpu.memory_space<vmem>> -> memref<1x32x128xf32, #tpu.memory_space<vmem>>
    %dma_start3A_76 = tpu.memref_squeeze %dma_start3A_75 : memref<1x32x128xf32, #tpu.memory_space<vmem>> -> memref<32x128xf32, #tpu.memory_space<vmem>>
    %dma_start3A_77 = arith.constant 168 : i32
    %dma_start3A_78 = tpu.memref_slice %arg2[%dma_start3A_70, %dma_start3A_71, %dma_start3A_77, %mul3A_2] : memref<3x7x200x4096xf32, #tpu.memory_space<hbm>> -> memref<1x1x32x128xf32, #tpu.memory_space<hbm>>
    %dma_start3A_79 = tpu.memref_squeeze %dma_start3A_78 : memref<1x1x32x128xf32, #tpu.memory_space<hbm>> -> memref<32x128xf32, #tpu.memory_space<hbm>>
    %dma_start3A_80 = arith.constant 0 : i32
    %dma_start3A_81 = arith.constant 0 : i32
    %dma_start3A_82 = tpu.memref_slice %arg7[%dma_start3A_72, %dma_start3A_80, %dma_start3A_81] : memref<21x32x128xf32, #tpu.memory_space<vmem>> -> memref<1x32x128xf32, #tpu.memory_space<vmem>>
    %dma_start3A_83 = tpu.memref_squeeze %dma_start3A_82 : memref<1x32x128xf32, #tpu.memory_space<vmem>> -> memref<32x128xf32, #tpu.memory_space<vmem>>
    %dma_start3A_84 = arith.constant 168 : i32
    %dma_start3A_85 = tpu.memref_slice %arg2[%dma_start3A_70, %dma_start3A_71, %dma_start3A_84, %mul3A_2] : memref<3x7x200x4096xf32, #tpu.memory_space<hbm>> -> memref<1x1x32x128xf32, #tpu.memory_space<hbm>>
    %dma_start3A_86 = tpu.memref_squeeze %dma_start3A_85 : memref<1x1x32x128xf32, #tpu.memory_space<hbm>> -> memref<32x128xf32, #tpu.memory_space<hbm>>
    tpu.enqueue_dma source(%dma_start3A_86 : memref<32x128xf32, #tpu.memory_space<hbm>>) target(%dma_start3A_83 : memref<32x128xf32, #tpu.memory_space<vmem>>) target_semaphore(%arg12 : memref<!tpu.dma_semaphore, #tpu.memory_space<semaphore_mem>>)
    %dma_start3A_87 = arith.constant 0 : i32
    %dma_start3A_88 = arith.constant 5 : i32
    %dma_start3A_89 = arith.constant 5 : i32
    %dma_start3A_90 = arith.constant 0 : i32
    %dma_start3A_91 = arith.constant 0 : i32
    %dma_start3A_92 = tpu.memref_slice %arg7[%dma_start3A_89, %dma_start3A_90, %dma_start3A_91] : memref<21x32x128xf32, #tpu.memory_space<vmem>> -> memref<1x32x128xf32, #tpu.memory_space<vmem>>
    %dma_start3A_93 = tpu.memref_squeeze %dma_start3A_92 : memref<1x32x128xf32, #tpu.memory_space<vmem>> -> memref<32x128xf32, #tpu.memory_space<vmem>>
    %dma_start3A_94 = arith.constant 168 : i32
    %dma_start3A_95 = tpu.memref_slice %arg2[%dma_start3A_87, %dma_start3A_88, %dma_start3A_94, %mul3A_2] : memref<3x7x200x4096xf32, #tpu.memory_space<hbm>> -> memref<1x1x32x128xf32, #tpu.memory_space<hbm>>
    %dma_start3A_96 = tpu.memref_squeeze %dma_start3A_95 : memref<1x1x32x128xf32, #tpu.memory_space<hbm>> -> memref<32x128xf32, #tpu.memory_space<hbm>>
    %dma_start3A_97 = arith.constant 0 : i32
    %dma_start3A_98 = arith.constant 0 : i32
    %dma_start3A_99 = tpu.memref_slice %arg7[%dma_start3A_89, %dma_start3A_97, %dma_start3A_98] : memref<21x32x128xf32, #tpu.memory_space<vmem>> -> memref<1x32x128xf32, #tpu.memory_space<vmem>>
    %dma_start3A_100 = tpu.memref_squeeze %dma_start3A_99 : memref<1x32x128xf32, #tpu.memory_space<vmem>> -> memref<32x128xf32, #tpu.memory_space<vmem>>
    %dma_start3A_101 = arith.constant 168 : i32
    %dma_start3A_102 = tpu.memref_slice %arg2[%dma_start3A_87, %dma_start3A_88, %dma_start3A_101, %mul3A_2] : memref<3x7x200x4096xf32, #tpu.memory_space<hbm>> -> memref<1x1x32x128xf32, #tpu.memory_space<hbm>>
    %dma_start3A_103 = tpu.memref_squeeze %dma_start3A_102 : memref<1x1x32x128xf32, #tpu.memory_space<hbm>> -> memref<32x128xf32, #tpu.memory_space<hbm>>
    tpu.enqueue_dma source(%dma_start3A_103 : memref<32x128xf32, #tpu.memory_space<hbm>>) target(%dma_start3A_100 : memref<32x128xf32, #tpu.memory_space<vmem>>) target_semaphore(%arg12 : memref<!tpu.dma_semaphore, #tpu.memory_space<semaphore_mem>>)
    %dma_start3A_104 = arith.constant 0 : i32
    %dma_start3A_105 = arith.constant 6 : i32
    %dma_start3A_106 = arith.constant 6 : i32
    %dma_start3A_107 = arith.constant 0 : i32
    %dma_start3A_108 = arith.constant 0 : i32
    %dma_start3A_109 = tpu.memref_slice %arg7[%dma_start3A_106, %dma_start3A_107, %dma_start3A_108] : memref<21x32x128xf32, #tpu.memory_space<vmem>> -> memref<1x32x128xf32, #tpu.memory_space<vmem>>
    %dma_start3A_110 = tpu.memref_squeeze %dma_start3A_109 : memref<1x32x128xf32, #tpu.memory_space<vmem>> -> memref<32x128xf32, #tpu.memory_space<vmem>>
    %dma_start3A_111 = arith.constant 168 : i32
    %dma_start3A_112 = tpu.memref_slice %arg2[%dma_start3A_104, %dma_start3A_105, %dma_start3A_111, %mul3A_2] : memref<3x7x200x4096xf32, #tpu.memory_space<hbm>> -> memref<1x1x32x128xf32, #tpu.memory_space<hbm>>
    %dma_start3A_113 = tpu.memref_squeeze %dma_start3A_112 : memref<1x1x32x128xf32, #tpu.memory_space<hbm>> -> memref<32x128xf32, #tpu.memory_space<hbm>>
    %dma_start3A_114 = arith.constant 0 : i32
    %dma_start3A_115 = arith.constant 0 : i32
    %dma_start3A_116 = tpu.memref_slice %arg7[%dma_start3A_106, %dma_start3A_114, %dma_start3A_115] : memref<21x32x128xf32, #tpu.memory_space<vmem>> -> memref<1x32x128xf32, #tpu.memory_space<vmem>>
    %dma_start3A_117 = tpu.memref_squeeze %dma_start3A_116 : memref<1x32x128xf32, #tpu.memory_space<vmem>> -> memref<32x128xf32, #tpu.memory_space<vmem>>
    %dma_start3A_118 = arith.constant 168 : i32
    %dma_start3A_119 = tpu.memref_slice %arg2[%dma_start3A_104, %dma_start3A_105, %dma_start3A_118, %mul3A_2] : memref<3x7x200x4096xf32, #tpu.memory_space<hbm>> -> memref<1x1x32x128xf32, #tpu.memory_space<hbm>>
    %dma_start3A_120 = tpu.memref_squeeze %dma_start3A_119 : memref<1x1x32x128xf32, #tpu.memory_space<hbm>> -> memref<32x128xf32, #tpu.memory_space<hbm>>
    tpu.enqueue_dma source(%dma_start3A_120 : memref<32x128xf32, #tpu.memory_space<hbm>>) target(%dma_start3A_117 : memref<32x128xf32, #tpu.memory_space<vmem>>) target_semaphore(%arg12 : memref<!tpu.dma_semaphore, #tpu.memory_space<semaphore_mem>>)
    %dma_start3A_121 = arith.constant 0 : i32
    %dma_start3A_122 = arith.constant 0 : i32
    %dma_start3A_123 = arith.constant 0 : i32
    %dma_start3A_124 = arith.constant 0 : i32
    %dma_start3A_125 = tpu.memref_slice %arg8[%dma_start3A_122, %dma_start3A_123, %dma_start3A_124] : memref<3x32x128xi32, #tpu.memory_space<vmem>> -> memref<1x32x128xi32, #tpu.memory_space<vmem>>
    %dma_start3A_126 = tpu.memref_squeeze %dma_start3A_125 : memref<1x32x128xi32, #tpu.memory_space<vmem>> -> memref<32x128xi32, #tpu.memory_space<vmem>>
    %dma_start3A_127 = arith.constant 168 : i32
    %dma_start3A_128 = tpu.memref_slice %arg3[%dma_start3A_121, %dma_start3A_127, %mul3A_2] : memref<3x200x4096xi32, #tpu.memory_space<hbm>> -> memref<1x32x128xi32, #tpu.memory_space<hbm>>
    %dma_start3A_129 = tpu.memref_squeeze %dma_start3A_128 : memref<1x32x128xi32, #tpu.memory_space<hbm>> -> memref<32x128xi32, #tpu.memory_space<hbm>>
    %dma_start3A_130 = arith.constant 0 : i32
    %dma_start3A_131 = arith.constant 0 : i32
    %dma_start3A_132 = tpu.memref_slice %arg8[%dma_start3A_122, %dma_start3A_130, %dma_start3A_131] : memref<3x32x128xi32, #tpu.memory_space<vmem>> -> memref<1x32x128xi32, #tpu.memory_space<vmem>>
    %dma_start3A_133 = tpu.memref_squeeze %dma_start3A_132 : memref<1x32x128xi32, #tpu.memory_space<vmem>> -> memref<32x128xi32, #tpu.memory_space<vmem>>
    %dma_start3A_134 = arith.constant 168 : i32
    %dma_start3A_135 = tpu.memref_slice %arg3[%dma_start3A_121, %dma_start3A_134, %mul3A_2] : memref<3x200x4096xi32, #tpu.memory_space<hbm>> -> memref<1x32x128xi32, #tpu.memory_space<hbm>>
    %dma_start3A_136 = tpu.memref_squeeze %dma_start3A_135 : memref<1x32x128xi32, #tpu.memory_space<hbm>> -> memref<32x128xi32, #tpu.memory_space<hbm>>
    tpu.enqueue_dma source(%dma_start3A_136 : memref<32x128xi32, #tpu.memory_space<hbm>>) target(%dma_start3A_133 : memref<32x128xi32, #tpu.memory_space<vmem>>) target_semaphore(%arg12 : memref<!tpu.dma_semaphore, #tpu.memory_space<semaphore_mem>>)
    %dma_start3A_137 = arith.constant 0 : i32
    %dma_start3A_138 = arith.constant 0 : i32
    %dma_start3A_139 = arith.constant 0 : i32
    %dma_start3A_140 = arith.constant 0 : i32
    %dma_start3A_141 = tpu.memref_slice %arg9[%dma_start3A_138, %dma_start3A_139, %dma_start3A_140] : memref<3x32x128xf32, #tpu.memory_space<vmem>> -> memref<1x32x128xf32, #tpu.memory_space<vmem>>
    %dma_start3A_142 = tpu.memref_squeeze %dma_start3A_141 : memref<1x32x128xf32, #tpu.memory_space<vmem>> -> memref<32x128xf32, #tpu.memory_space<vmem>>
    %dma_start3A_143 = arith.constant 168 : i32
    %dma_start3A_144 = tpu.memref_slice %arg5[%dma_start3A_137, %dma_start3A_143, %mul3A_2] : memref<3x200x4096xf32, #tpu.memory_space<hbm>> -> memref<1x32x128xf32, #tpu.memory_space<hbm>>
    %dma_start3A_145 = tpu.memref_squeeze %dma_start3A_144 : memref<1x32x128xf32, #tpu.memory_space<hbm>> -> memref<32x128xf32, #tpu.memory_space<hbm>>
    %dma_start3A_146 = arith.constant 0 : i32
    %dma_start3A_147 = arith.constant 0 : i32
    %dma_start3A_148 = tpu.memref_slice %arg9[%dma_start3A_138, %dma_start3A_146, %dma_start3A_147] : memref<3x32x128xf32, #tpu.memory_space<vmem>> -> memref<1x32x128xf32, #tpu.memory_space<vmem>>
    %dma_start3A_149 = tpu.memref_squeeze %dma_start3A_148 : memref<1x32x128xf32, #tpu.memory_space<vmem>> -> memref<32x128xf32, #tpu.memory_space<vmem>>
    %dma_start3A_150 = arith.constant 168 : i32
    %dma_start3A_151 = tpu.memref_slice %arg5[%dma_start3A_137, %dma_start3A_150, %mul3A_2] : memref<3x200x4096xf32, #tpu.memory_space<hbm>> -> memref<1x32x128xf32, #tpu.memory_space<hbm>>
    %dma_start3A_152 = tpu.memref_squeeze %dma_start3A_151 : memref<1x32x128xf32, #tpu.memory_space<hbm>> -> memref<32x128xf32, #tpu.memory_space<hbm>>
    tpu.enqueue_dma source(%dma_start3A_152 : memref<32x128xf32, #tpu.memory_space<hbm>>) target(%dma_start3A_149 : memref<32x128xf32, #tpu.memory_space<vmem>>) target_semaphore(%arg12 : memref<!tpu.dma_semaphore, #tpu.memory_space<semaphore_mem>>)
    %dma_start3A_153 = arith.constant 1 : i32
    %dma_start3A_154 = arith.constant 0 : i32
    %dma_start3A_155 = arith.constant 7 : i32
    %dma_start3A_156 = arith.constant 0 : i32
    %dma_start3A_157 = arith.constant 0 : i32
    %dma_start3A_158 = tpu.memref_slice %arg7[%dma_start3A_155, %dma_start3A_156, %dma_start3A_157] : memref<21x32x128xf32, #tpu.memory_space<vmem>> -> memref<1x32x128xf32, #tpu.memory_space<vmem>>
    %dma_start3A_159 = tpu.memref_squeeze %dma_start3A_158 : memref<1x32x128xf32, #tpu.memory_space<vmem>> -> memref<32x128xf32, #tpu.memory_space<vmem>>
    %dma_start3A_160 = arith.constant 168 : i32
    %dma_start3A_161 = tpu.memref_slice %arg2[%dma_start3A_153, %dma_start3A_154, %dma_start3A_160, %mul3A_2] : memref<3x7x200x4096xf32, #tpu.memory_space<hbm>> -> memref<1x1x32x128xf32, #tpu.memory_space<hbm>>
    %dma_start3A_162 = tpu.memref_squeeze %dma_start3A_161 : memref<1x1x32x128xf32, #tpu.memory_space<hbm>> -> memref<32x128xf32, #tpu.memory_space<hbm>>
    %dma_start3A_163 = arith.constant 0 : i32
    %dma_start3A_164 = arith.constant 0 : i32
    %dma_start3A_165 = tpu.memref_slice %arg7[%dma_start3A_155, %dma_start3A_163, %dma_start3A_164] : memref<21x32x128xf32, #tpu.memory_space<vmem>> -> memref<1x32x128xf32, #tpu.memory_space<vmem>>
    %dma_start3A_166 = tpu.memref_squeeze %dma_start3A_165 : memref<1x32x128xf32, #tpu.memory_space<vmem>> -> memref<32x128xf32, #tpu.memory_space<vmem>>
    %dma_start3A_167 = arith.constant 168 : i32
    %dma_start3A_168 = tpu.memref_slice %arg2[%dma_start3A_153, %dma_start3A_154, %dma_start3A_167, %mul3A_2] : memref<3x7x200x4096xf32, #tpu.memory_space<hbm>> -> memref<1x1x32x128xf32, #tpu.memory_space<hbm>>
    %dma_start3A_169 = tpu.memref_squeeze %dma_start3A_168 : memref<1x1x32x128xf32, #tpu.memory_space<hbm>> -> memref<32x128xf32, #tpu.memory_space<hbm>>
    tpu.enqueue_dma source(%dma_start3A_169 : memref<32x128xf32, #tpu.memory_space<hbm>>) target(%dma_start3A_166 : memref<32x128xf32, #tpu.memory_space<vmem>>) target_semaphore(%arg12 : memref<!tpu.dma_semaphore, #tpu.memory_space<semaphore_mem>>)
    %dma_start3A_170 = arith.constant 1 : i32
    %dma_start3A_171 = arith.constant 1 : i32
    %dma_start3A_172 = arith.constant 8 : i32
    %dma_start3A_173 = arith.constant 0 : i32
    %dma_start3A_174 = arith.constant 0 : i32
    %dma_start3A_175 = tpu.memref_slice %arg7[%dma_start3A_172, %dma_start3A_173, %dma_start3A_174] : memref<21x32x128xf32, #tpu.memory_space<vmem>> -> memref<1x32x128xf32, #tpu.memory_space<vmem>>
    %dma_start3A_176 = tpu.memref_squeeze %dma_start3A_175 : memref<1x32x128xf32, #tpu.memory_space<vmem>> -> memref<32x128xf32, #tpu.memory_space<vmem>>
    %dma_start3A_177 = arith.constant 168 : i32
    %dma_start3A_178 = tpu.memref_slice %arg2[%dma_start3A_170, %dma_start3A_171, %dma_start3A_177, %mul3A_2] : memref<3x7x200x4096xf32, #tpu.memory_space<hbm>> -> memref<1x1x32x128xf32, #tpu.memory_space<hbm>>
    %dma_start3A_179 = tpu.memref_squeeze %dma_start3A_178 : memref<1x1x32x128xf32, #tpu.memory_space<hbm>> -> memref<32x128xf32, #tpu.memory_space<hbm>>
    %dma_start3A_180 = arith.constant 0 : i32
    %dma_start3A_181 = arith.constant 0 : i32
    %dma_start3A_182 = tpu.memref_slice %arg7[%dma_start3A_172, %dma_start3A_180, %dma_start3A_181] : memref<21x32x128xf32, #tpu.memory_space<vmem>> -> memref<1x32x128xf32, #tpu.memory_space<vmem>>
    %dma_start3A_183 = tpu.memref_squeeze %dma_start3A_182 : memref<1x32x128xf32, #tpu.memory_space<vmem>> -> memref<32x128xf32, #tpu.memory_space<vmem>>
    %dma_start3A_184 = arith.constant 168 : i32
    %dma_start3A_185 = tpu.memref_slice %arg2[%dma_start3A_170, %dma_start3A_171, %dma_start3A_184, %mul3A_2] : memref<3x7x200x4096xf32, #tpu.memory_space<hbm>> -> memref<1x1x32x128xf32, #tpu.memory_space<hbm>>
    %dma_start3A_186 = tpu.memref_squeeze %dma_start3A_185 : memref<1x1x32x128xf32, #tpu.memory_space<hbm>> -> memref<32x128xf32, #tpu.memory_space<hbm>>
    tpu.enqueue_dma source(%dma_start3A_186 : memref<32x128xf32, #tpu.memory_space<hbm>>) target(%dma_start3A_183 : memref<32x128xf32, #tpu.memory_space<vmem>>) target_semaphore(%arg12 : memref<!tpu.dma_semaphore, #tpu.memory_space<semaphore_mem>>)
    %dma_start3A_187 = arith.constant 1 : i32
    %dma_start3A_188 = arith.constant 2 : i32
    %dma_start3A_189 = arith.constant 9 : i32
    %dma_start3A_190 = arith.constant 0 : i32
    %dma_start3A_191 = arith.constant 0 : i32
    %dma_start3A_192 = tpu.memref_slice %arg7[%dma_start3A_189, %dma_start3A_190, %dma_start3A_191] : memref<21x32x128xf32, #tpu.memory_space<vmem>> -> memref<1x32x128xf32, #tpu.memory_space<vmem>>
    %dma_start3A_193 = tpu.memref_squeeze %dma_start3A_192 : memref<1x32x128xf32, #tpu.memory_space<vmem>> -> memref<32x128xf32, #tpu.memory_space<vmem>>
    %dma_start3A_194 = arith.constant 168 : i32
    %dma_start3A_195 = tpu.memref_slice %arg2[%dma_start3A_187, %dma_start3A_188, %dma_start3A_194, %mul3A_2] : memref<3x7x200x4096xf32, #tpu.memory_space<hbm>> -> memref<1x1x32x128xf32, #tpu.memory_space<hbm>>
    %dma_start3A_196 = tpu.memref_squeeze %dma_start3A_195 : memref<1x1x32x128xf32, #tpu.memory_space<hbm>> -> memref<32x128xf32, #tpu.memory_space<hbm>>
    %dma_start3A_197 = arith.constant 0 : i32
    %dma_start3A_198 = arith.constant 0 : i32
    %dma_start3A_199 = tpu.memref_slice %arg7[%dma_start3A_189, %dma_start3A_197, %dma_start3A_198] : memref<21x32x128xf32, #tpu.memory_space<vmem>> -> memref<1x32x128xf32, #tpu.memory_space<vmem>>
    %dma_start3A_200 = tpu.memref_squeeze %dma_start3A_199 : memref<1x32x128xf32, #tpu.memory_space<vmem>> -> memref<32x128xf32, #tpu.memory_space<vmem>>
    %dma_start3A_201 = arith.constant 168 : i32
    %dma_start3A_202 = tpu.memref_slice %arg2[%dma_start3A_187, %dma_start3A_188, %dma_start3A_201, %mul3A_2] : memref<3x7x200x4096xf32, #tpu.memory_space<hbm>> -> memref<1x1x32x128xf32, #tpu.memory_space<hbm>>
    %dma_start3A_203 = tpu.memref_squeeze %dma_start3A_202 : memref<1x1x32x128xf32, #tpu.memory_space<hbm>> -> memref<32x128xf32, #tpu.memory_space<hbm>>
    tpu.enqueue_dma source(%dma_start3A_203 : memref<32x128xf32, #tpu.memory_space<hbm>>) target(%dma_start3A_200 : memref<32x128xf32, #tpu.memory_space<vmem>>) target_semaphore(%arg12 : memref<!tpu.dma_semaphore, #tpu.memory_space<semaphore_mem>>)
    %dma_start3A_204 = arith.constant 1 : i32
    %dma_start3A_205 = arith.constant 3 : i32
    %dma_start3A_206 = arith.constant 10 : i32
    %dma_start3A_207 = arith.constant 0 : i32
    %dma_start3A_208 = arith.constant 0 : i32
    %dma_start3A_209 = tpu.memref_slice %arg7[%dma_start3A_206, %dma_start3A_207, %dma_start3A_208] : memref<21x32x128xf32, #tpu.memory_space<vmem>> -> memref<1x32x128xf32, #tpu.memory_space<vmem>>
    %dma_start3A_210 = tpu.memref_squeeze %dma_start3A_209 : memref<1x32x128xf32, #tpu.memory_space<vmem>> -> memref<32x128xf32, #tpu.memory_space<vmem>>
    %dma_start3A_211 = arith.constant 168 : i32
    %dma_start3A_212 = tpu.memref_slice %arg2[%dma_start3A_204, %dma_start3A_205, %dma_start3A_211, %mul3A_2] : memref<3x7x200x4096xf32, #tpu.memory_space<hbm>> -> memref<1x1x32x128xf32, #tpu.memory_space<hbm>>
    %dma_start3A_213 = tpu.memref_squeeze %dma_start3A_212 : memref<1x1x32x128xf32, #tpu.memory_space<hbm>> -> memref<32x128xf32, #tpu.memory_space<hbm>>
    %dma_start3A_214 = arith.constant 0 : i32
    %dma_start3A_215 = arith.constant 0 : i32
    %dma_start3A_216 = tpu.memref_slice %arg7[%dma_start3A_206, %dma_start3A_214, %dma_start3A_215] : memref<21x32x128xf32, #tpu.memory_space<vmem>> -> memref<1x32x128xf32, #tpu.memory_space<vmem>>
    %dma_start3A_217 = tpu.memref_squeeze %dma_start3A_216 : memref<1x32x128xf32, #tpu.memory_space<vmem>> -> memref<32x128xf32, #tpu.memory_space<vmem>>
    %dma_start3A_218 = arith.constant 168 : i32
    %dma_start3A_219 = tpu.memref_slice %arg2[%dma_start3A_204, %dma_start3A_205, %dma_start3A_218, %mul3A_2] : memref<3x7x200x4096xf32, #tpu.memory_space<hbm>> -> memref<1x1x32x128xf32, #tpu.memory_space<hbm>>
    %dma_start3A_220 = tpu.memref_squeeze %dma_start3A_219 : memref<1x1x32x128xf32, #tpu.memory_space<hbm>> -> memref<32x128xf32, #tpu.memory_space<hbm>>
    tpu.enqueue_dma source(%dma_start3A_220 : memref<32x128xf32, #tpu.memory_space<hbm>>) target(%dma_start3A_217 : memref<32x128xf32, #tpu.memory_space<vmem>>) target_semaphore(%arg12 : memref<!tpu.dma_semaphore, #tpu.memory_space<semaphore_mem>>)
    %dma_start3A_221 = arith.constant 1 : i32
    %dma_start3A_222 = arith.constant 4 : i32
    %dma_start3A_223 = arith.constant 11 : i32
    %dma_start3A_224 = arith.constant 0 : i32
    %dma_start3A_225 = arith.constant 0 : i32
    %dma_start3A_226 = tpu.memref_slice %arg7[%dma_start3A_223, %dma_start3A_224, %dma_start3A_225] : memref<21x32x128xf32, #tpu.memory_space<vmem>> -> memref<1x32x128xf32, #tpu.memory_space<vmem>>
    %dma_start3A_227 = tpu.memref_squeeze %dma_start3A_226 : memref<1x32x128xf32, #tpu.memory_space<vmem>> -> memref<32x128xf32, #tpu.memory_space<vmem>>
    %dma_start3A_228 = arith.constant 168 : i32
    %dma_start3A_229 = tpu.memref_slice %arg2[%dma_start3A_221, %dma_start3A_222, %dma_start3A_228, %mul3A_2] : memref<3x7x200x4096xf32, #tpu.memory_space<hbm>> -> memref<1x1x32x128xf32, #tpu.memory_space<hbm>>
    %dma_start3A_230 = tpu.memref_squeeze %dma_start3A_229 : memref<1x1x32x128xf32, #tpu.memory_space<hbm>> -> memref<32x128xf32, #tpu.memory_space<hbm>>
    %dma_start3A_231 = arith.constant 0 : i32
    %dma_start3A_232 = arith.constant 0 : i32
    %dma_start3A_233 = tpu.memref_slice %arg7[%dma_start3A_223, %dma_start3A_231, %dma_start3A_232] : memref<21x32x128xf32, #tpu.memory_space<vmem>> -> memref<1x32x128xf32, #tpu.memory_space<vmem>>
    %dma_start3A_234 = tpu.memref_squeeze %dma_start3A_233 : memref<1x32x128xf32, #tpu.memory_space<vmem>> -> memref<32x128xf32, #tpu.memory_space<vmem>>
    %dma_start3A_235 = arith.constant 168 : i32
    %dma_start3A_236 = tpu.memref_slice %arg2[%dma_start3A_221, %dma_start3A_222, %dma_start3A_235, %mul3A_2] : memref<3x7x200x4096xf32, #tpu.memory_space<hbm>> -> memref<1x1x32x128xf32, #tpu.memory_space<hbm>>
    %dma_start3A_237 = tpu.memref_squeeze %dma_start3A_236 : memref<1x1x32x128xf32, #tpu.memory_space<hbm>> -> memref<32x128xf32, #tpu.memory_space<hbm>>
    tpu.enqueue_dma source(%dma_start3A_237 : memref<32x128xf32, #tpu.memory_space<hbm>>) target(%dma_start3A_234 : memref<32x128xf32, #tpu.memory_space<vmem>>) target_semaphore(%arg12 : memref<!tpu.dma_semaphore, #tpu.memory_space<semaphore_mem>>)
    %dma_start3A_238 = arith.constant 1 : i32
    %dma_start3A_239 = arith.constant 5 : i32
    %dma_start3A_240 = arith.constant 12 : i32
    %dma_start3A_241 = arith.constant 0 : i32
    %dma_start3A_242 = arith.constant 0 : i32
    %dma_start3A_243 = tpu.memref_slice %arg7[%dma_start3A_240, %dma_start3A_241, %dma_start3A_242] : memref<21x32x128xf32, #tpu.memory_space<vmem>> -> memref<1x32x128xf32, #tpu.memory_space<vmem>>
    %dma_start3A_244 = tpu.memref_squeeze %dma_start3A_243 : memref<1x32x128xf32, #tpu.memory_space<vmem>> -> memref<32x128xf32, #tpu.memory_space<vmem>>
    %dma_start3A_245 = arith.constant 168 : i32
    %dma_start3A_246 = tpu.memref_slice %arg2[%dma_start3A_238, %dma_start3A_239, %dma_start3A_245, %mul3A_2] : memref<3x7x200x4096xf32, #tpu.memory_space<hbm>> -> memref<1x1x32x128xf32, #tpu.memory_space<hbm>>
    %dma_start3A_247 = tpu.memref_squeeze %dma_start3A_246 : memref<1x1x32x128xf32, #tpu.memory_space<hbm>> -> memref<32x128xf32, #tpu.memory_space<hbm>>
    %dma_start3A_248 = arith.constant 0 : i32
    %dma_start3A_249 = arith.constant 0 : i32
    %dma_start3A_250 = tpu.memref_slice %arg7[%dma_start3A_240, %dma_start3A_248, %dma_start3A_249] : memref<21x32x128xf32, #tpu.memory_space<vmem>> -> memref<1x32x128xf32, #tpu.memory_space<vmem>>
    %dma_start3A_251 = tpu.memref_squeeze %dma_start3A_250 : memref<1x32x128xf32, #tpu.memory_space<vmem>> -> memref<32x128xf32, #tpu.memory_space<vmem>>
    %dma_start3A_252 = arith.constant 168 : i32
    %dma_start3A_253 = tpu.memref_slice %arg2[%dma_start3A_238, %dma_start3A_239, %dma_start3A_252, %mul3A_2] : memref<3x7x200x4096xf32, #tpu.memory_space<hbm>> -> memref<1x1x32x128xf32, #tpu.memory_space<hbm>>
    %dma_start3A_254 = tpu.memref_squeeze %dma_start3A_253 : memref<1x1x32x128xf32, #tpu.memory_space<hbm>> -> memref<32x128xf32, #tpu.memory_space<hbm>>
    tpu.enqueue_dma source(%dma_start3A_254 : memref<32x128xf32, #tpu.memory_space<hbm>>) target(%dma_start3A_251 : memref<32x128xf32, #tpu.memory_space<vmem>>) target_semaphore(%arg12 : memref<!tpu.dma_semaphore, #tpu.memory_space<semaphore_mem>>)
    %dma_start3A_255 = arith.constant 1 : i32
    %dma_start3A_256 = arith.constant 6 : i32
    %dma_start3A_257 = arith.constant 13 : i32
    %dma_start3A_258 = arith.constant 0 : i32
    %dma_start3A_259 = arith.constant 0 : i32
    %dma_start3A_260 = tpu.memref_slice %arg7[%dma_start3A_257, %dma_start3A_258, %dma_start3A_259] : memref<21x32x128xf32, #tpu.memory_space<vmem>> -> memref<1x32x128xf32, #tpu.memory_space<vmem>>
    %dma_start3A_261 = tpu.memref_squeeze %dma_start3A_260 : memref<1x32x128xf32, #tpu.memory_space<vmem>> -> memref<32x128xf32, #tpu.memory_space<vmem>>
    %dma_start3A_262 = arith.constant 168 : i32
    %dma_start3A_263 = tpu.memref_slice %arg2[%dma_start3A_255, %dma_start3A_256, %dma_start3A_262, %mul3A_2] : memref<3x7x200x4096xf32, #tpu.memory_space<hbm>> -> memref<1x1x32x128xf32, #tpu.memory_space<hbm>>
    %dma_start3A_264 = tpu.memref_squeeze %dma_start3A_263 : memref<1x1x32x128xf32, #tpu.memory_space<hbm>> -> memref<32x128xf32, #tpu.memory_space<hbm>>
    %dma_start3A_265 = arith.constant 0 : i32
    %dma_start3A_266 = arith.constant 0 : i32
    %dma_start3A_267 = tpu.memref_slice %arg7[%dma_start3A_257, %dma_start3A_265, %dma_start3A_266] : memref<21x32x128xf32, #tpu.memory_space<vmem>> -> memref<1x32x128xf32, #tpu.memory_space<vmem>>
    %dma_start3A_268 = tpu.memref_squeeze %dma_start3A_267 : memref<1x32x128xf32, #tpu.memory_space<vmem>> -> memref<32x128xf32, #tpu.memory_space<vmem>>
    %dma_start3A_269 = arith.constant 168 : i32
    %dma_start3A_270 = tpu.memref_slice %arg2[%dma_start3A_255, %dma_start3A_256, %dma_start3A_269, %mul3A_2] : memref<3x7x200x4096xf32, #tpu.memory_space<hbm>> -> memref<1x1x32x128xf32, #tpu.memory_space<hbm>>
    %dma_start3A_271 = tpu.memref_squeeze %dma_start3A_270 : memref<1x1x32x128xf32, #tpu.memory_space<hbm>> -> memref<32x128xf32, #tpu.memory_space<hbm>>
    tpu.enqueue_dma source(%dma_start3A_271 : memref<32x128xf32, #tpu.memory_space<hbm>>) target(%dma_start3A_268 : memref<32x128xf32, #tpu.memory_space<vmem>>) target_semaphore(%arg12 : memref<!tpu.dma_semaphore, #tpu.memory_space<semaphore_mem>>)
    %dma_start3A_272 = arith.constant 1 : i32
    %dma_start3A_273 = arith.constant 1 : i32
    %dma_start3A_274 = arith.constant 0 : i32
    %dma_start3A_275 = arith.constant 0 : i32
    %dma_start3A_276 = tpu.memref_slice %arg8[%dma_start3A_273, %dma_start3A_274, %dma_start3A_275] : memref<3x32x128xi32, #tpu.memory_space<vmem>> -> memref<1x32x128xi32, #tpu.memory_space<vmem>>
    %dma_start3A_277 = tpu.memref_squeeze %dma_start3A_276 : memref<1x32x128xi32, #tpu.memory_space<vmem>> -> memref<32x128xi32, #tpu.memory_space<vmem>>
    %dma_start3A_278 = arith.constant 168 : i32
    %dma_start3A_279 = tpu.memref_slice %arg3[%dma_start3A_272, %dma_start3A_278, %mul3A_2] : memref<3x200x4096xi32, #tpu.memory_space<hbm>> -> memref<1x32x128xi32, #tpu.memory_space<hbm>>
    %dma_start3A_280 = tpu.memref_squeeze %dma_start3A_279 : memref<1x32x128xi32, #tpu.memory_space<hbm>> -> memref<32x128xi32, #tpu.memory_space<hbm>>
    %dma_start3A_281 = arith.constant 0 : i32
    %dma_start3A_282 = arith.constant 0 : i32
    %dma_start3A_283 = tpu.memref_slice %arg8[%dma_start3A_273, %dma_start3A_281, %dma_start3A_282] : memref<3x32x128xi32, #tpu.memory_space<vmem>> -> memref<1x32x128xi32, #tpu.memory_space<vmem>>
    %dma_start3A_284 = tpu.memref_squeeze %dma_start3A_283 : memref<1x32x128xi32, #tpu.memory_space<vmem>> -> memref<32x128xi32, #tpu.memory_space<vmem>>
    %dma_start3A_285 = arith.constant 168 : i32
    %dma_start3A_286 = tpu.memref_slice %arg3[%dma_start3A_272, %dma_start3A_285, %mul3A_2] : memref<3x200x4096xi32, #tpu.memory_space<hbm>> -> memref<1x32x128xi32, #tpu.memory_space<hbm>>
    %dma_start3A_287 = tpu.memref_squeeze %dma_start3A_286 : memref<1x32x128xi32, #tpu.memory_space<hbm>> -> memref<32x128xi32, #tpu.memory_space<hbm>>
    tpu.enqueue_dma source(%dma_start3A_287 : memref<32x128xi32, #tpu.memory_space<hbm>>) target(%dma_start3A_284 : memref<32x128xi32, #tpu.memory_space<vmem>>) target_semaphore(%arg12 : memref<!tpu.dma_semaphore, #tpu.memory_space<semaphore_mem>>)
    %dma_start3A_288 = arith.constant 1 : i32
    %dma_start3A_289 = arith.constant 1 : i32
    %dma_start3A_290 = arith.constant 0 : i32
    %dma_start3A_291 = arith.constant 0 : i32
    %dma_start3A_292 = tpu.memref_slice %arg9[%dma_start3A_289, %dma_start3A_290, %dma_start3A_291] : memref<3x32x128xf32, #tpu.memory_space<vmem>> -> memref<1x32x128xf32, #tpu.memory_space<vmem>>
    %dma_start3A_293 = tpu.memref_squeeze %dma_start3A_292 : memref<1x32x128xf32, #tpu.memory_space<vmem>> -> memref<32x128xf32, #tpu.memory_space<vmem>>
    %dma_start3A_294 = arith.constant 168 : i32
    %dma_start3A_295 = tpu.memref_slice %arg5[%dma_start3A_288, %dma_start3A_294, %mul3A_2] : memref<3x200x4096xf32, #tpu.memory_space<hbm>> -> memref<1x32x128xf32, #tpu.memory_space<hbm>>
    %dma_start3A_296 = tpu.memref_squeeze %dma_start3A_295 : memref<1x32x128xf32, #tpu.memory_space<hbm>> -> memref<32x128xf32, #tpu.memory_space<hbm>>
    %dma_start3A_297 = arith.constant 0 : i32
    %dma_start3A_298 = arith.constant 0 : i32
    %dma_start3A_299 = tpu.memref_slice %arg9[%dma_start3A_289, %dma_start3A_297, %dma_start3A_298] : memref<3x32x128xf32, #tpu.memory_space<vmem>> -> memref<1x32x128xf32, #tpu.memory_space<vmem>>
    %dma_start3A_300 = tpu.memref_squeeze %dma_start3A_299 : memref<1x32x128xf32, #tpu.memory_space<vmem>> -> memref<32x128xf32, #tpu.memory_space<vmem>>
    %dma_start3A_301 = arith.constant 168 : i32
    %dma_start3A_302 = tpu.memref_slice %arg5[%dma_start3A_288, %dma_start3A_301, %mul3A_2] : memref<3x200x4096xf32, #tpu.memory_space<hbm>> -> memref<1x32x128xf32, #tpu.memory_space<hbm>>
    %dma_start3A_303 = tpu.memref_squeeze %dma_start3A_302 : memref<1x32x128xf32, #tpu.memory_space<hbm>> -> memref<32x128xf32, #tpu.memory_space<hbm>>
    tpu.enqueue_dma source(%dma_start3A_303 : memref<32x128xf32, #tpu.memory_space<hbm>>) target(%dma_start3A_300 : memref<32x128xf32, #tpu.memory_space<vmem>>) target_semaphore(%arg12 : memref<!tpu.dma_semaphore, #tpu.memory_space<semaphore_mem>>)
    %dma_start3A_304 = arith.constant 2 : i32
    %dma_start3A_305 = arith.constant 0 : i32
    %dma_start3A_306 = arith.constant 14 : i32
    %dma_start3A_307 = arith.constant 0 : i32
    %dma_start3A_308 = arith.constant 0 : i32
    %dma_start3A_309 = tpu.memref_slice %arg7[%dma_start3A_306, %dma_start3A_307, %dma_start3A_308] : memref<21x32x128xf32, #tpu.memory_space<vmem>> -> memref<1x32x128xf32, #tpu.memory_space<vmem>>
    %dma_start3A_310 = tpu.memref_squeeze %dma_start3A_309 : memref<1x32x128xf32, #tpu.memory_space<vmem>> -> memref<32x128xf32, #tpu.memory_space<vmem>>
    %dma_start3A_311 = arith.constant 168 : i32
    %dma_start3A_312 = tpu.memref_slice %arg2[%dma_start3A_304, %dma_start3A_305, %dma_start3A_311, %mul3A_2] : memref<3x7x200x4096xf32, #tpu.memory_space<hbm>> -> memref<1x1x32x128xf32, #tpu.memory_space<hbm>>
    %dma_start3A_313 = tpu.memref_squeeze %dma_start3A_312 : memref<1x1x32x128xf32, #tpu.memory_space<hbm>> -> memref<32x128xf32, #tpu.memory_space<hbm>>
    %dma_start3A_314 = arith.constant 0 : i32
    %dma_start3A_315 = arith.constant 0 : i32
    %dma_start3A_316 = tpu.memref_slice %arg7[%dma_start3A_306, %dma_start3A_314, %dma_start3A_315] : memref<21x32x128xf32, #tpu.memory_space<vmem>> -> memref<1x32x128xf32, #tpu.memory_space<vmem>>
    %dma_start3A_317 = tpu.memref_squeeze %dma_start3A_316 : memref<1x32x128xf32, #tpu.memory_space<vmem>> -> memref<32x128xf32, #tpu.memory_space<vmem>>
    %dma_start3A_318 = arith.constant 168 : i32
    %dma_start3A_319 = tpu.memref_slice %arg2[%dma_start3A_304, %dma_start3A_305, %dma_start3A_318, %mul3A_2] : memref<3x7x200x4096xf32, #tpu.memory_space<hbm>> -> memref<1x1x32x128xf32, #tpu.memory_space<hbm>>
    %dma_start3A_320 = tpu.memref_squeeze %dma_start3A_319 : memref<1x1x32x128xf32, #tpu.memory_space<hbm>> -> memref<32x128xf32, #tpu.memory_space<hbm>>
    tpu.enqueue_dma source(%dma_start3A_320 : memref<32x128xf32, #tpu.memory_space<hbm>>) target(%dma_start3A_317 : memref<32x128xf32, #tpu.memory_space<vmem>>) target_semaphore(%arg12 : memref<!tpu.dma_semaphore, #tpu.memory_space<semaphore_mem>>)
    %dma_start3A_321 = arith.constant 2 : i32
    %dma_start3A_322 = arith.constant 1 : i32
    %dma_start3A_323 = arith.constant 15 : i32
    %dma_start3A_324 = arith.constant 0 : i32
    %dma_start3A_325 = arith.constant 0 : i32
    %dma_start3A_326 = tpu.memref_slice %arg7[%dma_start3A_323, %dma_start3A_324, %dma_start3A_325] : memref<21x32x128xf32, #tpu.memory_space<vmem>> -> memref<1x32x128xf32, #tpu.memory_space<vmem>>
    %dma_start3A_327 = tpu.memref_squeeze %dma_start3A_326 : memref<1x32x128xf32, #tpu.memory_space<vmem>> -> memref<32x128xf32, #tpu.memory_space<vmem>>
    %dma_start3A_328 = arith.constant 168 : i32
    %dma_start3A_329 = tpu.memref_slice %arg2[%dma_start3A_321, %dma_start3A_322, %dma_start3A_328, %mul3A_2] : memref<3x7x200x4096xf32, #tpu.memory_space<hbm>> -> memref<1x1x32x128xf32, #tpu.memory_space<hbm>>
    %dma_start3A_330 = tpu.memref_squeeze %dma_start3A_329 : memref<1x1x32x128xf32, #tpu.memory_space<hbm>> -> memref<32x128xf32, #tpu.memory_space<hbm>>
    %dma_start3A_331 = arith.constant 0 : i32
    %dma_start3A_332 = arith.constant 0 : i32
    %dma_start3A_333 = tpu.memref_slice %arg7[%dma_start3A_323, %dma_start3A_331, %dma_start3A_332] : memref<21x32x128xf32, #tpu.memory_space<vmem>> -> memref<1x32x128xf32, #tpu.memory_space<vmem>>
    %dma_start3A_334 = tpu.memref_squeeze %dma_start3A_333 : memref<1x32x128xf32, #tpu.memory_space<vmem>> -> memref<32x128xf32, #tpu.memory_space<vmem>>
    %dma_start3A_335 = arith.constant 168 : i32
    %dma_start3A_336 = tpu.memref_slice %arg2[%dma_start3A_321, %dma_start3A_322, %dma_start3A_335, %mul3A_2] : memref<3x7x200x4096xf32, #tpu.memory_space<hbm>> -> memref<1x1x32x128xf32, #tpu.memory_space<hbm>>
    %dma_start3A_337 = tpu.memref_squeeze %dma_start3A_336 : memref<1x1x32x128xf32, #tpu.memory_space<hbm>> -> memref<32x128xf32, #tpu.memory_space<hbm>>
    tpu.enqueue_dma source(%dma_start3A_337 : memref<32x128xf32, #tpu.memory_space<hbm>>) target(%dma_start3A_334 : memref<32x128xf32, #tpu.memory_space<vmem>>) target_semaphore(%arg12 : memref<!tpu.dma_semaphore, #tpu.memory_space<semaphore_mem>>)
    %dma_start3A_338 = arith.constant 2 : i32
    %dma_start3A_339 = arith.constant 2 : i32
    %dma_start3A_340 = arith.constant 16 : i32
    %dma_start3A_341 = arith.constant 0 : i32
    %dma_start3A_342 = arith.constant 0 : i32
    %dma_start3A_343 = tpu.memref_slice %arg7[%dma_start3A_340, %dma_start3A_341, %dma_start3A_342] : memref<21x32x128xf32, #tpu.memory_space<vmem>> -> memref<1x32x128xf32, #tpu.memory_space<vmem>>
    %dma_start3A_344 = tpu.memref_squeeze %dma_start3A_343 : memref<1x32x128xf32, #tpu.memory_space<vmem>> -> memref<32x128xf32, #tpu.memory_space<vmem>>
    %dma_start3A_345 = arith.constant 168 : i32
    %dma_start3A_346 = tpu.memref_slice %arg2[%dma_start3A_338, %dma_start3A_339, %dma_start3A_345, %mul3A_2] : memref<3x7x200x4096xf32, #tpu.memory_space<hbm>> -> memref<1x1x32x128xf32, #tpu.memory_space<hbm>>
    %dma_start3A_347 = tpu.memref_squeeze %dma_start3A_346 : memref<1x1x32x128xf32, #tpu.memory_space<hbm>> -> memref<32x128xf32, #tpu.memory_space<hbm>>
    %dma_start3A_348 = arith.constant 0 : i32
    %dma_start3A_349 = arith.constant 0 : i32
    %dma_start3A_350 = tpu.memref_slice %arg7[%dma_start3A_340, %dma_start3A_348, %dma_start3A_349] : memref<21x32x128xf32, #tpu.memory_space<vmem>> -> memref<1x32x128xf32, #tpu.memory_space<vmem>>
    %dma_start3A_351 = tpu.memref_squeeze %dma_start3A_350 : memref<1x32x128xf32, #tpu.memory_space<vmem>> -> memref<32x128xf32, #tpu.memory_space<vmem>>
    %dma_start3A_352 = arith.constant 168 : i32
    %dma_start3A_353 = tpu.memref_slice %arg2[%dma_start3A_338, %dma_start3A_339, %dma_start3A_352, %mul3A_2] : memref<3x7x200x4096xf32, #tpu.memory_space<hbm>> -> memref<1x1x32x128xf32, #tpu.memory_space<hbm>>
    %dma_start3A_354 = tpu.memref_squeeze %dma_start3A_353 : memref<1x1x32x128xf32, #tpu.memory_space<hbm>> -> memref<32x128xf32, #tpu.memory_space<hbm>>
    tpu.enqueue_dma source(%dma_start3A_354 : memref<32x128xf32, #tpu.memory_space<hbm>>) target(%dma_start3A_351 : memref<32x128xf32, #tpu.memory_space<vmem>>) target_semaphore(%arg12 : memref<!tpu.dma_semaphore, #tpu.memory_space<semaphore_mem>>)
    %dma_start3A_355 = arith.constant 2 : i32
    %dma_start3A_356 = arith.constant 3 : i32
    %dma_start3A_357 = arith.constant 17 : i32
    %dma_start3A_358 = arith.constant 0 : i32
    %dma_start3A_359 = arith.constant 0 : i32
    %dma_start3A_360 = tpu.memref_slice %arg7[%dma_start3A_357, %dma_start3A_358, %dma_start3A_359] : memref<21x32x128xf32, #tpu.memory_space<vmem>> -> memref<1x32x128xf32, #tpu.memory_space<vmem>>
    %dma_start3A_361 = tpu.memref_squeeze %dma_start3A_360 : memref<1x32x128xf32, #tpu.memory_space<vmem>> -> memref<32x128xf32, #tpu.memory_space<vmem>>
    %dma_start3A_362 = arith.constant 168 : i32
    %dma_start3A_363 = tpu.memref_slice %arg2[%dma_start3A_355, %dma_start3A_356, %dma_start3A_362, %mul3A_2] : memref<3x7x200x4096xf32, #tpu.memory_space<hbm>> -> memref<1x1x32x128xf32, #tpu.memory_space<hbm>>
    %dma_start3A_364 = tpu.memref_squeeze %dma_start3A_363 : memref<1x1x32x128xf32, #tpu.memory_space<hbm>> -> memref<32x128xf32, #tpu.memory_space<hbm>>
    %dma_start3A_365 = arith.constant 0 : i32
    %dma_start3A_366 = arith.constant 0 : i32
    %dma_start3A_367 = tpu.memref_slice %arg7[%dma_start3A_357, %dma_start3A_365, %dma_start3A_366] : memref<21x32x128xf32, #tpu.memory_space<vmem>> -> memref<1x32x128xf32, #tpu.memory_space<vmem>>
    %dma_start3A_368 = tpu.memref_squeeze %dma_start3A_367 : memref<1x32x128xf32, #tpu.memory_space<vmem>> -> memref<32x128xf32, #tpu.memory_space<vmem>>
    %dma_start3A_369 = arith.constant 168 : i32
    %dma_start3A_370 = tpu.memref_slice %arg2[%dma_start3A_355, %dma_start3A_356, %dma_start3A_369, %mul3A_2] : memref<3x7x200x4096xf32, #tpu.memory_space<hbm>> -> memref<1x1x32x128xf32, #tpu.memory_space<hbm>>
    %dma_start3A_371 = tpu.memref_squeeze %dma_start3A_370 : memref<1x1x32x128xf32, #tpu.memory_space<hbm>> -> memref<32x128xf32, #tpu.memory_space<hbm>>
    tpu.enqueue_dma source(%dma_start3A_371 : memref<32x128xf32, #tpu.memory_space<hbm>>) target(%dma_start3A_368 : memref<32x128xf32, #tpu.memory_space<vmem>>) target_semaphore(%arg12 : memref<!tpu.dma_semaphore, #tpu.memory_space<semaphore_mem>>)
    %dma_start3A_372 = arith.constant 2 : i32
    %dma_start3A_373 = arith.constant 4 : i32
    %dma_start3A_374 = arith.constant 18 : i32
    %dma_start3A_375 = arith.constant 0 : i32
    %dma_start3A_376 = arith.constant 0 : i32
    %dma_start3A_377 = tpu.memref_slice %arg7[%dma_start3A_374, %dma_start3A_375, %dma_start3A_376] : memref<21x32x128xf32, #tpu.memory_space<vmem>> -> memref<1x32x128xf32, #tpu.memory_space<vmem>>
    %dma_start3A_378 = tpu.memref_squeeze %dma_start3A_377 : memref<1x32x128xf32, #tpu.memory_space<vmem>> -> memref<32x128xf32, #tpu.memory_space<vmem>>
    %dma_start3A_379 = arith.constant 168 : i32
    %dma_start3A_380 = tpu.memref_slice %arg2[%dma_start3A_372, %dma_start3A_373, %dma_start3A_379, %mul3A_2] : memref<3x7x200x4096xf32, #tpu.memory_space<hbm>> -> memref<1x1x32x128xf32, #tpu.memory_space<hbm>>
    %dma_start3A_381 = tpu.memref_squeeze %dma_start3A_380 : memref<1x1x32x128xf32, #tpu.memory_space<hbm>> -> memref<32x128xf32, #tpu.memory_space<hbm>>
    %dma_start3A_382 = arith.constant 0 : i32
    %dma_start3A_383 = arith.constant 0 : i32
    %dma_start3A_384 = tpu.memref_slice %arg7[%dma_start3A_374, %dma_start3A_382, %dma_start3A_383] : memref<21x32x128xf32, #tpu.memory_space<vmem>> -> memref<1x32x128xf32, #tpu.memory_space<vmem>>
    %dma_start3A_385 = tpu.memref_squeeze %dma_start3A_384 : memref<1x32x128xf32, #tpu.memory_space<vmem>> -> memref<32x128xf32, #tpu.memory_space<vmem>>
    %dma_start3A_386 = arith.constant 168 : i32
    %dma_start3A_387 = tpu.memref_slice %arg2[%dma_start3A_372, %dma_start3A_373, %dma_start3A_386, %mul3A_2] : memref<3x7x200x4096xf32, #tpu.memory_space<hbm>> -> memref<1x1x32x128xf32, #tpu.memory_space<hbm>>
    %dma_start3A_388 = tpu.memref_squeeze %dma_start3A_387 : memref<1x1x32x128xf32, #tpu.memory_space<hbm>> -> memref<32x128xf32, #tpu.memory_space<hbm>>
    tpu.enqueue_dma source(%dma_start3A_388 : memref<32x128xf32, #tpu.memory_space<hbm>>) target(%dma_start3A_385 : memref<32x128xf32, #tpu.memory_space<vmem>>) target_semaphore(%arg12 : memref<!tpu.dma_semaphore, #tpu.memory_space<semaphore_mem>>)
    %dma_start3A_389 = arith.constant 2 : i32
    %dma_start3A_390 = arith.constant 5 : i32
    %dma_start3A_391 = arith.constant 19 : i32
    %dma_start3A_392 = arith.constant 0 : i32
    %dma_start3A_393 = arith.constant 0 : i32
    %dma_start3A_394 = tpu.memref_slice %arg7[%dma_start3A_391, %dma_start3A_392, %dma_start3A_393] : memref<21x32x128xf32, #tpu.memory_space<vmem>> -> memref<1x32x128xf32, #tpu.memory_space<vmem>>
    %dma_start3A_395 = tpu.memref_squeeze %dma_start3A_394 : memref<1x32x128xf32, #tpu.memory_space<vmem>> -> memref<32x128xf32, #tpu.memory_space<vmem>>
    %dma_start3A_396 = arith.constant 168 : i32
    %dma_start3A_397 = tpu.memref_slice %arg2[%dma_start3A_389, %dma_start3A_390, %dma_start3A_396, %mul3A_2] : memref<3x7x200x4096xf32, #tpu.memory_space<hbm>> -> memref<1x1x32x128xf32, #tpu.memory_space<hbm>>
    %dma_start3A_398 = tpu.memref_squeeze %dma_start3A_397 : memref<1x1x32x128xf32, #tpu.memory_space<hbm>> -> memref<32x128xf32, #tpu.memory_space<hbm>>
    %dma_start3A_399 = arith.constant 0 : i32
    %dma_start3A_400 = arith.constant 0 : i32
    %dma_start3A_401 = tpu.memref_slice %arg7[%dma_start3A_391, %dma_start3A_399, %dma_start3A_400] : memref<21x32x128xf32, #tpu.memory_space<vmem>> -> memref<1x32x128xf32, #tpu.memory_space<vmem>>
    %dma_start3A_402 = tpu.memref_squeeze %dma_start3A_401 : memref<1x32x128xf32, #tpu.memory_space<vmem>> -> memref<32x128xf32, #tpu.memory_space<vmem>>
    %dma_start3A_403 = arith.constant 168 : i32
    %dma_start3A_404 = tpu.memref_slice %arg2[%dma_start3A_389, %dma_start3A_390, %dma_start3A_403, %mul3A_2] : memref<3x7x200x4096xf32, #tpu.memory_space<hbm>> -> memref<1x1x32x128xf32, #tpu.memory_space<hbm>>
    %dma_start3A_405 = tpu.memref_squeeze %dma_start3A_404 : memref<1x1x32x128xf32, #tpu.memory_space<hbm>> -> memref<32x128xf32, #tpu.memory_space<hbm>>
    tpu.enqueue_dma source(%dma_start3A_405 : memref<32x128xf32, #tpu.memory_space<hbm>>) target(%dma_start3A_402 : memref<32x128xf32, #tpu.memory_space<vmem>>) target_semaphore(%arg12 : memref<!tpu.dma_semaphore, #tpu.memory_space<semaphore_mem>>)
    %dma_start3A_406 = arith.constant 2 : i32
    %dma_start3A_407 = arith.constant 6 : i32
    %dma_start3A_408 = arith.constant 20 : i32
    %dma_start3A_409 = arith.constant 0 : i32
    %dma_start3A_410 = arith.constant 0 : i32
    %dma_start3A_411 = tpu.memref_slice %arg7[%dma_start3A_408, %dma_start3A_409, %dma_start3A_410] : memref<21x32x128xf32, #tpu.memory_space<vmem>> -> memref<1x32x128xf32, #tpu.memory_space<vmem>>
    %dma_start3A_412 = tpu.memref_squeeze %dma_start3A_411 : memref<1x32x128xf32, #tpu.memory_space<vmem>> -> memref<32x128xf32, #tpu.memory_space<vmem>>
    %dma_start3A_413 = arith.constant 168 : i32
    %dma_start3A_414 = tpu.memref_slice %arg2[%dma_start3A_406, %dma_start3A_407, %dma_start3A_413, %mul3A_2] : memref<3x7x200x4096xf32, #tpu.memory_space<hbm>> -> memref<1x1x32x128xf32, #tpu.memory_space<hbm>>
    %dma_start3A_415 = tpu.memref_squeeze %dma_start3A_414 : memref<1x1x32x128xf32, #tpu.memory_space<hbm>> -> memref<32x128xf32, #tpu.memory_space<hbm>>
    %dma_start3A_416 = arith.constant 0 : i32
    %dma_start3A_417 = arith.constant 0 : i32
    %dma_start3A_418 = tpu.memref_slice %arg7[%dma_start3A_408, %dma_start3A_416, %dma_start3A_417] : memref<21x32x128xf32, #tpu.memory_space<vmem>> -> memref<1x32x128xf32, #tpu.memory_space<vmem>>
    %dma_start3A_419 = tpu.memref_squeeze %dma_start3A_418 : memref<1x32x128xf32, #tpu.memory_space<vmem>> -> memref<32x128xf32, #tpu.memory_space<vmem>>
    %dma_start3A_420 = arith.constant 168 : i32
    %dma_start3A_421 = tpu.memref_slice %arg2[%dma_start3A_406, %dma_start3A_407, %dma_start3A_420, %mul3A_2] : memref<3x7x200x4096xf32, #tpu.memory_space<hbm>> -> memref<1x1x32x128xf32, #tpu.memory_space<hbm>>
    %dma_start3A_422 = tpu.memref_squeeze %dma_start3A_421 : memref<1x1x32x128xf32, #tpu.memory_space<hbm>> -> memref<32x128xf32, #tpu.memory_space<hbm>>
    tpu.enqueue_dma source(%dma_start3A_422 : memref<32x128xf32, #tpu.memory_space<hbm>>) target(%dma_start3A_419 : memref<32x128xf32, #tpu.memory_space<vmem>>) target_semaphore(%arg12 : memref<!tpu.dma_semaphore, #tpu.memory_space<semaphore_mem>>)
    %dma_start3A_423 = arith.constant 2 : i32
    %dma_start3A_424 = arith.constant 2 : i32
    %dma_start3A_425 = arith.constant 0 : i32
    %dma_start3A_426 = arith.constant 0 : i32
    %dma_start3A_427 = tpu.memref_slice %arg8[%dma_start3A_424, %dma_start3A_425, %dma_start3A_426] : memref<3x32x128xi32, #tpu.memory_space<vmem>> -> memref<1x32x128xi32, #tpu.memory_space<vmem>>
    %dma_start3A_428 = tpu.memref_squeeze %dma_start3A_427 : memref<1x32x128xi32, #tpu.memory_space<vmem>> -> memref<32x128xi32, #tpu.memory_space<vmem>>
    %dma_start3A_429 = arith.constant 168 : i32
    %dma_start3A_430 = tpu.memref_slice %arg3[%dma_start3A_423, %dma_start3A_429, %mul3A_2] : memref<3x200x4096xi32, #tpu.memory_space<hbm>> -> memref<1x32x128xi32, #tpu.memory_space<hbm>>
    %dma_start3A_431 = tpu.memref_squeeze %dma_start3A_430 : memref<1x32x128xi32, #tpu.memory_space<hbm>> -> memref<32x128xi32, #tpu.memory_space<hbm>>
    %dma_start3A_432 = arith.constant 0 : i32
    %dma_start3A_433 = arith.constant 0 : i32
    %dma_start3A_434 = tpu.memref_slice %arg8[%dma_start3A_424, %dma_start3A_432, %dma_start3A_433] : memref<3x32x128xi32, #tpu.memory_space<vmem>> -> memref<1x32x128xi32, #tpu.memory_space<vmem>>
    %dma_start3A_435 = tpu.memref_squeeze %dma_start3A_434 : memref<1x32x128xi32, #tpu.memory_space<vmem>> -> memref<32x128xi32, #tpu.memory_space<vmem>>
    %dma_start3A_436 = arith.constant 168 : i32
    %dma_start3A_437 = tpu.memref_slice %arg3[%dma_start3A_423, %dma_start3A_436, %mul3A_2] : memref<3x200x4096xi32, #tpu.memory_space<hbm>> -> memref<1x32x128xi32, #tpu.memory_space<hbm>>
    %dma_start3A_438 = tpu.memref_squeeze %dma_start3A_437 : memref<1x32x128xi32, #tpu.memory_space<hbm>> -> memref<32x128xi32, #tpu.memory_space<hbm>>
    tpu.enqueue_dma source(%dma_start3A_438 : memref<32x128xi32, #tpu.memory_space<hbm>>) target(%dma_start3A_435 : memref<32x128xi32, #tpu.memory_space<vmem>>) target_semaphore(%arg12 : memref<!tpu.dma_semaphore, #tpu.memory_space<semaphore_mem>>)
    %dma_start3A_439 = arith.constant 2 : i32
    %dma_start3A_440 = arith.constant 2 : i32
    %dma_start3A_441 = arith.constant 0 : i32
    %dma_start3A_442 = arith.constant 0 : i32
    %dma_start3A_443 = tpu.memref_slice %arg9[%dma_start3A_440, %dma_start3A_441, %dma_start3A_442] : memref<3x32x128xf32, #tpu.memory_space<vmem>> -> memref<1x32x128xf32, #tpu.memory_space<vmem>>
    %dma_start3A_444 = tpu.memref_squeeze %dma_start3A_443 : memref<1x32x128xf32, #tpu.memory_space<vmem>> -> memref<32x128xf32, #tpu.memory_space<vmem>>
    %dma_start3A_445 = arith.constant 168 : i32
    %dma_start3A_446 = tpu.memref_slice %arg5[%dma_start3A_439, %dma_start3A_445, %mul3A_2] : memref<3x200x4096xf32, #tpu.memory_space<hbm>> -> memref<1x32x128xf32, #tpu.memory_space<hbm>>
    %dma_start3A_447 = tpu.memref_squeeze %dma_start3A_446 : memref<1x32x128xf32, #tpu.memory_space<hbm>> -> memref<32x128xf32, #tpu.memory_space<hbm>>
    %dma_start3A_448 = arith.constant 0 : i32
    %dma_start3A_449 = arith.constant 0 : i32
    %dma_start3A_450 = tpu.memref_slice %arg9[%dma_start3A_440, %dma_start3A_448, %dma_start3A_449] : memref<3x32x128xf32, #tpu.memory_space<vmem>> -> memref<1x32x128xf32, #tpu.memory_space<vmem>>
    %dma_start3A_451 = tpu.memref_squeeze %dma_start3A_450 : memref<1x32x128xf32, #tpu.memory_space<vmem>> -> memref<32x128xf32, #tpu.memory_space<vmem>>
    %dma_start3A_452 = arith.constant 168 : i32
    %dma_start3A_453 = tpu.memref_slice %arg5[%dma_start3A_439, %dma_start3A_452, %mul3A_2] : memref<3x200x4096xf32, #tpu.memory_space<hbm>> -> memref<1x32x128xf32, #tpu.memory_space<hbm>>
    %dma_start3A_454 = tpu.memref_squeeze %dma_start3A_453 : memref<1x32x128xf32, #tpu.memory_space<hbm>> -> memref<32x128xf32, #tpu.memory_space<hbm>>
    tpu.enqueue_dma source(%dma_start3A_454 : memref<32x128xf32, #tpu.memory_space<hbm>>) target(%dma_start3A_451 : memref<32x128xf32, #tpu.memory_space<vmem>>) target_semaphore(%arg12 : memref<!tpu.dma_semaphore, #tpu.memory_space<semaphore_mem>>)
    %dma_start3A_455 = arith.constant 168 : i32
    %dma_start3A_456 = tpu.memref_slice %arg4[%dma_start3A_455, %mul3A_2] : memref<200x4096xf32, #tpu.memory_space<hbm>> -> memref<32x128xf32, #tpu.memory_space<hbm>>
    %dma_start3A_457 = arith.constant 168 : i32
    %dma_start3A_458 = tpu.memref_slice %arg4[%dma_start3A_457, %mul3A_2] : memref<200x4096xf32, #tpu.memory_space<hbm>> -> memref<32x128xf32, #tpu.memory_space<hbm>>
    tpu.enqueue_dma source(%dma_start3A_458 : memref<32x128xf32, #tpu.memory_space<hbm>>) target(%arg10 : memref<32x128xf32, #tpu.memory_space<vmem>>) target_semaphore(%arg12 : memref<!tpu.dma_semaphore, #tpu.memory_space<semaphore_mem>>)
    %dma_wait3A = arith.constant 0 : i32
    %dma_wait3A_459 = arith.constant 0 : i32
    %dma_wait3A_460 = arith.constant 0 : i32
    %dma_wait3A_461 = arith.constant 0 : i32
    %dma_wait3A_462 = arith.constant 0 : i32
    %dma_wait3A_463 = tpu.memref_slice %arg7[%dma_wait3A_460, %dma_wait3A_461, %dma_wait3A_462] : memref<21x32x128xf32, #tpu.memory_space<vmem>> -> memref<1x32x128xf32, #tpu.memory_space<vmem>>
    %dma_wait3A_464 = tpu.memref_squeeze %dma_wait3A_463 : memref<1x32x128xf32, #tpu.memory_space<vmem>> -> memref<32x128xf32, #tpu.memory_space<vmem>>
    %dma_wait3A_465 = arith.constant 168 : i32
    %dma_wait3A_466 = tpu.memref_slice %arg2[%dma_wait3A, %dma_wait3A_459, %dma_wait3A_465, %mul3A_2] : memref<3x7x200x4096xf32, #tpu.memory_space<hbm>> -> memref<1x1x32x128xf32, #tpu.memory_space<hbm>>
    %dma_wait3A_467 = tpu.memref_squeeze %dma_wait3A_466 : memref<1x1x32x128xf32, #tpu.memory_space<hbm>> -> memref<32x128xf32, #tpu.memory_space<hbm>>
    %dma_wait3A_468 = arith.constant 0 : i32
    %dma_wait3A_469 = arith.constant 0 : i32
    %dma_wait3A_470 = tpu.memref_slice %arg7[%dma_wait3A_460, %dma_wait3A_468, %dma_wait3A_469] : memref<21x32x128xf32, #tpu.memory_space<vmem>> -> memref<1x32x128xf32, #tpu.memory_space<vmem>>
    %dma_wait3A_471 = tpu.memref_squeeze %dma_wait3A_470 : memref<1x32x128xf32, #tpu.memory_space<vmem>> -> memref<32x128xf32, #tpu.memory_space<vmem>>
    %dma_wait3A_472 = arith.constant 168 : i32
    %dma_wait3A_473 = tpu.memref_slice %arg2[%dma_wait3A, %dma_wait3A_459, %dma_wait3A_472, %mul3A_2] : memref<3x7x200x4096xf32, #tpu.memory_space<hbm>> -> memref<1x1x32x128xf32, #tpu.memory_space<hbm>>
    %dma_wait3A_474 = tpu.memref_squeeze %dma_wait3A_473 : memref<1x1x32x128xf32, #tpu.memory_space<hbm>> -> memref<32x128xf32, #tpu.memory_space<hbm>>
    tpu.wait_dma2 semaphore(%arg12 : memref<!tpu.dma_semaphore, #tpu.memory_space<semaphore_mem>>) src(%dma_wait3A_474 : memref<32x128xf32, #tpu.memory_space<hbm>>) dst(%dma_wait3A_471 : memref<32x128xf32, #tpu.memory_space<vmem>>)
    %dma_wait3A_475 = arith.constant 0 : i32
    %dma_wait3A_476 = arith.constant 1 : i32
    %dma_wait3A_477 = arith.constant 1 : i32
    %dma_wait3A_478 = arith.constant 0 : i32
    %dma_wait3A_479 = arith.constant 0 : i32
    %dma_wait3A_480 = tpu.memref_slice %arg7[%dma_wait3A_477, %dma_wait3A_478, %dma_wait3A_479] : memref<21x32x128xf32, #tpu.memory_space<vmem>> -> memref<1x32x128xf32, #tpu.memory_space<vmem>>
    %dma_wait3A_481 = tpu.memref_squeeze %dma_wait3A_480 : memref<1x32x128xf32, #tpu.memory_space<vmem>> -> memref<32x128xf32, #tpu.memory_space<vmem>>
    %dma_wait3A_482 = arith.constant 168 : i32
    %dma_wait3A_483 = tpu.memref_slice %arg2[%dma_wait3A_475, %dma_wait3A_476, %dma_wait3A_482, %mul3A_2] : memref<3x7x200x4096xf32, #tpu.memory_space<hbm>> -> memref<1x1x32x128xf32, #tpu.memory_space<hbm>>
    %dma_wait3A_484 = tpu.memref_squeeze %dma_wait3A_483 : memref<1x1x32x128xf32, #tpu.memory_space<hbm>> -> memref<32x128xf32, #tpu.memory_space<hbm>>
    %dma_wait3A_485 = arith.constant 0 : i32
    %dma_wait3A_486 = arith.constant 0 : i32
    %dma_wait3A_487 = tpu.memref_slice %arg7[%dma_wait3A_477, %dma_wait3A_485, %dma_wait3A_486] : memref<21x32x128xf32, #tpu.memory_space<vmem>> -> memref<1x32x128xf32, #tpu.memory_space<vmem>>
    %dma_wait3A_488 = tpu.memref_squeeze %dma_wait3A_487 : memref<1x32x128xf32, #tpu.memory_space<vmem>> -> memref<32x128xf32, #tpu.memory_space<vmem>>
    %dma_wait3A_489 = arith.constant 168 : i32
    %dma_wait3A_490 = tpu.memref_slice %arg2[%dma_wait3A_475, %dma_wait3A_476, %dma_wait3A_489, %mul3A_2] : memref<3x7x200x4096xf32, #tpu.memory_space<hbm>> -> memref<1x1x32x128xf32, #tpu.memory_space<hbm>>
    %dma_wait3A_491 = tpu.memref_squeeze %dma_wait3A_490 : memref<1x1x32x128xf32, #tpu.memory_space<hbm>> -> memref<32x128xf32, #tpu.memory_space<hbm>>
    tpu.wait_dma2 semaphore(%arg12 : memref<!tpu.dma_semaphore, #tpu.memory_space<semaphore_mem>>) src(%dma_wait3A_491 : memref<32x128xf32, #tpu.memory_space<hbm>>) dst(%dma_wait3A_488 : memref<32x128xf32, #tpu.memory_space<vmem>>)
    %dma_wait3A_492 = arith.constant 0 : i32
    %dma_wait3A_493 = arith.constant 2 : i32
    %dma_wait3A_494 = arith.constant 2 : i32
    %dma_wait3A_495 = arith.constant 0 : i32
    %dma_wait3A_496 = arith.constant 0 : i32
    %dma_wait3A_497 = tpu.memref_slice %arg7[%dma_wait3A_494, %dma_wait3A_495, %dma_wait3A_496] : memref<21x32x128xf32, #tpu.memory_space<vmem>> -> memref<1x32x128xf32, #tpu.memory_space<vmem>>
    %dma_wait3A_498 = tpu.memref_squeeze %dma_wait3A_497 : memref<1x32x128xf32, #tpu.memory_space<vmem>> -> memref<32x128xf32, #tpu.memory_space<vmem>>
    %dma_wait3A_499 = arith.constant 168 : i32
    %dma_wait3A_500 = tpu.memref_slice %arg2[%dma_wait3A_492, %dma_wait3A_493, %dma_wait3A_499, %mul3A_2] : memref<3x7x200x4096xf32, #tpu.memory_space<hbm>> -> memref<1x1x32x128xf32, #tpu.memory_space<hbm>>
    %dma_wait3A_501 = tpu.memref_squeeze %dma_wait3A_500 : memref<1x1x32x128xf32, #tpu.memory_space<hbm>> -> memref<32x128xf32, #tpu.memory_space<hbm>>
    %dma_wait3A_502 = arith.constant 0 : i32
    %dma_wait3A_503 = arith.constant 0 : i32
    %dma_wait3A_504 = tpu.memref_slice %arg7[%dma_wait3A_494, %dma_wait3A_502, %dma_wait3A_503] : memref<21x32x128xf32, #tpu.memory_space<vmem>> -> memref<1x32x128xf32, #tpu.memory_space<vmem>>
    %dma_wait3A_505 = tpu.memref_squeeze %dma_wait3A_504 : memref<1x32x128xf32, #tpu.memory_space<vmem>> -> memref<32x128xf32, #tpu.memory_space<vmem>>
    %dma_wait3A_506 = arith.constant 168 : i32
    %dma_wait3A_507 = tpu.memref_slice %arg2[%dma_wait3A_492, %dma_wait3A_493, %dma_wait3A_506, %mul3A_2] : memref<3x7x200x4096xf32, #tpu.memory_space<hbm>> -> memref<1x1x32x128xf32, #tpu.memory_space<hbm>>
    %dma_wait3A_508 = tpu.memref_squeeze %dma_wait3A_507 : memref<1x1x32x128xf32, #tpu.memory_space<hbm>> -> memref<32x128xf32, #tpu.memory_space<hbm>>
    tpu.wait_dma2 semaphore(%arg12 : memref<!tpu.dma_semaphore, #tpu.memory_space<semaphore_mem>>) src(%dma_wait3A_508 : memref<32x128xf32, #tpu.memory_space<hbm>>) dst(%dma_wait3A_505 : memref<32x128xf32, #tpu.memory_space<vmem>>)
    %dma_wait3A_509 = arith.constant 0 : i32
    %dma_wait3A_510 = arith.constant 3 : i32
    %dma_wait3A_511 = arith.constant 3 : i32
    %dma_wait3A_512 = arith.constant 0 : i32
    %dma_wait3A_513 = arith.constant 0 : i32
    %dma_wait3A_514 = tpu.memref_slice %arg7[%dma_wait3A_511, %dma_wait3A_512, %dma_wait3A_513] : memref<21x32x128xf32, #tpu.memory_space<vmem>> -> memref<1x32x128xf32, #tpu.memory_space<vmem>>
    %dma_wait3A_515 = tpu.memref_squeeze %dma_wait3A_514 : memref<1x32x128xf32, #tpu.memory_space<vmem>> -> memref<32x128xf32, #tpu.memory_space<vmem>>
    %dma_wait3A_516 = arith.constant 168 : i32
    %dma_wait3A_517 = tpu.memref_slice %arg2[%dma_wait3A_509, %dma_wait3A_510, %dma_wait3A_516, %mul3A_2] : memref<3x7x200x4096xf32, #tpu.memory_space<hbm>> -> memref<1x1x32x128xf32, #tpu.memory_space<hbm>>
    %dma_wait3A_518 = tpu.memref_squeeze %dma_wait3A_517 : memref<1x1x32x128xf32, #tpu.memory_space<hbm>> -> memref<32x128xf32, #tpu.memory_space<hbm>>
    %dma_wait3A_519 = arith.constant 0 : i32
    %dma_wait3A_520 = arith.constant 0 : i32
    %dma_wait3A_521 = tpu.memref_slice %arg7[%dma_wait3A_511, %dma_wait3A_519, %dma_wait3A_520] : memref<21x32x128xf32, #tpu.memory_space<vmem>> -> memref<1x32x128xf32, #tpu.memory_space<vmem>>
    %dma_wait3A_522 = tpu.memref_squeeze %dma_wait3A_521 : memref<1x32x128xf32, #tpu.memory_space<vmem>> -> memref<32x128xf32, #tpu.memory_space<vmem>>
    %dma_wait3A_523 = arith.constant 168 : i32
    %dma_wait3A_524 = tpu.memref_slice %arg2[%dma_wait3A_509, %dma_wait3A_510, %dma_wait3A_523, %mul3A_2] : memref<3x7x200x4096xf32, #tpu.memory_space<hbm>> -> memref<1x1x32x128xf32, #tpu.memory_space<hbm>>
    %dma_wait3A_525 = tpu.memref_squeeze %dma_wait3A_524 : memref<1x1x32x128xf32, #tpu.memory_space<hbm>> -> memref<32x128xf32, #tpu.memory_space<hbm>>
    tpu.wait_dma2 semaphore(%arg12 : memref<!tpu.dma_semaphore, #tpu.memory_space<semaphore_mem>>) src(%dma_wait3A_525 : memref<32x128xf32, #tpu.memory_space<hbm>>) dst(%dma_wait3A_522 : memref<32x128xf32, #tpu.memory_space<vmem>>)
    %dma_wait3A_526 = arith.constant 0 : i32
    %dma_wait3A_527 = arith.constant 4 : i32
    %dma_wait3A_528 = arith.constant 4 : i32
    %dma_wait3A_529 = arith.constant 0 : i32
    %dma_wait3A_530 = arith.constant 0 : i32
    %dma_wait3A_531 = tpu.memref_slice %arg7[%dma_wait3A_528, %dma_wait3A_529, %dma_wait3A_530] : memref<21x32x128xf32, #tpu.memory_space<vmem>> -> memref<1x32x128xf32, #tpu.memory_space<vmem>>
    %dma_wait3A_532 = tpu.memref_squeeze %dma_wait3A_531 : memref<1x32x128xf32, #tpu.memory_space<vmem>> -> memref<32x128xf32, #tpu.memory_space<vmem>>
    %dma_wait3A_533 = arith.constant 168 : i32
    %dma_wait3A_534 = tpu.memref_slice %arg2[%dma_wait3A_526, %dma_wait3A_527, %dma_wait3A_533, %mul3A_2] : memref<3x7x200x4096xf32, #tpu.memory_space<hbm>> -> memref<1x1x32x128xf32, #tpu.memory_space<hbm>>
    %dma_wait3A_535 = tpu.memref_squeeze %dma_wait3A_534 : memref<1x1x32x128xf32, #tpu.memory_space<hbm>> -> memref<32x128xf32, #tpu.memory_space<hbm>>
    %dma_wait3A_536 = arith.constant 0 : i32
    %dma_wait3A_537 = arith.constant 0 : i32
    %dma_wait3A_538 = tpu.memref_slice %arg7[%dma_wait3A_528, %dma_wait3A_536, %dma_wait3A_537] : memref<21x32x128xf32, #tpu.memory_space<vmem>> -> memref<1x32x128xf32, #tpu.memory_space<vmem>>
    %dma_wait3A_539 = tpu.memref_squeeze %dma_wait3A_538 : memref<1x32x128xf32, #tpu.memory_space<vmem>> -> memref<32x128xf32, #tpu.memory_space<vmem>>
    %dma_wait3A_540 = arith.constant 168 : i32
    %dma_wait3A_541 = tpu.memref_slice %arg2[%dma_wait3A_526, %dma_wait3A_527, %dma_wait3A_540, %mul3A_2] : memref<3x7x200x4096xf32, #tpu.memory_space<hbm>> -> memref<1x1x32x128xf32, #tpu.memory_space<hbm>>
    %dma_wait3A_542 = tpu.memref_squeeze %dma_wait3A_541 : memref<1x1x32x128xf32, #tpu.memory_space<hbm>> -> memref<32x128xf32, #tpu.memory_space<hbm>>
    tpu.wait_dma2 semaphore(%arg12 : memref<!tpu.dma_semaphore, #tpu.memory_space<semaphore_mem>>) src(%dma_wait3A_542 : memref<32x128xf32, #tpu.memory_space<hbm>>) dst(%dma_wait3A_539 : memref<32x128xf32, #tpu.memory_space<vmem>>)
    %dma_wait3A_543 = arith.constant 0 : i32
    %dma_wait3A_544 = arith.constant 5 : i32
    %dma_wait3A_545 = arith.constant 5 : i32
    %dma_wait3A_546 = arith.constant 0 : i32
    %dma_wait3A_547 = arith.constant 0 : i32
    %dma_wait3A_548 = tpu.memref_slice %arg7[%dma_wait3A_545, %dma_wait3A_546, %dma_wait3A_547] : memref<21x32x128xf32, #tpu.memory_space<vmem>> -> memref<1x32x128xf32, #tpu.memory_space<vmem>>
    %dma_wait3A_549 = tpu.memref_squeeze %dma_wait3A_548 : memref<1x32x128xf32, #tpu.memory_space<vmem>> -> memref<32x128xf32, #tpu.memory_space<vmem>>
    %dma_wait3A_550 = arith.constant 168 : i32
    %dma_wait3A_551 = tpu.memref_slice %arg2[%dma_wait3A_543, %dma_wait3A_544, %dma_wait3A_550, %mul3A_2] : memref<3x7x200x4096xf32, #tpu.memory_space<hbm>> -> memref<1x1x32x128xf32, #tpu.memory_space<hbm>>
    %dma_wait3A_552 = tpu.memref_squeeze %dma_wait3A_551 : memref<1x1x32x128xf32, #tpu.memory_space<hbm>> -> memref<32x128xf32, #tpu.memory_space<hbm>>
    %dma_wait3A_553 = arith.constant 0 : i32
    %dma_wait3A_554 = arith.constant 0 : i32
    %dma_wait3A_555 = tpu.memref_slice %arg7[%dma_wait3A_545, %dma_wait3A_553, %dma_wait3A_554] : memref<21x32x128xf32, #tpu.memory_space<vmem>> -> memref<1x32x128xf32, #tpu.memory_space<vmem>>
    %dma_wait3A_556 = tpu.memref_squeeze %dma_wait3A_555 : memref<1x32x128xf32, #tpu.memory_space<vmem>> -> memref<32x128xf32, #tpu.memory_space<vmem>>
    %dma_wait3A_557 = arith.constant 168 : i32
    %dma_wait3A_558 = tpu.memref_slice %arg2[%dma_wait3A_543, %dma_wait3A_544, %dma_wait3A_557, %mul3A_2] : memref<3x7x200x4096xf32, #tpu.memory_space<hbm>> -> memref<1x1x32x128xf32, #tpu.memory_space<hbm>>
    %dma_wait3A_559 = tpu.memref_squeeze %dma_wait3A_558 : memref<1x1x32x128xf32, #tpu.memory_space<hbm>> -> memref<32x128xf32, #tpu.memory_space<hbm>>
    tpu.wait_dma2 semaphore(%arg12 : memref<!tpu.dma_semaphore, #tpu.memory_space<semaphore_mem>>) src(%dma_wait3A_559 : memref<32x128xf32, #tpu.memory_space<hbm>>) dst(%dma_wait3A_556 : memref<32x128xf32, #tpu.memory_space<vmem>>)
    %dma_wait3A_560 = arith.constant 0 : i32
    %dma_wait3A_561 = arith.constant 6 : i32
    %dma_wait3A_562 = arith.constant 6 : i32
    %dma_wait3A_563 = arith.constant 0 : i32
    %dma_wait3A_564 = arith.constant 0 : i32
    %dma_wait3A_565 = tpu.memref_slice %arg7[%dma_wait3A_562, %dma_wait3A_563, %dma_wait3A_564] : memref<21x32x128xf32, #tpu.memory_space<vmem>> -> memref<1x32x128xf32, #tpu.memory_space<vmem>>
    %dma_wait3A_566 = tpu.memref_squeeze %dma_wait3A_565 : memref<1x32x128xf32, #tpu.memory_space<vmem>> -> memref<32x128xf32, #tpu.memory_space<vmem>>
    %dma_wait3A_567 = arith.constant 168 : i32
    %dma_wait3A_568 = tpu.memref_slice %arg2[%dma_wait3A_560, %dma_wait3A_561, %dma_wait3A_567, %mul3A_2] : memref<3x7x200x4096xf32, #tpu.memory_space<hbm>> -> memref<1x1x32x128xf32, #tpu.memory_space<hbm>>
    %dma_wait3A_569 = tpu.memref_squeeze %dma_wait3A_568 : memref<1x1x32x128xf32, #tpu.memory_space<hbm>> -> memref<32x128xf32, #tpu.memory_space<hbm>>
    %dma_wait3A_570 = arith.constant 0 : i32
    %dma_wait3A_571 = arith.constant 0 : i32
    %dma_wait3A_572 = tpu.memref_slice %arg7[%dma_wait3A_562, %dma_wait3A_570, %dma_wait3A_571] : memref<21x32x128xf32, #tpu.memory_space<vmem>> -> memref<1x32x128xf32, #tpu.memory_space<vmem>>
    %dma_wait3A_573 = tpu.memref_squeeze %dma_wait3A_572 : memref<1x32x128xf32, #tpu.memory_space<vmem>> -> memref<32x128xf32, #tpu.memory_space<vmem>>
    %dma_wait3A_574 = arith.constant 168 : i32
    %dma_wait3A_575 = tpu.memref_slice %arg2[%dma_wait3A_560, %dma_wait3A_561, %dma_wait3A_574, %mul3A_2] : memref<3x7x200x4096xf32, #tpu.memory_space<hbm>> -> memref<1x1x32x128xf32, #tpu.memory_space<hbm>>
    %dma_wait3A_576 = tpu.memref_squeeze %dma_wait3A_575 : memref<1x1x32x128xf32, #tpu.memory_space<hbm>> -> memref<32x128xf32, #tpu.memory_space<hbm>>
    tpu.wait_dma2 semaphore(%arg12 : memref<!tpu.dma_semaphore, #tpu.memory_space<semaphore_mem>>) src(%dma_wait3A_576 : memref<32x128xf32, #tpu.memory_space<hbm>>) dst(%dma_wait3A_573 : memref<32x128xf32, #tpu.memory_space<vmem>>)
    %dma_wait3A_577 = arith.constant 0 : i32
    %dma_wait3A_578 = arith.constant 0 : i32
    %dma_wait3A_579 = arith.constant 0 : i32
    %dma_wait3A_580 = arith.constant 0 : i32
    %dma_wait3A_581 = tpu.memref_slice %arg8[%dma_wait3A_578, %dma_wait3A_579, %dma_wait3A_580] : memref<3x32x128xi32, #tpu.memory_space<vmem>> -> memref<1x32x128xi32, #tpu.memory_space<vmem>>
    %dma_wait3A_582 = tpu.memref_squeeze %dma_wait3A_581 : memref<1x32x128xi32, #tpu.memory_space<vmem>> -> memref<32x128xi32, #tpu.memory_space<vmem>>
    %dma_wait3A_583 = arith.constant 168 : i32
    %dma_wait3A_584 = tpu.memref_slice %arg3[%dma_wait3A_577, %dma_wait3A_583, %mul3A_2] : memref<3x200x4096xi32, #tpu.memory_space<hbm>> -> memref<1x32x128xi32, #tpu.memory_space<hbm>>
    %dma_wait3A_585 = tpu.memref_squeeze %dma_wait3A_584 : memref<1x32x128xi32, #tpu.memory_space<hbm>> -> memref<32x128xi32, #tpu.memory_space<hbm>>
    %dma_wait3A_586 = arith.constant 0 : i32
    %dma_wait3A_587 = arith.constant 0 : i32
    %dma_wait3A_588 = tpu.memref_slice %arg8[%dma_wait3A_578, %dma_wait3A_586, %dma_wait3A_587] : memref<3x32x128xi32, #tpu.memory_space<vmem>> -> memref<1x32x128xi32, #tpu.memory_space<vmem>>
    %dma_wait3A_589 = tpu.memref_squeeze %dma_wait3A_588 : memref<1x32x128xi32, #tpu.memory_space<vmem>> -> memref<32x128xi32, #tpu.memory_space<vmem>>
    %dma_wait3A_590 = arith.constant 168 : i32
    %dma_wait3A_591 = tpu.memref_slice %arg3[%dma_wait3A_577, %dma_wait3A_590, %mul3A_2] : memref<3x200x4096xi32, #tpu.memory_space<hbm>> -> memref<1x32x128xi32, #tpu.memory_space<hbm>>
    %dma_wait3A_592 = tpu.memref_squeeze %dma_wait3A_591 : memref<1x32x128xi32, #tpu.memory_space<hbm>> -> memref<32x128xi32, #tpu.memory_space<hbm>>
    tpu.wait_dma2 semaphore(%arg12 : memref<!tpu.dma_semaphore, #tpu.memory_space<semaphore_mem>>) src(%dma_wait3A_592 : memref<32x128xi32, #tpu.memory_space<hbm>>) dst(%dma_wait3A_589 : memref<32x128xi32, #tpu.memory_space<vmem>>)
    %dma_wait3A_593 = arith.constant 0 : i32
    %dma_wait3A_594 = arith.constant 0 : i32
    %dma_wait3A_595 = arith.constant 0 : i32
    %dma_wait3A_596 = arith.constant 0 : i32
    %dma_wait3A_597 = tpu.memref_slice %arg9[%dma_wait3A_594, %dma_wait3A_595, %dma_wait3A_596] : memref<3x32x128xf32, #tpu.memory_space<vmem>> -> memref<1x32x128xf32, #tpu.memory_space<vmem>>
    %dma_wait3A_598 = tpu.memref_squeeze %dma_wait3A_597 : memref<1x32x128xf32, #tpu.memory_space<vmem>> -> memref<32x128xf32, #tpu.memory_space<vmem>>
    %dma_wait3A_599 = arith.constant 168 : i32
    %dma_wait3A_600 = tpu.memref_slice %arg5[%dma_wait3A_593, %dma_wait3A_599, %mul3A_2] : memref<3x200x4096xf32, #tpu.memory_space<hbm>> -> memref<1x32x128xf32, #tpu.memory_space<hbm>>
    %dma_wait3A_601 = tpu.memref_squeeze %dma_wait3A_600 : memref<1x32x128xf32, #tpu.memory_space<hbm>> -> memref<32x128xf32, #tpu.memory_space<hbm>>
    %dma_wait3A_602 = arith.constant 0 : i32
    %dma_wait3A_603 = arith.constant 0 : i32
    %dma_wait3A_604 = tpu.memref_slice %arg9[%dma_wait3A_594, %dma_wait3A_602, %dma_wait3A_603] : memref<3x32x128xf32, #tpu.memory_space<vmem>> -> memref<1x32x128xf32, #tpu.memory_space<vmem>>
    %dma_wait3A_605 = tpu.memref_squeeze %dma_wait3A_604 : memref<1x32x128xf32, #tpu.memory_space<vmem>> -> memref<32x128xf32, #tpu.memory_space<vmem>>
    %dma_wait3A_606 = arith.constant 168 : i32
    %dma_wait3A_607 = tpu.memref_slice %arg5[%dma_wait3A_593, %dma_wait3A_606, %mul3A_2] : memref<3x200x4096xf32, #tpu.memory_space<hbm>> -> memref<1x32x128xf32, #tpu.memory_space<hbm>>
    %dma_wait3A_608 = tpu.memref_squeeze %dma_wait3A_607 : memref<1x32x128xf32, #tpu.memory_space<hbm>> -> memref<32x128xf32, #tpu.memory_space<hbm>>
    tpu.wait_dma2 semaphore(%arg12 : memref<!tpu.dma_semaphore, #tpu.memory_space<semaphore_mem>>) src(%dma_wait3A_608 : memref<32x128xf32, #tpu.memory_space<hbm>>) dst(%dma_wait3A_605 : memref<32x128xf32, #tpu.memory_space<vmem>>)
    %dma_wait3A_609 = arith.constant 1 : i32
    %dma_wait3A_610 = arith.constant 0 : i32
    %dma_wait3A_611 = arith.constant 7 : i32
    %dma_wait3A_612 = arith.constant 0 : i32
    %dma_wait3A_613 = arith.constant 0 : i32
    %dma_wait3A_614 = tpu.memref_slice %arg7[%dma_wait3A_611, %dma_wait3A_612, %dma_wait3A_613] : memref<21x32x128xf32, #tpu.memory_space<vmem>> -> memref<1x32x128xf32, #tpu.memory_space<vmem>>
    %dma_wait3A_615 = tpu.memref_squeeze %dma_wait3A_614 : memref<1x32x128xf32, #tpu.memory_space<vmem>> -> memref<32x128xf32, #tpu.memory_space<vmem>>
    %dma_wait3A_616 = arith.constant 168 : i32
    %dma_wait3A_617 = tpu.memref_slice %arg2[%dma_wait3A_609, %dma_wait3A_610, %dma_wait3A_616, %mul3A_2] : memref<3x7x200x4096xf32, #tpu.memory_space<hbm>> -> memref<1x1x32x128xf32, #tpu.memory_space<hbm>>
    %dma_wait3A_618 = tpu.memref_squeeze %dma_wait3A_617 : memref<1x1x32x128xf32, #tpu.memory_space<hbm>> -> memref<32x128xf32, #tpu.memory_space<hbm>>
    %dma_wait3A_619 = arith.constant 0 : i32
    %dma_wait3A_620 = arith.constant 0 : i32
    %dma_wait3A_621 = tpu.memref_slice %arg7[%dma_wait3A_611, %dma_wait3A_619, %dma_wait3A_620] : memref<21x32x128xf32, #tpu.memory_space<vmem>> -> memref<1x32x128xf32, #tpu.memory_space<vmem>>
    %dma_wait3A_622 = tpu.memref_squeeze %dma_wait3A_621 : memref<1x32x128xf32, #tpu.memory_space<vmem>> -> memref<32x128xf32, #tpu.memory_space<vmem>>
    %dma_wait3A_623 = arith.constant 168 : i32
    %dma_wait3A_624 = tpu.memref_slice %arg2[%dma_wait3A_609, %dma_wait3A_610, %dma_wait3A_623, %mul3A_2] : memref<3x7x200x4096xf32, #tpu.memory_space<hbm>> -> memref<1x1x32x128xf32, #tpu.memory_space<hbm>>
    %dma_wait3A_625 = tpu.memref_squeeze %dma_wait3A_624 : memref<1x1x32x128xf32, #tpu.memory_space<hbm>> -> memref<32x128xf32, #tpu.memory_space<hbm>>
    tpu.wait_dma2 semaphore(%arg12 : memref<!tpu.dma_semaphore, #tpu.memory_space<semaphore_mem>>) src(%dma_wait3A_625 : memref<32x128xf32, #tpu.memory_space<hbm>>) dst(%dma_wait3A_622 : memref<32x128xf32, #tpu.memory_space<vmem>>)
    %dma_wait3A_626 = arith.constant 1 : i32
    %dma_wait3A_627 = arith.constant 1 : i32
    %dma_wait3A_628 = arith.constant 8 : i32
    %dma_wait3A_629 = arith.constant 0 : i32
    %dma_wait3A_630 = arith.constant 0 : i32
    %dma_wait3A_631 = tpu.memref_slice %arg7[%dma_wait3A_628, %dma_wait3A_629, %dma_wait3A_630] : memref<21x32x128xf32, #tpu.memory_space<vmem>> -> memref<1x32x128xf32, #tpu.memory_space<vmem>>
    %dma_wait3A_632 = tpu.memref_squeeze %dma_wait3A_631 : memref<1x32x128xf32, #tpu.memory_space<vmem>> -> memref<32x128xf32, #tpu.memory_space<vmem>>
    %dma_wait3A_633 = arith.constant 168 : i32
    %dma_wait3A_634 = tpu.memref_slice %arg2[%dma_wait3A_626, %dma_wait3A_627, %dma_wait3A_633, %mul3A_2] : memref<3x7x200x4096xf32, #tpu.memory_space<hbm>> -> memref<1x1x32x128xf32, #tpu.memory_space<hbm>>
    %dma_wait3A_635 = tpu.memref_squeeze %dma_wait3A_634 : memref<1x1x32x128xf32, #tpu.memory_space<hbm>> -> memref<32x128xf32, #tpu.memory_space<hbm>>
    %dma_wait3A_636 = arith.constant 0 : i32
    %dma_wait3A_637 = arith.constant 0 : i32
    %dma_wait3A_638 = tpu.memref_slice %arg7[%dma_wait3A_628, %dma_wait3A_636, %dma_wait3A_637] : memref<21x32x128xf32, #tpu.memory_space<vmem>> -> memref<1x32x128xf32, #tpu.memory_space<vmem>>
    %dma_wait3A_639 = tpu.memref_squeeze %dma_wait3A_638 : memref<1x32x128xf32, #tpu.memory_space<vmem>> -> memref<32x128xf32, #tpu.memory_space<vmem>>
    %dma_wait3A_640 = arith.constant 168 : i32
    %dma_wait3A_641 = tpu.memref_slice %arg2[%dma_wait3A_626, %dma_wait3A_627, %dma_wait3A_640, %mul3A_2] : memref<3x7x200x4096xf32, #tpu.memory_space<hbm>> -> memref<1x1x32x128xf32, #tpu.memory_space<hbm>>
    %dma_wait3A_642 = tpu.memref_squeeze %dma_wait3A_641 : memref<1x1x32x128xf32, #tpu.memory_space<hbm>> -> memref<32x128xf32, #tpu.memory_space<hbm>>
    tpu.wait_dma2 semaphore(%arg12 : memref<!tpu.dma_semaphore, #tpu.memory_space<semaphore_mem>>) src(%dma_wait3A_642 : memref<32x128xf32, #tpu.memory_space<hbm>>) dst(%dma_wait3A_639 : memref<32x128xf32, #tpu.memory_space<vmem>>)
    %dma_wait3A_643 = arith.constant 1 : i32
    %dma_wait3A_644 = arith.constant 2 : i32
    %dma_wait3A_645 = arith.constant 9 : i32
    %dma_wait3A_646 = arith.constant 0 : i32
    %dma_wait3A_647 = arith.constant 0 : i32
    %dma_wait3A_648 = tpu.memref_slice %arg7[%dma_wait3A_645, %dma_wait3A_646, %dma_wait3A_647] : memref<21x32x128xf32, #tpu.memory_space<vmem>> -> memref<1x32x128xf32, #tpu.memory_space<vmem>>
    %dma_wait3A_649 = tpu.memref_squeeze %dma_wait3A_648 : memref<1x32x128xf32, #tpu.memory_space<vmem>> -> memref<32x128xf32, #tpu.memory_space<vmem>>
    %dma_wait3A_650 = arith.constant 168 : i32
    %dma_wait3A_651 = tpu.memref_slice %arg2[%dma_wait3A_643, %dma_wait3A_644, %dma_wait3A_650, %mul3A_2] : memref<3x7x200x4096xf32, #tpu.memory_space<hbm>> -> memref<1x1x32x128xf32, #tpu.memory_space<hbm>>
    %dma_wait3A_652 = tpu.memref_squeeze %dma_wait3A_651 : memref<1x1x32x128xf32, #tpu.memory_space<hbm>> -> memref<32x128xf32, #tpu.memory_space<hbm>>
    %dma_wait3A_653 = arith.constant 0 : i32
    %dma_wait3A_654 = arith.constant 0 : i32
    %dma_wait3A_655 = tpu.memref_slice %arg7[%dma_wait3A_645, %dma_wait3A_653, %dma_wait3A_654] : memref<21x32x128xf32, #tpu.memory_space<vmem>> -> memref<1x32x128xf32, #tpu.memory_space<vmem>>
    %dma_wait3A_656 = tpu.memref_squeeze %dma_wait3A_655 : memref<1x32x128xf32, #tpu.memory_space<vmem>> -> memref<32x128xf32, #tpu.memory_space<vmem>>
    %dma_wait3A_657 = arith.constant 168 : i32
    %dma_wait3A_658 = tpu.memref_slice %arg2[%dma_wait3A_643, %dma_wait3A_644, %dma_wait3A_657, %mul3A_2] : memref<3x7x200x4096xf32, #tpu.memory_space<hbm>> -> memref<1x1x32x128xf32, #tpu.memory_space<hbm>>
    %dma_wait3A_659 = tpu.memref_squeeze %dma_wait3A_658 : memref<1x1x32x128xf32, #tpu.memory_space<hbm>> -> memref<32x128xf32, #tpu.memory_space<hbm>>
    tpu.wait_dma2 semaphore(%arg12 : memref<!tpu.dma_semaphore, #tpu.memory_space<semaphore_mem>>) src(%dma_wait3A_659 : memref<32x128xf32, #tpu.memory_space<hbm>>) dst(%dma_wait3A_656 : memref<32x128xf32, #tpu.memory_space<vmem>>)
    %dma_wait3A_660 = arith.constant 1 : i32
    %dma_wait3A_661 = arith.constant 3 : i32
    %dma_wait3A_662 = arith.constant 10 : i32
    %dma_wait3A_663 = arith.constant 0 : i32
    %dma_wait3A_664 = arith.constant 0 : i32
    %dma_wait3A_665 = tpu.memref_slice %arg7[%dma_wait3A_662, %dma_wait3A_663, %dma_wait3A_664] : memref<21x32x128xf32, #tpu.memory_space<vmem>> -> memref<1x32x128xf32, #tpu.memory_space<vmem>>
    %dma_wait3A_666 = tpu.memref_squeeze %dma_wait3A_665 : memref<1x32x128xf32, #tpu.memory_space<vmem>> -> memref<32x128xf32, #tpu.memory_space<vmem>>
    %dma_wait3A_667 = arith.constant 168 : i32
    %dma_wait3A_668 = tpu.memref_slice %arg2[%dma_wait3A_660, %dma_wait3A_661, %dma_wait3A_667, %mul3A_2] : memref<3x7x200x4096xf32, #tpu.memory_space<hbm>> -> memref<1x1x32x128xf32, #tpu.memory_space<hbm>>
    %dma_wait3A_669 = tpu.memref_squeeze %dma_wait3A_668 : memref<1x1x32x128xf32, #tpu.memory_space<hbm>> -> memref<32x128xf32, #tpu.memory_space<hbm>>
    %dma_wait3A_670 = arith.constant 0 : i32
    %dma_wait3A_671 = arith.constant 0 : i32
    %dma_wait3A_672 = tpu.memref_slice %arg7[%dma_wait3A_662, %dma_wait3A_670, %dma_wait3A_671] : memref<21x32x128xf32, #tpu.memory_space<vmem>> -> memref<1x32x128xf32, #tpu.memory_space<vmem>>
    %dma_wait3A_673 = tpu.memref_squeeze %dma_wait3A_672 : memref<1x32x128xf32, #tpu.memory_space<vmem>> -> memref<32x128xf32, #tpu.memory_space<vmem>>
    %dma_wait3A_674 = arith.constant 168 : i32
    %dma_wait3A_675 = tpu.memref_slice %arg2[%dma_wait3A_660, %dma_wait3A_661, %dma_wait3A_674, %mul3A_2] : memref<3x7x200x4096xf32, #tpu.memory_space<hbm>> -> memref<1x1x32x128xf32, #tpu.memory_space<hbm>>
    %dma_wait3A_676 = tpu.memref_squeeze %dma_wait3A_675 : memref<1x1x32x128xf32, #tpu.memory_space<hbm>> -> memref<32x128xf32, #tpu.memory_space<hbm>>
    tpu.wait_dma2 semaphore(%arg12 : memref<!tpu.dma_semaphore, #tpu.memory_space<semaphore_mem>>) src(%dma_wait3A_676 : memref<32x128xf32, #tpu.memory_space<hbm>>) dst(%dma_wait3A_673 : memref<32x128xf32, #tpu.memory_space<vmem>>)
    %dma_wait3A_677 = arith.constant 1 : i32
    %dma_wait3A_678 = arith.constant 4 : i32
    %dma_wait3A_679 = arith.constant 11 : i32
    %dma_wait3A_680 = arith.constant 0 : i32
    %dma_wait3A_681 = arith.constant 0 : i32
    %dma_wait3A_682 = tpu.memref_slice %arg7[%dma_wait3A_679, %dma_wait3A_680, %dma_wait3A_681] : memref<21x32x128xf32, #tpu.memory_space<vmem>> -> memref<1x32x128xf32, #tpu.memory_space<vmem>>
    %dma_wait3A_683 = tpu.memref_squeeze %dma_wait3A_682 : memref<1x32x128xf32, #tpu.memory_space<vmem>> -> memref<32x128xf32, #tpu.memory_space<vmem>>
    %dma_wait3A_684 = arith.constant 168 : i32
    %dma_wait3A_685 = tpu.memref_slice %arg2[%dma_wait3A_677, %dma_wait3A_678, %dma_wait3A_684, %mul3A_2] : memref<3x7x200x4096xf32, #tpu.memory_space<hbm>> -> memref<1x1x32x128xf32, #tpu.memory_space<hbm>>
    %dma_wait3A_686 = tpu.memref_squeeze %dma_wait3A_685 : memref<1x1x32x128xf32, #tpu.memory_space<hbm>> -> memref<32x128xf32, #tpu.memory_space<hbm>>
    %dma_wait3A_687 = arith.constant 0 : i32
    %dma_wait3A_688 = arith.constant 0 : i32
    %dma_wait3A_689 = tpu.memref_slice %arg7[%dma_wait3A_679, %dma_wait3A_687, %dma_wait3A_688] : memref<21x32x128xf32, #tpu.memory_space<vmem>> -> memref<1x32x128xf32, #tpu.memory_space<vmem>>
    %dma_wait3A_690 = tpu.memref_squeeze %dma_wait3A_689 : memref<1x32x128xf32, #tpu.memory_space<vmem>> -> memref<32x128xf32, #tpu.memory_space<vmem>>
    %dma_wait3A_691 = arith.constant 168 : i32
    %dma_wait3A_692 = tpu.memref_slice %arg2[%dma_wait3A_677, %dma_wait3A_678, %dma_wait3A_691, %mul3A_2] : memref<3x7x200x4096xf32, #tpu.memory_space<hbm>> -> memref<1x1x32x128xf32, #tpu.memory_space<hbm>>
    %dma_wait3A_693 = tpu.memref_squeeze %dma_wait3A_692 : memref<1x1x32x128xf32, #tpu.memory_space<hbm>> -> memref<32x128xf32, #tpu.memory_space<hbm>>
    tpu.wait_dma2 semaphore(%arg12 : memref<!tpu.dma_semaphore, #tpu.memory_space<semaphore_mem>>) src(%dma_wait3A_693 : memref<32x128xf32, #tpu.memory_space<hbm>>) dst(%dma_wait3A_690 : memref<32x128xf32, #tpu.memory_space<vmem>>)
    %dma_wait3A_694 = arith.constant 1 : i32
    %dma_wait3A_695 = arith.constant 5 : i32
    %dma_wait3A_696 = arith.constant 12 : i32
    %dma_wait3A_697 = arith.constant 0 : i32
    %dma_wait3A_698 = arith.constant 0 : i32
    %dma_wait3A_699 = tpu.memref_slice %arg7[%dma_wait3A_696, %dma_wait3A_697, %dma_wait3A_698] : memref<21x32x128xf32, #tpu.memory_space<vmem>> -> memref<1x32x128xf32, #tpu.memory_space<vmem>>
    %dma_wait3A_700 = tpu.memref_squeeze %dma_wait3A_699 : memref<1x32x128xf32, #tpu.memory_space<vmem>> -> memref<32x128xf32, #tpu.memory_space<vmem>>
    %dma_wait3A_701 = arith.constant 168 : i32
    %dma_wait3A_702 = tpu.memref_slice %arg2[%dma_wait3A_694, %dma_wait3A_695, %dma_wait3A_701, %mul3A_2] : memref<3x7x200x4096xf32, #tpu.memory_space<hbm>> -> memref<1x1x32x128xf32, #tpu.memory_space<hbm>>
    %dma_wait3A_703 = tpu.memref_squeeze %dma_wait3A_702 : memref<1x1x32x128xf32, #tpu.memory_space<hbm>> -> memref<32x128xf32, #tpu.memory_space<hbm>>
    %dma_wait3A_704 = arith.constant 0 : i32
    %dma_wait3A_705 = arith.constant 0 : i32
    %dma_wait3A_706 = tpu.memref_slice %arg7[%dma_wait3A_696, %dma_wait3A_704, %dma_wait3A_705] : memref<21x32x128xf32, #tpu.memory_space<vmem>> -> memref<1x32x128xf32, #tpu.memory_space<vmem>>
    %dma_wait3A_707 = tpu.memref_squeeze %dma_wait3A_706 : memref<1x32x128xf32, #tpu.memory_space<vmem>> -> memref<32x128xf32, #tpu.memory_space<vmem>>
    %dma_wait3A_708 = arith.constant 168 : i32
    %dma_wait3A_709 = tpu.memref_slice %arg2[%dma_wait3A_694, %dma_wait3A_695, %dma_wait3A_708, %mul3A_2] : memref<3x7x200x4096xf32, #tpu.memory_space<hbm>> -> memref<1x1x32x128xf32, #tpu.memory_space<hbm>>
    %dma_wait3A_710 = tpu.memref_squeeze %dma_wait3A_709 : memref<1x1x32x128xf32, #tpu.memory_space<hbm>> -> memref<32x128xf32, #tpu.memory_space<hbm>>
    tpu.wait_dma2 semaphore(%arg12 : memref<!tpu.dma_semaphore, #tpu.memory_space<semaphore_mem>>) src(%dma_wait3A_710 : memref<32x128xf32, #tpu.memory_space<hbm>>) dst(%dma_wait3A_707 : memref<32x128xf32, #tpu.memory_space<vmem>>)
    %dma_wait3A_711 = arith.constant 1 : i32
    %dma_wait3A_712 = arith.constant 6 : i32
    %dma_wait3A_713 = arith.constant 13 : i32
    %dma_wait3A_714 = arith.constant 0 : i32
    %dma_wait3A_715 = arith.constant 0 : i32
    %dma_wait3A_716 = tpu.memref_slice %arg7[%dma_wait3A_713, %dma_wait3A_714, %dma_wait3A_715] : memref<21x32x128xf32, #tpu.memory_space<vmem>> -> memref<1x32x128xf32, #tpu.memory_space<vmem>>
    %dma_wait3A_717 = tpu.memref_squeeze %dma_wait3A_716 : memref<1x32x128xf32, #tpu.memory_space<vmem>> -> memref<32x128xf32, #tpu.memory_space<vmem>>
    %dma_wait3A_718 = arith.constant 168 : i32
    %dma_wait3A_719 = tpu.memref_slice %arg2[%dma_wait3A_711, %dma_wait3A_712, %dma_wait3A_718, %mul3A_2] : memref<3x7x200x4096xf32, #tpu.memory_space<hbm>> -> memref<1x1x32x128xf32, #tpu.memory_space<hbm>>
    %dma_wait3A_720 = tpu.memref_squeeze %dma_wait3A_719 : memref<1x1x32x128xf32, #tpu.memory_space<hbm>> -> memref<32x128xf32, #tpu.memory_space<hbm>>
    %dma_wait3A_721 = arith.constant 0 : i32
    %dma_wait3A_722 = arith.constant 0 : i32
    %dma_wait3A_723 = tpu.memref_slice %arg7[%dma_wait3A_713, %dma_wait3A_721, %dma_wait3A_722] : memref<21x32x128xf32, #tpu.memory_space<vmem>> -> memref<1x32x128xf32, #tpu.memory_space<vmem>>
    %dma_wait3A_724 = tpu.memref_squeeze %dma_wait3A_723 : memref<1x32x128xf32, #tpu.memory_space<vmem>> -> memref<32x128xf32, #tpu.memory_space<vmem>>
    %dma_wait3A_725 = arith.constant 168 : i32
    %dma_wait3A_726 = tpu.memref_slice %arg2[%dma_wait3A_711, %dma_wait3A_712, %dma_wait3A_725, %mul3A_2] : memref<3x7x200x4096xf32, #tpu.memory_space<hbm>> -> memref<1x1x32x128xf32, #tpu.memory_space<hbm>>
    %dma_wait3A_727 = tpu.memref_squeeze %dma_wait3A_726 : memref<1x1x32x128xf32, #tpu.memory_space<hbm>> -> memref<32x128xf32, #tpu.memory_space<hbm>>
    tpu.wait_dma2 semaphore(%arg12 : memref<!tpu.dma_semaphore, #tpu.memory_space<semaphore_mem>>) src(%dma_wait3A_727 : memref<32x128xf32, #tpu.memory_space<hbm>>) dst(%dma_wait3A_724 : memref<32x128xf32, #tpu.memory_space<vmem>>)
    %dma_wait3A_728 = arith.constant 1 : i32
    %dma_wait3A_729 = arith.constant 1 : i32
    %dma_wait3A_730 = arith.constant 0 : i32
    %dma_wait3A_731 = arith.constant 0 : i32
    %dma_wait3A_732 = tpu.memref_slice %arg8[%dma_wait3A_729, %dma_wait3A_730, %dma_wait3A_731] : memref<3x32x128xi32, #tpu.memory_space<vmem>> -> memref<1x32x128xi32, #tpu.memory_space<vmem>>
    %dma_wait3A_733 = tpu.memref_squeeze %dma_wait3A_732 : memref<1x32x128xi32, #tpu.memory_space<vmem>> -> memref<32x128xi32, #tpu.memory_space<vmem>>
    %dma_wait3A_734 = arith.constant 168 : i32
    %dma_wait3A_735 = tpu.memref_slice %arg3[%dma_wait3A_728, %dma_wait3A_734, %mul3A_2] : memref<3x200x4096xi32, #tpu.memory_space<hbm>> -> memref<1x32x128xi32, #tpu.memory_space<hbm>>
    %dma_wait3A_736 = tpu.memref_squeeze %dma_wait3A_735 : memref<1x32x128xi32, #tpu.memory_space<hbm>> -> memref<32x128xi32, #tpu.memory_space<hbm>>
    %dma_wait3A_737 = arith.constant 0 : i32
    %dma_wait3A_738 = arith.constant 0 : i32
    %dma_wait3A_739 = tpu.memref_slice %arg8[%dma_wait3A_729, %dma_wait3A_737, %dma_wait3A_738] : memref<3x32x128xi32, #tpu.memory_space<vmem>> -> memref<1x32x128xi32, #tpu.memory_space<vmem>>
    %dma_wait3A_740 = tpu.memref_squeeze %dma_wait3A_739 : memref<1x32x128xi32, #tpu.memory_space<vmem>> -> memref<32x128xi32, #tpu.memory_space<vmem>>
    %dma_wait3A_741 = arith.constant 168 : i32
    %dma_wait3A_742 = tpu.memref_slice %arg3[%dma_wait3A_728, %dma_wait3A_741, %mul3A_2] : memref<3x200x4096xi32, #tpu.memory_space<hbm>> -> memref<1x32x128xi32, #tpu.memory_space<hbm>>
    %dma_wait3A_743 = tpu.memref_squeeze %dma_wait3A_742 : memref<1x32x128xi32, #tpu.memory_space<hbm>> -> memref<32x128xi32, #tpu.memory_space<hbm>>
    tpu.wait_dma2 semaphore(%arg12 : memref<!tpu.dma_semaphore, #tpu.memory_space<semaphore_mem>>) src(%dma_wait3A_743 : memref<32x128xi32, #tpu.memory_space<hbm>>) dst(%dma_wait3A_740 : memref<32x128xi32, #tpu.memory_space<vmem>>)
    %dma_wait3A_744 = arith.constant 1 : i32
    %dma_wait3A_745 = arith.constant 1 : i32
    %dma_wait3A_746 = arith.constant 0 : i32
    %dma_wait3A_747 = arith.constant 0 : i32
    %dma_wait3A_748 = tpu.memref_slice %arg9[%dma_wait3A_745, %dma_wait3A_746, %dma_wait3A_747] : memref<3x32x128xf32, #tpu.memory_space<vmem>> -> memref<1x32x128xf32, #tpu.memory_space<vmem>>
    %dma_wait3A_749 = tpu.memref_squeeze %dma_wait3A_748 : memref<1x32x128xf32, #tpu.memory_space<vmem>> -> memref<32x128xf32, #tpu.memory_space<vmem>>
    %dma_wait3A_750 = arith.constant 168 : i32
    %dma_wait3A_751 = tpu.memref_slice %arg5[%dma_wait3A_744, %dma_wait3A_750, %mul3A_2] : memref<3x200x4096xf32, #tpu.memory_space<hbm>> -> memref<1x32x128xf32, #tpu.memory_space<hbm>>
    %dma_wait3A_752 = tpu.memref_squeeze %dma_wait3A_751 : memref<1x32x128xf32, #tpu.memory_space<hbm>> -> memref<32x128xf32, #tpu.memory_space<hbm>>
    %dma_wait3A_753 = arith.constant 0 : i32
    %dma_wait3A_754 = arith.constant 0 : i32
    %dma_wait3A_755 = tpu.memref_slice %arg9[%dma_wait3A_745, %dma_wait3A_753, %dma_wait3A_754] : memref<3x32x128xf32, #tpu.memory_space<vmem>> -> memref<1x32x128xf32, #tpu.memory_space<vmem>>
    %dma_wait3A_756 = tpu.memref_squeeze %dma_wait3A_755 : memref<1x32x128xf32, #tpu.memory_space<vmem>> -> memref<32x128xf32, #tpu.memory_space<vmem>>
    %dma_wait3A_757 = arith.constant 168 : i32
    %dma_wait3A_758 = tpu.memref_slice %arg5[%dma_wait3A_744, %dma_wait3A_757, %mul3A_2] : memref<3x200x4096xf32, #tpu.memory_space<hbm>> -> memref<1x32x128xf32, #tpu.memory_space<hbm>>
    %dma_wait3A_759 = tpu.memref_squeeze %dma_wait3A_758 : memref<1x32x128xf32, #tpu.memory_space<hbm>> -> memref<32x128xf32, #tpu.memory_space<hbm>>
    tpu.wait_dma2 semaphore(%arg12 : memref<!tpu.dma_semaphore, #tpu.memory_space<semaphore_mem>>) src(%dma_wait3A_759 : memref<32x128xf32, #tpu.memory_space<hbm>>) dst(%dma_wait3A_756 : memref<32x128xf32, #tpu.memory_space<vmem>>)
    %dma_wait3A_760 = arith.constant 2 : i32
    %dma_wait3A_761 = arith.constant 0 : i32
    %dma_wait3A_762 = arith.constant 14 : i32
    %dma_wait3A_763 = arith.constant 0 : i32
    %dma_wait3A_764 = arith.constant 0 : i32
    %dma_wait3A_765 = tpu.memref_slice %arg7[%dma_wait3A_762, %dma_wait3A_763, %dma_wait3A_764] : memref<21x32x128xf32, #tpu.memory_space<vmem>> -> memref<1x32x128xf32, #tpu.memory_space<vmem>>
    %dma_wait3A_766 = tpu.memref_squeeze %dma_wait3A_765 : memref<1x32x128xf32, #tpu.memory_space<vmem>> -> memref<32x128xf32, #tpu.memory_space<vmem>>
    %dma_wait3A_767 = arith.constant 168 : i32
    %dma_wait3A_768 = tpu.memref_slice %arg2[%dma_wait3A_760, %dma_wait3A_761, %dma_wait3A_767, %mul3A_2] : memref<3x7x200x4096xf32, #tpu.memory_space<hbm>> -> memref<1x1x32x128xf32, #tpu.memory_space<hbm>>
    %dma_wait3A_769 = tpu.memref_squeeze %dma_wait3A_768 : memref<1x1x32x128xf32, #tpu.memory_space<hbm>> -> memref<32x128xf32, #tpu.memory_space<hbm>>
    %dma_wait3A_770 = arith.constant 0 : i32
    %dma_wait3A_771 = arith.constant 0 : i32
    %dma_wait3A_772 = tpu.memref_slice %arg7[%dma_wait3A_762, %dma_wait3A_770, %dma_wait3A_771] : memref<21x32x128xf32, #tpu.memory_space<vmem>> -> memref<1x32x128xf32, #tpu.memory_space<vmem>>
    %dma_wait3A_773 = tpu.memref_squeeze %dma_wait3A_772 : memref<1x32x128xf32, #tpu.memory_space<vmem>> -> memref<32x128xf32, #tpu.memory_space<vmem>>
    %dma_wait3A_774 = arith.constant 168 : i32
    %dma_wait3A_775 = tpu.memref_slice %arg2[%dma_wait3A_760, %dma_wait3A_761, %dma_wait3A_774, %mul3A_2] : memref<3x7x200x4096xf32, #tpu.memory_space<hbm>> -> memref<1x1x32x128xf32, #tpu.memory_space<hbm>>
    %dma_wait3A_776 = tpu.memref_squeeze %dma_wait3A_775 : memref<1x1x32x128xf32, #tpu.memory_space<hbm>> -> memref<32x128xf32, #tpu.memory_space<hbm>>
    tpu.wait_dma2 semaphore(%arg12 : memref<!tpu.dma_semaphore, #tpu.memory_space<semaphore_mem>>) src(%dma_wait3A_776 : memref<32x128xf32, #tpu.memory_space<hbm>>) dst(%dma_wait3A_773 : memref<32x128xf32, #tpu.memory_space<vmem>>)
    %dma_wait3A_777 = arith.constant 2 : i32
    %dma_wait3A_778 = arith.constant 1 : i32
    %dma_wait3A_779 = arith.constant 15 : i32
    %dma_wait3A_780 = arith.constant 0 : i32
    %dma_wait3A_781 = arith.constant 0 : i32
    %dma_wait3A_782 = tpu.memref_slice %arg7[%dma_wait3A_779, %dma_wait3A_780, %dma_wait3A_781] : memref<21x32x128xf32, #tpu.memory_space<vmem>> -> memref<1x32x128xf32, #tpu.memory_space<vmem>>
    %dma_wait3A_783 = tpu.memref_squeeze %dma_wait3A_782 : memref<1x32x128xf32, #tpu.memory_space<vmem>> -> memref<32x128xf32, #tpu.memory_space<vmem>>
    %dma_wait3A_784 = arith.constant 168 : i32
    %dma_wait3A_785 = tpu.memref_slice %arg2[%dma_wait3A_777, %dma_wait3A_778, %dma_wait3A_784, %mul3A_2] : memref<3x7x200x4096xf32, #tpu.memory_space<hbm>> -> memref<1x1x32x128xf32, #tpu.memory_space<hbm>>
    %dma_wait3A_786 = tpu.memref_squeeze %dma_wait3A_785 : memref<1x1x32x128xf32, #tpu.memory_space<hbm>> -> memref<32x128xf32, #tpu.memory_space<hbm>>
    %dma_wait3A_787 = arith.constant 0 : i32
    %dma_wait3A_788 = arith.constant 0 : i32
    %dma_wait3A_789 = tpu.memref_slice %arg7[%dma_wait3A_779, %dma_wait3A_787, %dma_wait3A_788] : memref<21x32x128xf32, #tpu.memory_space<vmem>> -> memref<1x32x128xf32, #tpu.memory_space<vmem>>
    %dma_wait3A_790 = tpu.memref_squeeze %dma_wait3A_789 : memref<1x32x128xf32, #tpu.memory_space<vmem>> -> memref<32x128xf32, #tpu.memory_space<vmem>>
    %dma_wait3A_791 = arith.constant 168 : i32
    %dma_wait3A_792 = tpu.memref_slice %arg2[%dma_wait3A_777, %dma_wait3A_778, %dma_wait3A_791, %mul3A_2] : memref<3x7x200x4096xf32, #tpu.memory_space<hbm>> -> memref<1x1x32x128xf32, #tpu.memory_space<hbm>>
    %dma_wait3A_793 = tpu.memref_squeeze %dma_wait3A_792 : memref<1x1x32x128xf32, #tpu.memory_space<hbm>> -> memref<32x128xf32, #tpu.memory_space<hbm>>
    tpu.wait_dma2 semaphore(%arg12 : memref<!tpu.dma_semaphore, #tpu.memory_space<semaphore_mem>>) src(%dma_wait3A_793 : memref<32x128xf32, #tpu.memory_space<hbm>>) dst(%dma_wait3A_790 : memref<32x128xf32, #tpu.memory_space<vmem>>)
    %dma_wait3A_794 = arith.constant 2 : i32
    %dma_wait3A_795 = arith.constant 2 : i32
    %dma_wait3A_796 = arith.constant 16 : i32
    %dma_wait3A_797 = arith.constant 0 : i32
    %dma_wait3A_798 = arith.constant 0 : i32
    %dma_wait3A_799 = tpu.memref_slice %arg7[%dma_wait3A_796, %dma_wait3A_797, %dma_wait3A_798] : memref<21x32x128xf32, #tpu.memory_space<vmem>> -> memref<1x32x128xf32, #tpu.memory_space<vmem>>
    %dma_wait3A_800 = tpu.memref_squeeze %dma_wait3A_799 : memref<1x32x128xf32, #tpu.memory_space<vmem>> -> memref<32x128xf32, #tpu.memory_space<vmem>>
    %dma_wait3A_801 = arith.constant 168 : i32
    %dma_wait3A_802 = tpu.memref_slice %arg2[%dma_wait3A_794, %dma_wait3A_795, %dma_wait3A_801, %mul3A_2] : memref<3x7x200x4096xf32, #tpu.memory_space<hbm>> -> memref<1x1x32x128xf32, #tpu.memory_space<hbm>>
    %dma_wait3A_803 = tpu.memref_squeeze %dma_wait3A_802 : memref<1x1x32x128xf32, #tpu.memory_space<hbm>> -> memref<32x128xf32, #tpu.memory_space<hbm>>
    %dma_wait3A_804 = arith.constant 0 : i32
    %dma_wait3A_805 = arith.constant 0 : i32
    %dma_wait3A_806 = tpu.memref_slice %arg7[%dma_wait3A_796, %dma_wait3A_804, %dma_wait3A_805] : memref<21x32x128xf32, #tpu.memory_space<vmem>> -> memref<1x32x128xf32, #tpu.memory_space<vmem>>
    %dma_wait3A_807 = tpu.memref_squeeze %dma_wait3A_806 : memref<1x32x128xf32, #tpu.memory_space<vmem>> -> memref<32x128xf32, #tpu.memory_space<vmem>>
    %dma_wait3A_808 = arith.constant 168 : i32
    %dma_wait3A_809 = tpu.memref_slice %arg2[%dma_wait3A_794, %dma_wait3A_795, %dma_wait3A_808, %mul3A_2] : memref<3x7x200x4096xf32, #tpu.memory_space<hbm>> -> memref<1x1x32x128xf32, #tpu.memory_space<hbm>>
    %dma_wait3A_810 = tpu.memref_squeeze %dma_wait3A_809 : memref<1x1x32x128xf32, #tpu.memory_space<hbm>> -> memref<32x128xf32, #tpu.memory_space<hbm>>
    tpu.wait_dma2 semaphore(%arg12 : memref<!tpu.dma_semaphore, #tpu.memory_space<semaphore_mem>>) src(%dma_wait3A_810 : memref<32x128xf32, #tpu.memory_space<hbm>>) dst(%dma_wait3A_807 : memref<32x128xf32, #tpu.memory_space<vmem>>)
    %dma_wait3A_811 = arith.constant 2 : i32
    %dma_wait3A_812 = arith.constant 3 : i32
    %dma_wait3A_813 = arith.constant 17 : i32
    %dma_wait3A_814 = arith.constant 0 : i32
    %dma_wait3A_815 = arith.constant 0 : i32
    %dma_wait3A_816 = tpu.memref_slice %arg7[%dma_wait3A_813, %dma_wait3A_814, %dma_wait3A_815] : memref<21x32x128xf32, #tpu.memory_space<vmem>> -> memref<1x32x128xf32, #tpu.memory_space<vmem>>
    %dma_wait3A_817 = tpu.memref_squeeze %dma_wait3A_816 : memref<1x32x128xf32, #tpu.memory_space<vmem>> -> memref<32x128xf32, #tpu.memory_space<vmem>>
    %dma_wait3A_818 = arith.constant 168 : i32
    %dma_wait3A_819 = tpu.memref_slice %arg2[%dma_wait3A_811, %dma_wait3A_812, %dma_wait3A_818, %mul3A_2] : memref<3x7x200x4096xf32, #tpu.memory_space<hbm>> -> memref<1x1x32x128xf32, #tpu.memory_space<hbm>>
    %dma_wait3A_820 = tpu.memref_squeeze %dma_wait3A_819 : memref<1x1x32x128xf32, #tpu.memory_space<hbm>> -> memref<32x128xf32, #tpu.memory_space<hbm>>
    %dma_wait3A_821 = arith.constant 0 : i32
    %dma_wait3A_822 = arith.constant 0 : i32
    %dma_wait3A_823 = tpu.memref_slice %arg7[%dma_wait3A_813, %dma_wait3A_821, %dma_wait3A_822] : memref<21x32x128xf32, #tpu.memory_space<vmem>> -> memref<1x32x128xf32, #tpu.memory_space<vmem>>
    %dma_wait3A_824 = tpu.memref_squeeze %dma_wait3A_823 : memref<1x32x128xf32, #tpu.memory_space<vmem>> -> memref<32x128xf32, #tpu.memory_space<vmem>>
    %dma_wait3A_825 = arith.constant 168 : i32
    %dma_wait3A_826 = tpu.memref_slice %arg2[%dma_wait3A_811, %dma_wait3A_812, %dma_wait3A_825, %mul3A_2] : memref<3x7x200x4096xf32, #tpu.memory_space<hbm>> -> memref<1x1x32x128xf32, #tpu.memory_space<hbm>>
    %dma_wait3A_827 = tpu.memref_squeeze %dma_wait3A_826 : memref<1x1x32x128xf32, #tpu.memory_space<hbm>> -> memref<32x128xf32, #tpu.memory_space<hbm>>
    tpu.wait_dma2 semaphore(%arg12 : memref<!tpu.dma_semaphore, #tpu.memory_space<semaphore_mem>>) src(%dma_wait3A_827 : memref<32x128xf32, #tpu.memory_space<hbm>>) dst(%dma_wait3A_824 : memref<32x128xf32, #tpu.memory_space<vmem>>)
    %dma_wait3A_828 = arith.constant 2 : i32
    %dma_wait3A_829 = arith.constant 4 : i32
    %dma_wait3A_830 = arith.constant 18 : i32
    %dma_wait3A_831 = arith.constant 0 : i32
    %dma_wait3A_832 = arith.constant 0 : i32
    %dma_wait3A_833 = tpu.memref_slice %arg7[%dma_wait3A_830, %dma_wait3A_831, %dma_wait3A_832] : memref<21x32x128xf32, #tpu.memory_space<vmem>> -> memref<1x32x128xf32, #tpu.memory_space<vmem>>
    %dma_wait3A_834 = tpu.memref_squeeze %dma_wait3A_833 : memref<1x32x128xf32, #tpu.memory_space<vmem>> -> memref<32x128xf32, #tpu.memory_space<vmem>>
    %dma_wait3A_835 = arith.constant 168 : i32
    %dma_wait3A_836 = tpu.memref_slice %arg2[%dma_wait3A_828, %dma_wait3A_829, %dma_wait3A_835, %mul3A_2] : memref<3x7x200x4096xf32, #tpu.memory_space<hbm>> -> memref<1x1x32x128xf32, #tpu.memory_space<hbm>>
    %dma_wait3A_837 = tpu.memref_squeeze %dma_wait3A_836 : memref<1x1x32x128xf32, #tpu.memory_space<hbm>> -> memref<32x128xf32, #tpu.memory_space<hbm>>
    %dma_wait3A_838 = arith.constant 0 : i32
    %dma_wait3A_839 = arith.constant 0 : i32
    %dma_wait3A_840 = tpu.memref_slice %arg7[%dma_wait3A_830, %dma_wait3A_838, %dma_wait3A_839] : memref<21x32x128xf32, #tpu.memory_space<vmem>> -> memref<1x32x128xf32, #tpu.memory_space<vmem>>
    %dma_wait3A_841 = tpu.memref_squeeze %dma_wait3A_840 : memref<1x32x128xf32, #tpu.memory_space<vmem>> -> memref<32x128xf32, #tpu.memory_space<vmem>>
    %dma_wait3A_842 = arith.constant 168 : i32
    %dma_wait3A_843 = tpu.memref_slice %arg2[%dma_wait3A_828, %dma_wait3A_829, %dma_wait3A_842, %mul3A_2] : memref<3x7x200x4096xf32, #tpu.memory_space<hbm>> -> memref<1x1x32x128xf32, #tpu.memory_space<hbm>>
    %dma_wait3A_844 = tpu.memref_squeeze %dma_wait3A_843 : memref<1x1x32x128xf32, #tpu.memory_space<hbm>> -> memref<32x128xf32, #tpu.memory_space<hbm>>
    tpu.wait_dma2 semaphore(%arg12 : memref<!tpu.dma_semaphore, #tpu.memory_space<semaphore_mem>>) src(%dma_wait3A_844 : memref<32x128xf32, #tpu.memory_space<hbm>>) dst(%dma_wait3A_841 : memref<32x128xf32, #tpu.memory_space<vmem>>)
    %dma_wait3A_845 = arith.constant 2 : i32
    %dma_wait3A_846 = arith.constant 5 : i32
    %dma_wait3A_847 = arith.constant 19 : i32
    %dma_wait3A_848 = arith.constant 0 : i32
    %dma_wait3A_849 = arith.constant 0 : i32
    %dma_wait3A_850 = tpu.memref_slice %arg7[%dma_wait3A_847, %dma_wait3A_848, %dma_wait3A_849] : memref<21x32x128xf32, #tpu.memory_space<vmem>> -> memref<1x32x128xf32, #tpu.memory_space<vmem>>
    %dma_wait3A_851 = tpu.memref_squeeze %dma_wait3A_850 : memref<1x32x128xf32, #tpu.memory_space<vmem>> -> memref<32x128xf32, #tpu.memory_space<vmem>>
    %dma_wait3A_852 = arith.constant 168 : i32
    %dma_wait3A_853 = tpu.memref_slice %arg2[%dma_wait3A_845, %dma_wait3A_846, %dma_wait3A_852, %mul3A_2] : memref<3x7x200x4096xf32, #tpu.memory_space<hbm>> -> memref<1x1x32x128xf32, #tpu.memory_space<hbm>>
    %dma_wait3A_854 = tpu.memref_squeeze %dma_wait3A_853 : memref<1x1x32x128xf32, #tpu.memory_space<hbm>> -> memref<32x128xf32, #tpu.memory_space<hbm>>
    %dma_wait3A_855 = arith.constant 0 : i32
    %dma_wait3A_856 = arith.constant 0 : i32
    %dma_wait3A_857 = tpu.memref_slice %arg7[%dma_wait3A_847, %dma_wait3A_855, %dma_wait3A_856] : memref<21x32x128xf32, #tpu.memory_space<vmem>> -> memref<1x32x128xf32, #tpu.memory_space<vmem>>
    %dma_wait3A_858 = tpu.memref_squeeze %dma_wait3A_857 : memref<1x32x128xf32, #tpu.memory_space<vmem>> -> memref<32x128xf32, #tpu.memory_space<vmem>>
    %dma_wait3A_859 = arith.constant 168 : i32
    %dma_wait3A_860 = tpu.memref_slice %arg2[%dma_wait3A_845, %dma_wait3A_846, %dma_wait3A_859, %mul3A_2] : memref<3x7x200x4096xf32, #tpu.memory_space<hbm>> -> memref<1x1x32x128xf32, #tpu.memory_space<hbm>>
    %dma_wait3A_861 = tpu.memref_squeeze %dma_wait3A_860 : memref<1x1x32x128xf32, #tpu.memory_space<hbm>> -> memref<32x128xf32, #tpu.memory_space<hbm>>
    tpu.wait_dma2 semaphore(%arg12 : memref<!tpu.dma_semaphore, #tpu.memory_space<semaphore_mem>>) src(%dma_wait3A_861 : memref<32x128xf32, #tpu.memory_space<hbm>>) dst(%dma_wait3A_858 : memref<32x128xf32, #tpu.memory_space<vmem>>)
    %dma_wait3A_862 = arith.constant 2 : i32
    %dma_wait3A_863 = arith.constant 6 : i32
    %dma_wait3A_864 = arith.constant 20 : i32
    %dma_wait3A_865 = arith.constant 0 : i32
    %dma_wait3A_866 = arith.constant 0 : i32
    %dma_wait3A_867 = tpu.memref_slice %arg7[%dma_wait3A_864, %dma_wait3A_865, %dma_wait3A_866] : memref<21x32x128xf32, #tpu.memory_space<vmem>> -> memref<1x32x128xf32, #tpu.memory_space<vmem>>
    %dma_wait3A_868 = tpu.memref_squeeze %dma_wait3A_867 : memref<1x32x128xf32, #tpu.memory_space<vmem>> -> memref<32x128xf32, #tpu.memory_space<vmem>>
    %dma_wait3A_869 = arith.constant 168 : i32
    %dma_wait3A_870 = tpu.memref_slice %arg2[%dma_wait3A_862, %dma_wait3A_863, %dma_wait3A_869, %mul3A_2] : memref<3x7x200x4096xf32, #tpu.memory_space<hbm>> -> memref<1x1x32x128xf32, #tpu.memory_space<hbm>>
    %dma_wait3A_871 = tpu.memref_squeeze %dma_wait3A_870 : memref<1x1x32x128xf32, #tpu.memory_space<hbm>> -> memref<32x128xf32, #tpu.memory_space<hbm>>
    %dma_wait3A_872 = arith.constant 0 : i32
    %dma_wait3A_873 = arith.constant 0 : i32
    %dma_wait3A_874 = tpu.memref_slice %arg7[%dma_wait3A_864, %dma_wait3A_872, %dma_wait3A_873] : memref<21x32x128xf32, #tpu.memory_space<vmem>> -> memref<1x32x128xf32, #tpu.memory_space<vmem>>
    %dma_wait3A_875 = tpu.memref_squeeze %dma_wait3A_874 : memref<1x32x128xf32, #tpu.memory_space<vmem>> -> memref<32x128xf32, #tpu.memory_space<vmem>>
    %dma_wait3A_876 = arith.constant 168 : i32
    %dma_wait3A_877 = tpu.memref_slice %arg2[%dma_wait3A_862, %dma_wait3A_863, %dma_wait3A_876, %mul3A_2] : memref<3x7x200x4096xf32, #tpu.memory_space<hbm>> -> memref<1x1x32x128xf32, #tpu.memory_space<hbm>>
    %dma_wait3A_878 = tpu.memref_squeeze %dma_wait3A_877 : memref<1x1x32x128xf32, #tpu.memory_space<hbm>> -> memref<32x128xf32, #tpu.memory_space<hbm>>
    tpu.wait_dma2 semaphore(%arg12 : memref<!tpu.dma_semaphore, #tpu.memory_space<semaphore_mem>>) src(%dma_wait3A_878 : memref<32x128xf32, #tpu.memory_space<hbm>>) dst(%dma_wait3A_875 : memref<32x128xf32, #tpu.memory_space<vmem>>)
    %dma_wait3A_879 = arith.constant 2 : i32
    %dma_wait3A_880 = arith.constant 2 : i32
    %dma_wait3A_881 = arith.constant 0 : i32
    %dma_wait3A_882 = arith.constant 0 : i32
    %dma_wait3A_883 = tpu.memref_slice %arg8[%dma_wait3A_880, %dma_wait3A_881, %dma_wait3A_882] : memref<3x32x128xi32, #tpu.memory_space<vmem>> -> memref<1x32x128xi32, #tpu.memory_space<vmem>>
    %dma_wait3A_884 = tpu.memref_squeeze %dma_wait3A_883 : memref<1x32x128xi32, #tpu.memory_space<vmem>> -> memref<32x128xi32, #tpu.memory_space<vmem>>
    %dma_wait3A_885 = arith.constant 168 : i32
    %dma_wait3A_886 = tpu.memref_slice %arg3[%dma_wait3A_879, %dma_wait3A_885, %mul3A_2] : memref<3x200x4096xi32, #tpu.memory_space<hbm>> -> memref<1x32x128xi32, #tpu.memory_space<hbm>>
    %dma_wait3A_887 = tpu.memref_squeeze %dma_wait3A_886 : memref<1x32x128xi32, #tpu.memory_space<hbm>> -> memref<32x128xi32, #tpu.memory_space<hbm>>
    %dma_wait3A_888 = arith.constant 0 : i32
    %dma_wait3A_889 = arith.constant 0 : i32
    %dma_wait3A_890 = tpu.memref_slice %arg8[%dma_wait3A_880, %dma_wait3A_888, %dma_wait3A_889] : memref<3x32x128xi32, #tpu.memory_space<vmem>> -> memref<1x32x128xi32, #tpu.memory_space<vmem>>
    %dma_wait3A_891 = tpu.memref_squeeze %dma_wait3A_890 : memref<1x32x128xi32, #tpu.memory_space<vmem>> -> memref<32x128xi32, #tpu.memory_space<vmem>>
    %dma_wait3A_892 = arith.constant 168 : i32
    %dma_wait3A_893 = tpu.memref_slice %arg3[%dma_wait3A_879, %dma_wait3A_892, %mul3A_2] : memref<3x200x4096xi32, #tpu.memory_space<hbm>> -> memref<1x32x128xi32, #tpu.memory_space<hbm>>
    %dma_wait3A_894 = tpu.memref_squeeze %dma_wait3A_893 : memref<1x32x128xi32, #tpu.memory_space<hbm>> -> memref<32x128xi32, #tpu.memory_space<hbm>>
    tpu.wait_dma2 semaphore(%arg12 : memref<!tpu.dma_semaphore, #tpu.memory_space<semaphore_mem>>) src(%dma_wait3A_894 : memref<32x128xi32, #tpu.memory_space<hbm>>) dst(%dma_wait3A_891 : memref<32x128xi32, #tpu.memory_space<vmem>>)
    %dma_wait3A_895 = arith.constant 2 : i32
    %dma_wait3A_896 = arith.constant 2 : i32
    %dma_wait3A_897 = arith.constant 0 : i32
    %dma_wait3A_898 = arith.constant 0 : i32
    %dma_wait3A_899 = tpu.memref_slice %arg9[%dma_wait3A_896, %dma_wait3A_897, %dma_wait3A_898] : memref<3x32x128xf32, #tpu.memory_space<vmem>> -> memref<1x32x128xf32, #tpu.memory_space<vmem>>
    %dma_wait3A_900 = tpu.memref_squeeze %dma_wait3A_899 : memref<1x32x128xf32, #tpu.memory_space<vmem>> -> memref<32x128xf32, #tpu.memory_space<vmem>>
    %dma_wait3A_901 = arith.constant 168 : i32
    %dma_wait3A_902 = tpu.memref_slice %arg5[%dma_wait3A_895, %dma_wait3A_901, %mul3A_2] : memref<3x200x4096xf32, #tpu.memory_space<hbm>> -> memref<1x32x128xf32, #tpu.memory_space<hbm>>
    %dma_wait3A_903 = tpu.memref_squeeze %dma_wait3A_902 : memref<1x32x128xf32, #tpu.memory_space<hbm>> -> memref<32x128xf32, #tpu.memory_space<hbm>>
    %dma_wait3A_904 = arith.constant 0 : i32
    %dma_wait3A_905 = arith.constant 0 : i32
    %dma_wait3A_906 = tpu.memref_slice %arg9[%dma_wait3A_896, %dma_wait3A_904, %dma_wait3A_905] : memref<3x32x128xf32, #tpu.memory_space<vmem>> -> memref<1x32x128xf32, #tpu.memory_space<vmem>>
    %dma_wait3A_907 = tpu.memref_squeeze %dma_wait3A_906 : memref<1x32x128xf32, #tpu.memory_space<vmem>> -> memref<32x128xf32, #tpu.memory_space<vmem>>
    %dma_wait3A_908 = arith.constant 168 : i32
    %dma_wait3A_909 = tpu.memref_slice %arg5[%dma_wait3A_895, %dma_wait3A_908, %mul3A_2] : memref<3x200x4096xf32, #tpu.memory_space<hbm>> -> memref<1x32x128xf32, #tpu.memory_space<hbm>>
    %dma_wait3A_910 = tpu.memref_squeeze %dma_wait3A_909 : memref<1x32x128xf32, #tpu.memory_space<hbm>> -> memref<32x128xf32, #tpu.memory_space<hbm>>
    tpu.wait_dma2 semaphore(%arg12 : memref<!tpu.dma_semaphore, #tpu.memory_space<semaphore_mem>>) src(%dma_wait3A_910 : memref<32x128xf32, #tpu.memory_space<hbm>>) dst(%dma_wait3A_907 : memref<32x128xf32, #tpu.memory_space<vmem>>)
    %dma_wait3A_911 = arith.constant 168 : i32
    %dma_wait3A_912 = tpu.memref_slice %arg4[%dma_wait3A_911, %mul3A_2] : memref<200x4096xf32, #tpu.memory_space<hbm>> -> memref<32x128xf32, #tpu.memory_space<hbm>>
    %dma_wait3A_913 = arith.constant 168 : i32
    %dma_wait3A_914 = tpu.memref_slice %arg4[%dma_wait3A_913, %mul3A_2] : memref<200x4096xf32, #tpu.memory_space<hbm>> -> memref<32x128xf32, #tpu.memory_space<hbm>>
    tpu.wait_dma2 semaphore(%arg12 : memref<!tpu.dma_semaphore, #tpu.memory_space<semaphore_mem>>) src(%dma_wait3A_914 : memref<32x128xf32, #tpu.memory_space<hbm>>) dst(%arg10 : memref<32x128xf32, #tpu.memory_space<vmem>>)
    %broadcast_in_dim3A = arith.constant 0.000000e+00 : f32
    %broadcast_in_dim3A_915 = vector.broadcast %broadcast_in_dim3A : f32 to vector<16xf32>
    %scan3A = arith.constant 0 : i32
    %scan3A_916 = arith.constant 256 : i32
    %scan3A_917 = arith.addi %scan3A, %scan3A_916 : i32
    %scan3A_918 = arith.constant 1 : i32
    %scan3A_919:3 = scf.for %scan3A_938 = %scan3A to %scan3A_917 step %scan3A_918 iter_args(%scan3A_939 = %broadcast_in_dim3A_915, %scan3A_940 = %broadcast_in_dim3A_915, %scan3A_941 = %broadcast_in_dim3A_915) -> (vector<16xf32>, vector<16xf32>, vector<16xf32>)  : i32 {
      %jit3A = arith.constant 8 : i32
      %div3A = arith.divsi %scan3A_938, %jit3A : i32
      %sign3A = arith.constant 0 : i32
      %sign3A_942 = arith.cmpi sgt, %scan3A_938, %sign3A : i32
      %sign3A_943 = arith.extui %sign3A_942 : i1 to i32
      %sign3A_944 = arith.constant 0 : i32
      %sign3A_945 = arith.cmpi slt, %scan3A_938, %sign3A_944 : i32
      %sign3A_946 = arith.extui %sign3A_945 : i1 to i32
      %sign3A_947 = arith.subi %sign3A_943, %sign3A_946 : i32
      %sign3A_948 = arith.constant 0 : i32
      %sign3A_949 = arith.cmpi sgt, %jit3A, %sign3A_948 : i32
      %sign3A_950 = arith.extui %sign3A_949 : i1 to i32
      %sign3A_951 = arith.constant 0 : i32
      %sign3A_952 = arith.cmpi slt, %jit3A, %sign3A_951 : i32
      %sign3A_953 = arith.extui %sign3A_952 : i1 to i32
      %sign3A_954 = arith.subi %sign3A_950, %sign3A_953 : i32
      %ne3A = arith.cmpi ne, %sign3A_947, %sign3A_954 : i32
      %rem3A = arith.remsi %scan3A_938, %jit3A : i32
      %ne3A_955 = arith.constant 0 : i32
      %ne3A_956 = arith.cmpi ne, %rem3A, %ne3A_955 : i32
      %and3A = arith.andi %ne3A, %ne3A_956 : i1
      %sub3A = arith.constant 1 : i32
      %sub3A_957 = arith.subi %div3A, %sub3A : i32
      %select_n3A = arith.select %and3A, %sub3A_957, %div3A : i32
      %jit3A_958 = arith.constant 8 : i32
      %eq3A = arith.constant 0 : i32
      %eq3A_959 = arith.cmpi eq, %jit3A_958, %eq3A : i32
      %jit3A_960 = arith.constant 1 : i32
      %select_n3A_961 = arith.select %eq3A_959, %jit3A_960, %jit3A_958 : i32
      %rem3A_962 = arith.remsi %scan3A_938, %select_n3A_961 : i32
      %ne3A_963 = arith.constant 0 : i32
      %ne3A_964 = arith.cmpi ne, %rem3A_962, %ne3A_963 : i32
      %lt3A = arith.constant 0 : i32
      %lt3A_965 = arith.cmpi slt, %rem3A_962, %lt3A : i32
      %lt3A_966 = arith.constant 0 : i32
      %lt3A_967 = arith.cmpi slt, %select_n3A_961, %lt3A_966 : i32
      %ne3A_968 = arith.xori %lt3A_965, %lt3A_967 : i1
      %and3A_969 = arith.andi %ne3A_968, %ne3A_964 : i1
      %add3A_970 = arith.addi %rem3A_962, %select_n3A_961 : i32
      %select_n3A_971 = arith.select %and3A_969, %add3A_970, %rem3A_962 : i32
      %mul3A_972 = arith.constant 16 : i32
      %mul3A_973 = arith.muli %select_n3A_971, %mul3A_972 : i32
      %get3A = arith.index_cast %select_n3A : i32 to index
      %get3A_974 = arith.index_cast %mul3A_973 : i32 to index
      %get3A_975 = tpu.vector_load %arg10[%get3A, %get3A_974] {strides = array<i32>} : memref<32x128xf32, #tpu.memory_space<vmem>>, vector<1x16xf32>,
      %get3A_976 = vector.shape_cast %get3A_975 : vector<1x16xf32> to vector<16xf32>
      %lt3A_977 = arith.constant 5.000000e-01 : f32
      %lt3A_978 = vector.broadcast %lt3A_977 : f32 to vector<16xf32>
      %lt3A_979 = arith.cmpf olt, %get3A_976, %lt3A_978 : vector<16xf32>
      %jit3A_980 = arith.constant 1.000000e+00 : f32
      %jit3A_981 = arith.constant 0.000000e+00 : f32
      %broadcast_in_dim3A_982 = vector.broadcast %jit3A_980 : f32 to vector<16xf32>
      %broadcast_in_dim3A_983 = vector.broadcast %jit3A_981 : f32 to vector<16xf32>
      %select_n3A_984 = arith.select %lt3A_979, %broadcast_in_dim3A_982, %broadcast_in_dim3A_983 : vector<16xi1>, vector<16xf32>
      %get3A_985 = arith.constant 0 : i32
      %get3A_986 = arith.index_cast %get3A_985 : i32 to index
      %get3A_987 = arith.index_cast %select_n3A : i32 to index
      %get3A_988 = arith.index_cast %mul3A_973 : i32 to index
      %get3A_989 = tpu.vector_load %arg8[%get3A_986, %get3A_987, %get3A_988] {strides = array<i32>} : memref<3x32x128xi32, #tpu.memory_space<vmem>>, vector<1x1x16xi32>,
      %get3A_990 = vector.shape_cast %get3A_989 : vector<1x1x16xi32> to vector<16xi32>
      %get3A_991 = arith.constant 0 : i32
      %get3A_992 = arith.index_cast %get3A_991 : i32 to index
      %get3A_993 = arith.index_cast %select_n3A : i32 to index
      %get3A_994 = arith.index_cast %mul3A_973 : i32 to index
      %get3A_995 = tpu.vector_load %arg9[%get3A_992, %get3A_993, %get3A_994] {strides = array<i32>} : memref<3x32x128xf32, #tpu.memory_space<vmem>>, vector<1x1x16xf32>,
      %get3A_996 = vector.shape_cast %get3A_995 : vector<1x1x16xf32> to vector<16xf32>
      %get3A_997 = arith.constant 0 : i32
      %get3A_998 = arith.index_cast %get3A_997 : i32 to index
      %get3A_999 = arith.index_cast %select_n3A : i32 to index
      %get3A_1000 = arith.index_cast %mul3A_973 : i32 to index
      %get3A_1001 = tpu.vector_load %arg7[%get3A_998, %get3A_999, %get3A_1000] {strides = array<i32>} : memref<21x32x128xf32, #tpu.memory_space<vmem>>, vector<1x1x16xf32>,
      %get3A_1002 = vector.shape_cast %get3A_1001 : vector<1x1x16xf32> to vector<16xf32>
      %get3A_1003 = arith.constant 1 : i32
      %get3A_1004 = arith.index_cast %get3A_1003 : i32 to index
      %get3A_1005 = arith.index_cast %select_n3A : i32 to index
      %get3A_1006 = arith.index_cast %mul3A_973 : i32 to index
      %get3A_1007 = tpu.vector_load %arg7[%get3A_1004, %get3A_1005, %get3A_1006] {strides = array<i32>} : memref<21x32x128xf32, #tpu.memory_space<vmem>>, vector<1x1x16xf32>,
      %get3A_1008 = vector.shape_cast %get3A_1007 : vector<1x1x16xf32> to vector<16xf32>
      %max3A = arith.maximumf %get3A_1002, %get3A_1008 : vector<16xf32>
      %eq3A_1009 = arith.constant 1 : i32
      %eq3A_1010 = vector.broadcast %eq3A_1009 : i32 to vector<16xi32>
      %eq3A_1011 = arith.cmpi eq, %get3A_990, %eq3A_1010 : vector<16xi32>
      %select_n3A_1012 = arith.select %eq3A_1011, %get3A_1008, %get3A_1002 : vector<16xi1>, vector<16xf32>
      %get3A_1013 = arith.constant 2 : i32
      %get3A_1014 = arith.index_cast %get3A_1013 : i32 to index
      %get3A_1015 = arith.index_cast %select_n3A : i32 to index
      %get3A_1016 = arith.index_cast %mul3A_973 : i32 to index
      %get3A_1017 = tpu.vector_load %arg7[%get3A_1014, %get3A_1015, %get3A_1016] {strides = array<i32>} : memref<21x32x128xf32, #tpu.memory_space<vmem>>, vector<1x1x16xf32>,
      %get3A_1018 = vector.shape_cast %get3A_1017 : vector<1x1x16xf32> to vector<16xf32>
      %max3A_1019 = arith.maximumf %max3A, %get3A_1018 : vector<16xf32>
      %eq3A_1020 = arith.constant 2 : i32
      %eq3A_1021 = vector.broadcast %eq3A_1020 : i32 to vector<16xi32>
      %eq3A_1022 = arith.cmpi eq, %get3A_990, %eq3A_1021 : vector<16xi32>
      %select_n3A_1023 = arith.select %eq3A_1022, %get3A_1018, %select_n3A_1012 : vector<16xi1>, vector<16xf32>
      %get3A_1024 = arith.constant 3 : i32
      %get3A_1025 = arith.index_cast %get3A_1024 : i32 to index
      %get3A_1026 = arith.index_cast %select_n3A : i32 to index
      %get3A_1027 = arith.index_cast %mul3A_973 : i32 to index
      %get3A_1028 = tpu.vector_load %arg7[%get3A_1025, %get3A_1026, %get3A_1027] {strides = array<i32>} : memref<21x32x128xf32, #tpu.memory_space<vmem>>, vector<1x1x16xf32>,
      %get3A_1029 = vector.shape_cast %get3A_1028 : vector<1x1x16xf32> to vector<16xf32>
      %max3A_1030 = arith.maximumf %max3A_1019, %get3A_1029 : vector<16xf32>
      %eq3A_1031 = arith.constant 3 : i32
      %eq3A_1032 = vector.broadcast %eq3A_1031 : i32 to vector<16xi32>
      %eq3A_1033 = arith.cmpi eq, %get3A_990, %eq3A_1032 : vector<16xi32>
      %select_n3A_1034 = arith.select %eq3A_1033, %get3A_1029, %select_n3A_1023 : vector<16xi1>, vector<16xf32>
      %get3A_1035 = arith.constant 4 : i32
      %get3A_1036 = arith.index_cast %get3A_1035 : i32 to index
      %get3A_1037 = arith.index_cast %select_n3A : i32 to index
      %get3A_1038 = arith.index_cast %mul3A_973 : i32 to index
      %get3A_1039 = tpu.vector_load %arg7[%get3A_1036, %get3A_1037, %get3A_1038] {strides = array<i32>} : memref<21x32x128xf32, #tpu.memory_space<vmem>>, vector<1x1x16xf32>,
      %get3A_1040 = vector.shape_cast %get3A_1039 : vector<1x1x16xf32> to vector<16xf32>
      %max3A_1041 = arith.maximumf %max3A_1030, %get3A_1040 : vector<16xf32>
      %eq3A_1042 = arith.constant 4 : i32
      %eq3A_1043 = vector.broadcast %eq3A_1042 : i32 to vector<16xi32>
      %eq3A_1044 = arith.cmpi eq, %get3A_990, %eq3A_1043 : vector<16xi32>
      %select_n3A_1045 = arith.select %eq3A_1044, %get3A_1040, %select_n3A_1034 : vector<16xi1>, vector<16xf32>
      %get3A_1046 = arith.constant 5 : i32
      %get3A_1047 = arith.index_cast %get3A_1046 : i32 to index
      %get3A_1048 = arith.index_cast %select_n3A : i32 to index
      %get3A_1049 = arith.index_cast %mul3A_973 : i32 to index
      %get3A_1050 = tpu.vector_load %arg7[%get3A_1047, %get3A_1048, %get3A_1049] {strides = array<i32>} : memref<21x32x128xf32, #tpu.memory_space<vmem>>, vector<1x1x16xf32>,
      %get3A_1051 = vector.shape_cast %get3A_1050 : vector<1x1x16xf32> to vector<16xf32>
      %max3A_1052 = arith.maximumf %max3A_1041, %get3A_1051 : vector<16xf32>
      %eq3A_1053 = arith.constant 5 : i32
      %eq3A_1054 = vector.broadcast %eq3A_1053 : i32 to vector<16xi32>
      %eq3A_1055 = arith.cmpi eq, %get3A_990, %eq3A_1054 : vector<16xi32>
      %select_n3A_1056 = arith.select %eq3A_1055, %get3A_1051, %select_n3A_1045 : vector<16xi1>, vector<16xf32>
      %get3A_1057 = arith.constant 6 : i32
      %get3A_1058 = arith.index_cast %get3A_1057 : i32 to index
      %get3A_1059 = arith.index_cast %select_n3A : i32 to index
      %get3A_1060 = arith.index_cast %mul3A_973 : i32 to index
      %get3A_1061 = tpu.vector_load %arg7[%get3A_1058, %get3A_1059, %get3A_1060] {strides = array<i32>} : memref<21x32x128xf32, #tpu.memory_space<vmem>>, vector<1x1x16xf32>,
      %get3A_1062 = vector.shape_cast %get3A_1061 : vector<1x1x16xf32> to vector<16xf32>
      %max3A_1063 = arith.maximumf %max3A_1052, %get3A_1062 : vector<16xf32>
      %eq3A_1064 = arith.constant 6 : i32
      %eq3A_1065 = vector.broadcast %eq3A_1064 : i32 to vector<16xi32>
      %eq3A_1066 = arith.cmpi eq, %get3A_990, %eq3A_1065 : vector<16xi32>
      %select_n3A_1067 = arith.select %eq3A_1066, %get3A_1062, %select_n3A_1056 : vector<16xi1>, vector<16xf32>
      %bitcast_convert_type3A = tpu.bitcast %select_n3A_1067 : vector<16xf32> -> vector<16xi32>
      %shift_right_logical3A = arith.constant 23 : i32
      %shift_right_logical3A_1068 = vector.broadcast %shift_right_logical3A : i32 to vector<16xi32>
      %shift_right_logical3A_1069 = arith.shrui %bitcast_convert_type3A, %shift_right_logical3A_1068 : vector<16xi32>
      %sub3A_1070 = arith.constant 127 : i32
      %sub3A_1071 = vector.broadcast %sub3A_1070 : i32 to vector<16xi32>
      %sub3A_1072 = arith.subi %shift_right_logical3A_1069, %sub3A_1071 : vector<16xi32>
      %and3A_1073 = arith.constant 8388607 : i32
      %and3A_1074 = vector.broadcast %and3A_1073 : i32 to vector<16xi32>
      %and3A_1075 = arith.andi %bitcast_convert_type3A, %and3A_1074 : vector<16xi32>
      %or3A = arith.constant 1065353216 : i32
      %or3A_1076 = vector.broadcast %or3A : i32 to vector<16xi32>
      %or3A_1077 = arith.ori %and3A_1075, %or3A_1076 : vector<16xi32>
      %bitcast_convert_type3A_1078 = tpu.bitcast %or3A_1077 : vector<16xi32> -> vector<16xf32>
      %sub3A_1079 = arith.constant 1.000000e+00 : f32
      %sub3A_1080 = vector.broadcast %sub3A_1079 : f32 to vector<16xf32>
      %sub3A_1081 = arith.subf %bitcast_convert_type3A_1078, %sub3A_1080 : vector<16xf32>
      %broadcast_in_dim3A_1082 = arith.constant 0.0434283651 : f32
      %broadcast_in_dim3A_1083 = vector.broadcast %broadcast_in_dim3A_1082 : f32 to vector<16xf32>
      %mul3A_1084 = arith.mulf %broadcast_in_dim3A_1083, %sub3A_1081 : vector<16xf32>
      %add3A_1085 = arith.constant -0.187720492 : f32
      %add3A_1086 = vector.broadcast %add3A_1085 : f32 to vector<16xf32>
      %add3A_1087 = arith.addf %mul3A_1084, %add3A_1086 : vector<16xf32>
      %mul3A_1088 = arith.mulf %add3A_1087, %sub3A_1081 : vector<16xf32>
      %add3A_1089 = arith.constant 0.408718944 : f32
      %add3A_1090 = vector.broadcast %add3A_1089 : f32 to vector<16xf32>
      %add3A_1091 = arith.addf %mul3A_1088, %add3A_1090 : vector<16xf32>
      %mul3A_1092 = arith.mulf %add3A_1091, %sub3A_1081 : vector<16xf32>
      %add3A_1093 = arith.constant -0.705702602 : f32
      %add3A_1094 = vector.broadcast %add3A_1093 : f32 to vector<16xf32>
      %add3A_1095 = arith.addf %mul3A_1092, %add3A_1094 : vector<16xf32>
      %mul3A_1096 = arith.mulf %add3A_1095, %sub3A_1081 : vector<16xf32>
      %add3A_1097 = arith.constant 1.44126713 : f32
      %add3A_1098 = vector.broadcast %add3A_1097 : f32 to vector<16xf32>
      %add3A_1099 = arith.addf %mul3A_1096, %add3A_1098 : vector<16xf32>
      %mul3A_1100 = arith.mulf %add3A_1099, %sub3A_1081 : vector<16xf32>
      %add3A_1101 = arith.constant 3.19308565E-5 : f32
      %add3A_1102 = vector.broadcast %add3A_1101 : f32 to vector<16xf32>
      %add3A_1103 = arith.addf %mul3A_1100, %add3A_1102 : vector<16xf32>
      %convert_element_type3A = arith.sitofp %sub3A_1072 : vector<16xi32> to vector<16xf32>
      %add3A_1104 = arith.addf %convert_element_type3A, %add3A_1103 : vector<16xf32>
      %mul3A_1105 = arith.constant 0.693147182 : f32
      %mul3A_1106 = vector.broadcast %mul3A_1105 : f32 to vector<16xf32>
      %mul3A_1107 = arith.mulf %mul3A_1106, %add3A_1104 : vector<16xf32>
      %mul3A_1108 = arith.mulf %get3A_996, %select_n3A_984 : vector<16xf32>
      %mul3A_1109 = arith.mulf %mul3A_1107, %mul3A_1108 : vector<16xf32>
      %add3A_1110 = arith.addf %scan3A_939, %mul3A_1109 : vector<16xf32>
      %ge3A = arith.cmpf oge, %select_n3A_1067, %max3A_1063 : vector<16xf32>
      %and3A_1111 = arith.andi %lt3A_979, %ge3A : vector<16xi1>
      %get3A_1112 = arith.constant 1 : i32
      %get3A_1113 = arith.index_cast %get3A_1112 : i32 to index
      %get3A_1114 = arith.index_cast %select_n3A : i32 to index
      %get3A_1115 = arith.index_cast %mul3A_973 : i32 to index
      %get3A_1116 = tpu.vector_load %arg8[%get3A_1113, %get3A_1114, %get3A_1115] {strides = array<i32>} : memref<3x32x128xi32, #tpu.memory_space<vmem>>, vector<1x1x16xi32>,
      %get3A_1117 = vector.shape_cast %get3A_1116 : vector<1x1x16xi32> to vector<16xi32>
      %get3A_1118 = arith.constant 1 : i32
      %get3A_1119 = arith.index_cast %get3A_1118 : i32 to index
      %get3A_1120 = arith.index_cast %select_n3A : i32 to index
      %get3A_1121 = arith.index_cast %mul3A_973 : i32 to index
      %get3A_1122 = tpu.vector_load %arg9[%get3A_1119, %get3A_1120, %get3A_1121] {strides = array<i32>} : memref<3x32x128xf32, #tpu.memory_space<vmem>>, vector<1x1x16xf32>,
      %get3A_1123 = vector.shape_cast %get3A_1122 : vector<1x1x16xf32> to vector<16xf32>
      %get3A_1124 = arith.constant 7 : i32
      %get3A_1125 = arith.index_cast %get3A_1124 : i32 to index
      %get3A_1126 = arith.index_cast %select_n3A : i32 to index
      %get3A_1127 = arith.index_cast %mul3A_973 : i32 to index
      %get3A_1128 = tpu.vector_load %arg7[%get3A_1125, %get3A_1126, %get3A_1127] {strides = array<i32>} : memref<21x32x128xf32, #tpu.memory_space<vmem>>, vector<1x1x16xf32>,
      %get3A_1129 = vector.shape_cast %get3A_1128 : vector<1x1x16xf32> to vector<16xf32>
      %get3A_1130 = arith.constant 8 : i32
      %get3A_1131 = arith.index_cast %get3A_1130 : i32 to index
      %get3A_1132 = arith.index_cast %select_n3A : i32 to index
      %get3A_1133 = arith.index_cast %mul3A_973 : i32 to index
      %get3A_1134 = tpu.vector_load %arg7[%get3A_1131, %get3A_1132, %get3A_1133] {strides = array<i32>} : memref<21x32x128xf32, #tpu.memory_space<vmem>>, vector<1x1x16xf32>,
      %get3A_1135 = vector.shape_cast %get3A_1134 : vector<1x1x16xf32> to vector<16xf32>
      %max3A_1136 = arith.maximumf %get3A_1129, %get3A_1135 : vector<16xf32>
      %eq3A_1137 = arith.constant 1 : i32
      %eq3A_1138 = vector.broadcast %eq3A_1137 : i32 to vector<16xi32>
      %eq3A_1139 = arith.cmpi eq, %get3A_1117, %eq3A_1138 : vector<16xi32>
      %select_n3A_1140 = arith.select %eq3A_1139, %get3A_1135, %get3A_1129 : vector<16xi1>, vector<16xf32>
      %get3A_1141 = arith.constant 9 : i32
      %get3A_1142 = arith.index_cast %get3A_1141 : i32 to index
      %get3A_1143 = arith.index_cast %select_n3A : i32 to index
      %get3A_1144 = arith.index_cast %mul3A_973 : i32 to index
      %get3A_1145 = tpu.vector_load %arg7[%get3A_1142, %get3A_1143, %get3A_1144] {strides = array<i32>} : memref<21x32x128xf32, #tpu.memory_space<vmem>>, vector<1x1x16xf32>,
      %get3A_1146 = vector.shape_cast %get3A_1145 : vector<1x1x16xf32> to vector<16xf32>
      %max3A_1147 = arith.maximumf %max3A_1136, %get3A_1146 : vector<16xf32>
      %eq3A_1148 = arith.constant 2 : i32
      %eq3A_1149 = vector.broadcast %eq3A_1148 : i32 to vector<16xi32>
      %eq3A_1150 = arith.cmpi eq, %get3A_1117, %eq3A_1149 : vector<16xi32>
      %select_n3A_1151 = arith.select %eq3A_1150, %get3A_1146, %select_n3A_1140 : vector<16xi1>, vector<16xf32>
      %get3A_1152 = arith.constant 10 : i32
      %get3A_1153 = arith.index_cast %get3A_1152 : i32 to index
      %get3A_1154 = arith.index_cast %select_n3A : i32 to index
      %get3A_1155 = arith.index_cast %mul3A_973 : i32 to index
      %get3A_1156 = tpu.vector_load %arg7[%get3A_1153, %get3A_1154, %get3A_1155] {strides = array<i32>} : memref<21x32x128xf32, #tpu.memory_space<vmem>>, vector<1x1x16xf32>,
      %get3A_1157 = vector.shape_cast %get3A_1156 : vector<1x1x16xf32> to vector<16xf32>
      %max3A_1158 = arith.maximumf %max3A_1147, %get3A_1157 : vector<16xf32>
      %eq3A_1159 = arith.constant 3 : i32
      %eq3A_1160 = vector.broadcast %eq3A_1159 : i32 to vector<16xi32>
      %eq3A_1161 = arith.cmpi eq, %get3A_1117, %eq3A_1160 : vector<16xi32>
      %select_n3A_1162 = arith.select %eq3A_1161, %get3A_1157, %select_n3A_1151 : vector<16xi1>, vector<16xf32>
      %get3A_1163 = arith.constant 11 : i32
      %get3A_1164 = arith.index_cast %get3A_1163 : i32 to index
      %get3A_1165 = arith.index_cast %select_n3A : i32 to index
      %get3A_1166 = arith.index_cast %mul3A_973 : i32 to index
      %get3A_1167 = tpu.vector_load %arg7[%get3A_1164, %get3A_1165, %get3A_1166] {strides = array<i32>} : memref<21x32x128xf32, #tpu.memory_space<vmem>>, vector<1x1x16xf32>,
      %get3A_1168 = vector.shape_cast %get3A_1167 : vector<1x1x16xf32> to vector<16xf32>
      %max3A_1169 = arith.maximumf %max3A_1158, %get3A_1168 : vector<16xf32>
      %eq3A_1170 = arith.constant 4 : i32
      %eq3A_1171 = vector.broadcast %eq3A_1170 : i32 to vector<16xi32>
      %eq3A_1172 = arith.cmpi eq, %get3A_1117, %eq3A_1171 : vector<16xi32>
      %select_n3A_1173 = arith.select %eq3A_1172, %get3A_1168, %select_n3A_1162 : vector<16xi1>, vector<16xf32>
      %get3A_1174 = arith.constant 12 : i32
      %get3A_1175 = arith.index_cast %get3A_1174 : i32 to index
      %get3A_1176 = arith.index_cast %select_n3A : i32 to index
      %get3A_1177 = arith.index_cast %mul3A_973 : i32 to index
      %get3A_1178 = tpu.vector_load %arg7[%get3A_1175, %get3A_1176, %get3A_1177] {strides = array<i32>} : memref<21x32x128xf32, #tpu.memory_space<vmem>>, vector<1x1x16xf32>,
      %get3A_1179 = vector.shape_cast %get3A_1178 : vector<1x1x16xf32> to vector<16xf32>
      %max3A_1180 = arith.maximumf %max3A_1169, %get3A_1179 : vector<16xf32>
      %eq3A_1181 = arith.constant 5 : i32
      %eq3A_1182 = vector.broadcast %eq3A_1181 : i32 to vector<16xi32>
      %eq3A_1183 = arith.cmpi eq, %get3A_1117, %eq3A_1182 : vector<16xi32>
      %select_n3A_1184 = arith.select %eq3A_1183, %get3A_1179, %select_n3A_1173 : vector<16xi1>, vector<16xf32>
      %get3A_1185 = arith.constant 13 : i32
      %get3A_1186 = arith.index_cast %get3A_1185 : i32 to index
      %get3A_1187 = arith.index_cast %select_n3A : i32 to index
      %get3A_1188 = arith.index_cast %mul3A_973 : i32 to index
      %get3A_1189 = tpu.vector_load %arg7[%get3A_1186, %get3A_1187, %get3A_1188] {strides = array<i32>} : memref<21x32x128xf32, #tpu.memory_space<vmem>>, vector<1x1x16xf32>,
      %get3A_1190 = vector.shape_cast %get3A_1189 : vector<1x1x16xf32> to vector<16xf32>
      %max3A_1191 = arith.maximumf %max3A_1180, %get3A_1190 : vector<16xf32>
      %eq3A_1192 = arith.constant 6 : i32
      %eq3A_1193 = vector.broadcast %eq3A_1192 : i32 to vector<16xi32>
      %eq3A_1194 = arith.cmpi eq, %get3A_1117, %eq3A_1193 : vector<16xi32>
      %select_n3A_1195 = arith.select %eq3A_1194, %get3A_1190, %select_n3A_1184 : vector<16xi1>, vector<16xf32>
      %bitcast_convert_type3A_1196 = tpu.bitcast %select_n3A_1195 : vector<16xf32> -> vector<16xi32>
      %shift_right_logical3A_1197 = arith.constant 23 : i32
      %shift_right_logical3A_1198 = vector.broadcast %shift_right_logical3A_1197 : i32 to vector<16xi32>
      %shift_right_logical3A_1199 = arith.shrui %bitcast_convert_type3A_1196, %shift_right_logical3A_1198 : vector<16xi32>
      %sub3A_1200 = arith.constant 127 : i32
      %sub3A_1201 = vector.broadcast %sub3A_1200 : i32 to vector<16xi32>
      %sub3A_1202 = arith.subi %shift_right_logical3A_1199, %sub3A_1201 : vector<16xi32>
      %and3A_1203 = arith.constant 8388607 : i32
      %and3A_1204 = vector.broadcast %and3A_1203 : i32 to vector<16xi32>
      %and3A_1205 = arith.andi %bitcast_convert_type3A_1196, %and3A_1204 : vector<16xi32>
      %or3A_1206 = arith.constant 1065353216 : i32
      %or3A_1207 = vector.broadcast %or3A_1206 : i32 to vector<16xi32>
      %or3A_1208 = arith.ori %and3A_1205, %or3A_1207 : vector<16xi32>
      %bitcast_convert_type3A_1209 = tpu.bitcast %or3A_1208 : vector<16xi32> -> vector<16xf32>
      %sub3A_1210 = arith.constant 1.000000e+00 : f32
      %sub3A_1211 = vector.broadcast %sub3A_1210 : f32 to vector<16xf32>
      %sub3A_1212 = arith.subf %bitcast_convert_type3A_1209, %sub3A_1211 : vector<16xf32>
      %broadcast_in_dim3A_1213 = arith.constant 0.0434283651 : f32
      %broadcast_in_dim3A_1214 = vector.broadcast %broadcast_in_dim3A_1213 : f32 to vector<16xf32>
      %mul3A_1215 = arith.mulf %broadcast_in_dim3A_1214, %sub3A_1212 : vector<16xf32>
      %add3A_1216 = arith.constant -0.187720492 : f32
      %add3A_1217 = vector.broadcast %add3A_1216 : f32 to vector<16xf32>
      %add3A_1218 = arith.addf %mul3A_1215, %add3A_1217 : vector<16xf32>
      %mul3A_1219 = arith.mulf %add3A_1218, %sub3A_1212 : vector<16xf32>
      %add3A_1220 = arith.constant 0.408718944 : f32
      %add3A_1221 = vector.broadcast %add3A_1220 : f32 to vector<16xf32>
      %add3A_1222 = arith.addf %mul3A_1219, %add3A_1221 : vector<16xf32>
      %mul3A_1223 = arith.mulf %add3A_1222, %sub3A_1212 : vector<16xf32>
      %add3A_1224 = arith.constant -0.705702602 : f32
      %add3A_1225 = vector.broadcast %add3A_1224 : f32 to vector<16xf32>
      %add3A_1226 = arith.addf %mul3A_1223, %add3A_1225 : vector<16xf32>
      %mul3A_1227 = arith.mulf %add3A_1226, %sub3A_1212 : vector<16xf32>
      %add3A_1228 = arith.constant 1.44126713 : f32
      %add3A_1229 = vector.broadcast %add3A_1228 : f32 to vector<16xf32>
      %add3A_1230 = arith.addf %mul3A_1227, %add3A_1229 : vector<16xf32>
      %mul3A_1231 = arith.mulf %add3A_1230, %sub3A_1212 : vector<16xf32>
      %add3A_1232 = arith.constant 3.19308565E-5 : f32
      %add3A_1233 = vector.broadcast %add3A_1232 : f32 to vector<16xf32>
      %add3A_1234 = arith.addf %mul3A_1231, %add3A_1233 : vector<16xf32>
      %convert_element_type3A_1235 = arith.sitofp %sub3A_1202 : vector<16xi32> to vector<16xf32>
      %add3A_1236 = arith.addf %convert_element_type3A_1235, %add3A_1234 : vector<16xf32>
      %mul3A_1237 = arith.constant 0.693147182 : f32
      %mul3A_1238 = vector.broadcast %mul3A_1237 : f32 to vector<16xf32>
      %mul3A_1239 = arith.mulf %mul3A_1238, %add3A_1236 : vector<16xf32>
      %mul3A_1240 = arith.mulf %get3A_1123, %select_n3A_984 : vector<16xf32>
      %mul3A_1241 = arith.mulf %mul3A_1239, %mul3A_1240 : vector<16xf32>
      %add3A_1242 = arith.addf %add3A_1110, %mul3A_1241 : vector<16xf32>
      %ge3A_1243 = arith.cmpf oge, %select_n3A_1195, %max3A_1191 : vector<16xf32>
      %and3A_1244 = arith.andi %and3A_1111, %ge3A_1243 : vector<16xi1>
      %get3A_1245 = arith.constant 2 : i32
      %get3A_1246 = arith.index_cast %get3A_1245 : i32 to index
      %get3A_1247 = arith.index_cast %select_n3A : i32 to index
      %get3A_1248 = arith.index_cast %mul3A_973 : i32 to index
      %get3A_1249 = tpu.vector_load %arg8[%get3A_1246, %get3A_1247, %get3A_1248] {strides = array<i32>} : memref<3x32x128xi32, #tpu.memory_space<vmem>>, vector<1x1x16xi32>,
      %get3A_1250 = vector.shape_cast %get3A_1249 : vector<1x1x16xi32> to vector<16xi32>
      %get3A_1251 = arith.constant 2 : i32
      %get3A_1252 = arith.index_cast %get3A_1251 : i32 to index
      %get3A_1253 = arith.index_cast %select_n3A : i32 to index
      %get3A_1254 = arith.index_cast %mul3A_973 : i32 to index
      %get3A_1255 = tpu.vector_load %arg9[%get3A_1252, %get3A_1253, %get3A_1254] {strides = array<i32>} : memref<3x32x128xf32, #tpu.memory_space<vmem>>, vector<1x1x16xf32>,
      %get3A_1256 = vector.shape_cast %get3A_1255 : vector<1x1x16xf32> to vector<16xf32>
      %get3A_1257 = arith.constant 14 : i32
      %get3A_1258 = arith.index_cast %get3A_1257 : i32 to index
      %get3A_1259 = arith.index_cast %select_n3A : i32 to index
      %get3A_1260 = arith.index_cast %mul3A_973 : i32 to index
      %get3A_1261 = tpu.vector_load %arg7[%get3A_1258, %get3A_1259, %get3A_1260] {strides = array<i32>} : memref<21x32x128xf32, #tpu.memory_space<vmem>>, vector<1x1x16xf32>,
      %get3A_1262 = vector.shape_cast %get3A_1261 : vector<1x1x16xf32> to vector<16xf32>
      %get3A_1263 = arith.constant 15 : i32
      %get3A_1264 = arith.index_cast %get3A_1263 : i32 to index
      %get3A_1265 = arith.index_cast %select_n3A : i32 to index
      %get3A_1266 = arith.index_cast %mul3A_973 : i32 to index
      %get3A_1267 = tpu.vector_load %arg7[%get3A_1264, %get3A_1265, %get3A_1266] {strides = array<i32>} : memref<21x32x128xf32, #tpu.memory_space<vmem>>, vector<1x1x16xf32>,
      %get3A_1268 = vector.shape_cast %get3A_1267 : vector<1x1x16xf32> to vector<16xf32>
      %max3A_1269 = arith.maximumf %get3A_1262, %get3A_1268 : vector<16xf32>
      %eq3A_1270 = arith.constant 1 : i32
      %eq3A_1271 = vector.broadcast %eq3A_1270 : i32 to vector<16xi32>
      %eq3A_1272 = arith.cmpi eq, %get3A_1250, %eq3A_1271 : vector<16xi32>
      %select_n3A_1273 = arith.select %eq3A_1272, %get3A_1268, %get3A_1262 : vector<16xi1>, vector<16xf32>
      %get3A_1274 = arith.constant 16 : i32
      %get3A_1275 = arith.index_cast %get3A_1274 : i32 to index
      %get3A_1276 = arith.index_cast %select_n3A : i32 to index
      %get3A_1277 = arith.index_cast %mul3A_973 : i32 to index
      %get3A_1278 = tpu.vector_load %arg7[%get3A_1275, %get3A_1276, %get3A_1277] {strides = array<i32>} : memref<21x32x128xf32, #tpu.memory_space<vmem>>, vector<1x1x16xf32>,
      %get3A_1279 = vector.shape_cast %get3A_1278 : vector<1x1x16xf32> to vector<16xf32>
      %max3A_1280 = arith.maximumf %max3A_1269, %get3A_1279 : vector<16xf32>
      %eq3A_1281 = arith.constant 2 : i32
      %eq3A_1282 = vector.broadcast %eq3A_1281 : i32 to vector<16xi32>
      %eq3A_1283 = arith.cmpi eq, %get3A_1250, %eq3A_1282 : vector<16xi32>
      %select_n3A_1284 = arith.select %eq3A_1283, %get3A_1279, %select_n3A_1273 : vector<16xi1>, vector<16xf32>
      %get3A_1285 = arith.constant 17 : i32
      %get3A_1286 = arith.index_cast %get3A_1285 : i32 to index
      %get3A_1287 = arith.index_cast %select_n3A : i32 to index
      %get3A_1288 = arith.index_cast %mul3A_973 : i32 to index
      %get3A_1289 = tpu.vector_load %arg7[%get3A_1286, %get3A_1287, %get3A_1288] {strides = array<i32>} : memref<21x32x128xf32, #tpu.memory_space<vmem>>, vector<1x1x16xf32>,
      %get3A_1290 = vector.shape_cast %get3A_1289 : vector<1x1x16xf32> to vector<16xf32>
      %max3A_1291 = arith.maximumf %max3A_1280, %get3A_1290 : vector<16xf32>
      %eq3A_1292 = arith.constant 3 : i32
      %eq3A_1293 = vector.broadcast %eq3A_1292 : i32 to vector<16xi32>
      %eq3A_1294 = arith.cmpi eq, %get3A_1250, %eq3A_1293 : vector<16xi32>
      %select_n3A_1295 = arith.select %eq3A_1294, %get3A_1290, %select_n3A_1284 : vector<16xi1>, vector<16xf32>
      %get3A_1296 = arith.constant 18 : i32
      %get3A_1297 = arith.index_cast %get3A_1296 : i32 to index
      %get3A_1298 = arith.index_cast %select_n3A : i32 to index
      %get3A_1299 = arith.index_cast %mul3A_973 : i32 to index
      %get3A_1300 = tpu.vector_load %arg7[%get3A_1297, %get3A_1298, %get3A_1299] {strides = array<i32>} : memref<21x32x128xf32, #tpu.memory_space<vmem>>, vector<1x1x16xf32>,
      %get3A_1301 = vector.shape_cast %get3A_1300 : vector<1x1x16xf32> to vector<16xf32>
      %max3A_1302 = arith.maximumf %max3A_1291, %get3A_1301 : vector<16xf32>
      %eq3A_1303 = arith.constant 4 : i32
      %eq3A_1304 = vector.broadcast %eq3A_1303 : i32 to vector<16xi32>
      %eq3A_1305 = arith.cmpi eq, %get3A_1250, %eq3A_1304 : vector<16xi32>
      %select_n3A_1306 = arith.select %eq3A_1305, %get3A_1301, %select_n3A_1295 : vector<16xi1>, vector<16xf32>
      %get3A_1307 = arith.constant 19 : i32
      %get3A_1308 = arith.index_cast %get3A_1307 : i32 to index
      %get3A_1309 = arith.index_cast %select_n3A : i32 to index
      %get3A_1310 = arith.index_cast %mul3A_973 : i32 to index
      %get3A_1311 = tpu.vector_load %arg7[%get3A_1308, %get3A_1309, %get3A_1310] {strides = array<i32>} : memref<21x32x128xf32, #tpu.memory_space<vmem>>, vector<1x1x16xf32>,
      %get3A_1312 = vector.shape_cast %get3A_1311 : vector<1x1x16xf32> to vector<16xf32>
      %max3A_1313 = arith.maximumf %max3A_1302, %get3A_1312 : vector<16xf32>
      %eq3A_1314 = arith.constant 5 : i32
      %eq3A_1315 = vector.broadcast %eq3A_1314 : i32 to vector<16xi32>
      %eq3A_1316 = arith.cmpi eq, %get3A_1250, %eq3A_1315 : vector<16xi32>
      %select_n3A_1317 = arith.select %eq3A_1316, %get3A_1312, %select_n3A_1306 : vector<16xi1>, vector<16xf32>
      %get3A_1318 = arith.constant 20 : i32
      %get3A_1319 = arith.index_cast %get3A_1318 : i32 to index
      %get3A_1320 = arith.index_cast %select_n3A : i32 to index
      %get3A_1321 = arith.index_cast %mul3A_973 : i32 to index
      %get3A_1322 = tpu.vector_load %arg7[%get3A_1319, %get3A_1320, %get3A_1321] {strides = array<i32>} : memref<21x32x128xf32, #tpu.memory_space<vmem>>, vector<1x1x16xf32>,
      %get3A_1323 = vector.shape_cast %get3A_1322 : vector<1x1x16xf32> to vector<16xf32>
      %max3A_1324 = arith.maximumf %max3A_1313, %get3A_1323 : vector<16xf32>
      %eq3A_1325 = arith.constant 6 : i32
      %eq3A_1326 = vector.broadcast %eq3A_1325 : i32 to vector<16xi32>
      %eq3A_1327 = arith.cmpi eq, %get3A_1250, %eq3A_1326 : vector<16xi32>
      %select_n3A_1328 = arith.select %eq3A_1327, %get3A_1323, %select_n3A_1317 : vector<16xi1>, vector<16xf32>
      %bitcast_convert_type3A_1329 = tpu.bitcast %select_n3A_1328 : vector<16xf32> -> vector<16xi32>
      %shift_right_logical3A_1330 = arith.constant 23 : i32
      %shift_right_logical3A_1331 = vector.broadcast %shift_right_logical3A_1330 : i32 to vector<16xi32>
      %shift_right_logical3A_1332 = arith.shrui %bitcast_convert_type3A_1329, %shift_right_logical3A_1331 : vector<16xi32>
      %sub3A_1333 = arith.constant 127 : i32
      %sub3A_1334 = vector.broadcast %sub3A_1333 : i32 to vector<16xi32>
      %sub3A_1335 = arith.subi %shift_right_logical3A_1332, %sub3A_1334 : vector<16xi32>
      %and3A_1336 = arith.constant 8388607 : i32
      %and3A_1337 = vector.broadcast %and3A_1336 : i32 to vector<16xi32>
      %and3A_1338 = arith.andi %bitcast_convert_type3A_1329, %and3A_1337 : vector<16xi32>
      %or3A_1339 = arith.constant 1065353216 : i32
      %or3A_1340 = vector.broadcast %or3A_1339 : i32 to vector<16xi32>
      %or3A_1341 = arith.ori %and3A_1338, %or3A_1340 : vector<16xi32>
      %bitcast_convert_type3A_1342 = tpu.bitcast %or3A_1341 : vector<16xi32> -> vector<16xf32>
      %sub3A_1343 = arith.constant 1.000000e+00 : f32
      %sub3A_1344 = vector.broadcast %sub3A_1343 : f32 to vector<16xf32>
      %sub3A_1345 = arith.subf %bitcast_convert_type3A_1342, %sub3A_1344 : vector<16xf32>
      %broadcast_in_dim3A_1346 = arith.constant 0.0434283651 : f32
      %broadcast_in_dim3A_1347 = vector.broadcast %broadcast_in_dim3A_1346 : f32 to vector<16xf32>
      %mul3A_1348 = arith.mulf %broadcast_in_dim3A_1347, %sub3A_1345 : vector<16xf32>
      %add3A_1349 = arith.constant -0.187720492 : f32
      %add3A_1350 = vector.broadcast %add3A_1349 : f32 to vector<16xf32>
      %add3A_1351 = arith.addf %mul3A_1348, %add3A_1350 : vector<16xf32>
      %mul3A_1352 = arith.mulf %add3A_1351, %sub3A_1345 : vector<16xf32>
      %add3A_1353 = arith.constant 0.408718944 : f32
      %add3A_1354 = vector.broadcast %add3A_1353 : f32 to vector<16xf32>
      %add3A_1355 = arith.addf %mul3A_1352, %add3A_1354 : vector<16xf32>
      %mul3A_1356 = arith.mulf %add3A_1355, %sub3A_1345 : vector<16xf32>
      %add3A_1357 = arith.constant -0.705702602 : f32
      %add3A_1358 = vector.broadcast %add3A_1357 : f32 to vector<16xf32>
      %add3A_1359 = arith.addf %mul3A_1356, %add3A_1358 : vector<16xf32>
      %mul3A_1360 = arith.mulf %add3A_1359, %sub3A_1345 : vector<16xf32>
      %add3A_1361 = arith.constant 1.44126713 : f32
      %add3A_1362 = vector.broadcast %add3A_1361 : f32 to vector<16xf32>
      %add3A_1363 = arith.addf %mul3A_1360, %add3A_1362 : vector<16xf32>
      %mul3A_1364 = arith.mulf %add3A_1363, %sub3A_1345 : vector<16xf32>
      %add3A_1365 = arith.constant 3.19308565E-5 : f32
      %add3A_1366 = vector.broadcast %add3A_1365 : f32 to vector<16xf32>
      %add3A_1367 = arith.addf %mul3A_1364, %add3A_1366 : vector<16xf32>
      %convert_element_type3A_1368 = arith.sitofp %sub3A_1335 : vector<16xi32> to vector<16xf32>
      %add3A_1369 = arith.addf %convert_element_type3A_1368, %add3A_1367 : vector<16xf32>
      %mul3A_1370 = arith.constant 0.693147182 : f32
      %mul3A_1371 = vector.broadcast %mul3A_1370 : f32 to vector<16xf32>
      %mul3A_1372 = arith.mulf %mul3A_1371, %add3A_1369 : vector<16xf32>
      %mul3A_1373 = arith.mulf %get3A_1256, %select_n3A_984 : vector<16xf32>
      %mul3A_1374 = arith.mulf %mul3A_1372, %mul3A_1373 : vector<16xf32>
      %add3A_1375 = arith.addf %add3A_1242, %mul3A_1374 : vector<16xf32>
      %ge3A_1376 = arith.cmpf oge, %select_n3A_1328, %max3A_1324 : vector<16xf32>
      %and3A_1377 = arith.andi %and3A_1244, %ge3A_1376 : vector<16xi1>
      %add3A_1378 = arith.addf %scan3A_940, %select_n3A_984 : vector<16xf32>
      %jit3A_1379 = arith.constant 1.000000e+00 : f32
      %jit3A_1380 = arith.constant 0.000000e+00 : f32
      %broadcast_in_dim3A_1381 = vector.broadcast %jit3A_1379 : f32 to vector<16xf32>
      %broadcast_in_dim3A_1382 = vector.broadcast %jit3A_1380 : f32 to vector<16xf32>
      %select_n3A_1383 = arith.select %and3A_1377, %broadcast_in_dim3A_1381, %broadcast_in_dim3A_1382 : vector<16xi1>, vector<16xf32>
      %add3A_1384 = arith.addf %scan3A_941, %select_n3A_1383 : vector<16xf32>
      scf.yield %add3A_1375, %add3A_1378, %add3A_1384 : vector<16xf32>, vector<16xf32>, vector<16xf32>
    }
    %scan3A_920 = arith.constant 256 : i32
    %swap3A = arith.constant 0 : i32
    %swap3A_921 = arith.index_cast %swap3A : i32 to index
    %swap3A_922 = arith.constant 0 : index
    %swap3A_923 = tpu.vector_load %arg11[%swap3A_921, %swap3A_922] {strides = array<i32>} : memref<3x16xf32, #tpu.memory_space<vmem>>, vector<1x16xf32>,
    %swap3A_924 = vector.shape_cast %swap3A_923 : vector<1x16xf32> to vector<16xf32>
    %swap3A_925 = vector.shape_cast %scan3A_919#0 : vector<16xf32> to vector<1x16xf32>
    tpu.vector_store %arg11[%swap3A_921, %swap3A_922], %swap3A_925 {strides = array<i32>} : memref<3x16xf32, #tpu.memory_space<vmem>>, vector<1x16xf32>,
    %swap3A_926 = arith.constant 1 : i32
    %swap3A_927 = arith.index_cast %swap3A_926 : i32 to index
    %swap3A_928 = arith.constant 0 : index
    %swap3A_929 = tpu.vector_load %arg11[%swap3A_927, %swap3A_928] {strides = array<i32>} : memref<3x16xf32, #tpu.memory_space<vmem>>, vector<1x16xf32>,
    %swap3A_930 = vector.shape_cast %swap3A_929 : vector<1x16xf32> to vector<16xf32>
    %swap3A_931 = vector.shape_cast %scan3A_919#1 : vector<16xf32> to vector<1x16xf32>
    tpu.vector_store %arg11[%swap3A_927, %swap3A_928], %swap3A_931 {strides = array<i32>} : memref<3x16xf32, #tpu.memory_space<vmem>>, vector<1x16xf32>,
    %swap3A_932 = arith.constant 2 : i32
    %swap3A_933 = arith.index_cast %swap3A_932 : i32 to index
    %swap3A_934 = arith.constant 0 : index
    %swap3A_935 = tpu.vector_load %arg11[%swap3A_933, %swap3A_934] {strides = array<i32>} : memref<3x16xf32, #tpu.memory_space<vmem>>, vector<1x16xf32>,
    %swap3A_936 = vector.shape_cast %swap3A_935 : vector<1x16xf32> to vector<16xf32>
    %swap3A_937 = vector.shape_cast %scan3A_919#2 : vector<16xf32> to vector<1x16xf32>
    tpu.vector_store %arg11[%swap3A_933, %swap3A_934], %swap3A_937 {strides = array<i32>} : memref<3x16xf32, #tpu.memory_space<vmem>>, vector<1x16xf32>,
    "tpu.region"() ({
      %run_scoped3A = tpu.sem_alloc : memref<!tpu.dma_semaphore, #tpu.memory_space<semaphore_mem>>
      %dma_start3A_938 = arith.constant 0 : i32
      %dma_start3A_939 = arith.constant 0 : i32
      %dma_start3A_940 = tpu.memref_slice %arg6[%add3A, %dma_start3A_938, %dma_start3A_939] : memref<32x3x16xf32, #tpu.memory_space<hbm>> -> memref<1x3x16xf32, #tpu.memory_space<hbm>>
      %dma_start3A_941 = tpu.memref_squeeze %dma_start3A_940 : memref<1x3x16xf32, #tpu.memory_space<hbm>> -> memref<3x16xf32, #tpu.memory_space<hbm>>
      %dma_start3A_942 = arith.constant 0 : i32
      %dma_start3A_943 = arith.constant 0 : i32
      %dma_start3A_944 = tpu.memref_slice %arg6[%add3A, %dma_start3A_942, %dma_start3A_943] : memref<32x3x16xf32, #tpu.memory_space<hbm>> -> memref<1x3x16xf32, #tpu.memory_space<hbm>>
      %dma_start3A_945 = tpu.memref_squeeze %dma_start3A_944 : memref<1x3x16xf32, #tpu.memory_space<hbm>> -> memref<3x16xf32, #tpu.memory_space<hbm>>
      tpu.enqueue_dma source(%arg11 : memref<3x16xf32, #tpu.memory_space<vmem>>) target(%dma_start3A_945 : memref<3x16xf32, #tpu.memory_space<hbm>>) target_semaphore(%run_scoped3A : memref<!tpu.dma_semaphore, #tpu.memory_space<semaphore_mem>>)
      %dma_wait3A_946 = arith.constant 0 : i32
      %dma_wait3A_947 = arith.constant 0 : i32
      %dma_wait3A_948 = tpu.memref_slice %arg6[%add3A, %dma_wait3A_946, %dma_wait3A_947] : memref<32x3x16xf32, #tpu.memory_space<hbm>> -> memref<1x3x16xf32, #tpu.memory_space<hbm>>
      %dma_wait3A_949 = tpu.memref_squeeze %dma_wait3A_948 : memref<1x3x16xf32, #tpu.memory_space<hbm>> -> memref<3x16xf32, #tpu.memory_space<hbm>>
      %dma_wait3A_950 = arith.constant 0 : i32
      %dma_wait3A_951 = arith.constant 0 : i32
      %dma_wait3A_952 = tpu.memref_slice %arg6[%add3A, %dma_wait3A_950, %dma_wait3A_951] : memref<32x3x16xf32, #tpu.memory_space<hbm>> -> memref<1x3x16xf32, #tpu.memory_space<hbm>>
      %dma_wait3A_953 = tpu.memref_squeeze %dma_wait3A_952 : memref<1x3x16xf32, #tpu.memory_space<hbm>> -> memref<3x16xf32, #tpu.memory_space<hbm>>
      tpu.wait_dma2 semaphore(%run_scoped3A : memref<!tpu.dma_semaphore, #tpu.memory_space<semaphore_mem>>) src(%arg11 : memref<3x16xf32, #tpu.memory_space<vmem>>) dst(%dma_wait3A_953 : memref<3x16xf32, #tpu.memory_space<hbm>>)
      tpu.yield
    }) : () -> ()
    return
  }
}

module attributes {stable_mosaic.version = 14 : i64} {
  func.func @_tc_kernel(%arg0: i32, %arg1: memref<3x7x24x4096xf32, #tpu.memory_space<vmem>>, %arg2: memref<3x24x4096xi32, #tpu.memory_space<vmem>>, %arg3: memref<24x4096xf32, #tpu.memory_space<vmem>>, %arg4: memref<3x24x4096xf32, #tpu.memory_space<vmem>>, %arg5: memref<1xf32, #tpu.memory_space<smem>>, %arg6: memref<1xi32, #tpu.memory_space<smem>>, %arg7: memref<1xf32, #tpu.memory_space<smem>>, %arg8: memref<2xf32, #tpu.memory_space<smem>>, %arg9: memref<1xi32, #tpu.memory_space<smem>>) attributes {dimension_semantics = [#tpu.dimension_semantics<arbitrary>], iteration_bounds = array<i64: 7>, scalar_prefetch = 0 : i64, scratch_operands = 2 : i64, tpu.core_type = #tpu.core_type<tc>, window_params = [{transform_indices = @transform_0, window_bounds = array<i64: 3, 7, 24, 4096>}, {transform_indices = @transform_1, window_bounds = array<i64: 3, 24, 4096>}, {transform_indices = @transform_2, window_bounds = array<i64: 24, 4096>}, {transform_indices = @transform_3, window_bounds = array<i64: 3, 24, 4096>}, {transform_indices = @transform_4, window_bounds = array<i64: 1>}, {transform_indices = @transform_5, window_bounds = array<i64: 1>}, {transform_indices = @transform_6, window_bounds = array<i64: 1>}]} {
    %eq3A = arith.constant 0 : i32
    %eq3A_0 = arith.cmpi eq, %arg0, %eq3A : i32
    %convert_element_type3A = arith.extui %eq3A_0 : i1 to i32
    %cond3A = arith.constant 0 : i32
    %cond3A_1 = arith.cmpi ne, %convert_element_type3A, %cond3A : i32
    scf.if %cond3A_1 {
      %swap3A_310 = arith.constant 0.000000e+00 : f32
      %swap3A_311 = arith.constant 0 : index
      %swap3A_312 = memref.load %arg8[%swap3A_311] : memref<2xf32, #tpu.memory_space<smem>>
      memref.store %swap3A_310, %arg8[%swap3A_311] : memref<2xf32, #tpu.memory_space<smem>>
      %swap3A_313 = arith.constant 0.000000e+00 : f32
      %swap3A_314 = arith.constant 1 : index
      %swap3A_315 = memref.load %arg8[%swap3A_314] : memref<2xf32, #tpu.memory_space<smem>>
      memref.store %swap3A_313, %arg8[%swap3A_314] : memref<2xf32, #tpu.memory_space<smem>>
      %swap3A_316 = arith.constant 0 : i32
      %swap3A_317 = arith.constant 0 : index
      %swap3A_318 = memref.load %arg9[%swap3A_317] : memref<1xi32, #tpu.memory_space<smem>>
      memref.store %swap3A_316, %arg9[%swap3A_317] : memref<1xi32, #tpu.memory_space<smem>>
    } else {
    }
    %get3A = arith.constant 0 : index
    %get3A_2 = arith.constant 0 : index
    %get3A_3 = vector.load %arg3[%get3A, %get3A_2] : memref<24x4096xf32, #tpu.memory_space<vmem>>, vector<24x4096xf32>
    %lt3A = arith.constant 5.000000e-01 : f32
    %lt3A_4 = vector.broadcast %lt3A : f32 to vector<24x4096xf32>
    %lt3A_5 = arith.cmpf olt, %get3A_3, %lt3A_4 : vector<24x4096xf32>
    %convert_element_type3A_6 = arith.extui %lt3A_5 : vector<24x4096xi1> to vector<24x4096xi32>
    %convert_element_type3A_7 = arith.sitofp %convert_element_type3A_6 : vector<24x4096xi32> to vector<24x4096xf32>
    %get3A_8 = arith.constant 0 : index
    %get3A_9 = arith.constant 0 : index
    %get3A_10 = arith.constant 0 : index
    %get3A_11 = vector.load %arg2[%get3A_8, %get3A_9, %get3A_10] : memref<3x24x4096xi32, #tpu.memory_space<vmem>>, vector<1x24x4096xi32>
    %get3A_12 = vector.shape_cast %get3A_11 : vector<1x24x4096xi32> to vector<24x4096xi32>
    %get3A_13 = arith.constant 0 : index
    %get3A_14 = arith.constant 0 : index
    %get3A_15 = arith.constant 0 : index
    %get3A_16 = vector.load %arg4[%get3A_13, %get3A_14, %get3A_15] : memref<3x24x4096xf32, #tpu.memory_space<vmem>>, vector<1x24x4096xf32>
    %get3A_17 = vector.shape_cast %get3A_16 : vector<1x24x4096xf32> to vector<24x4096xf32>
    %get3A_18 = arith.constant 0 : index
    %get3A_19 = arith.constant 0 : index
    %get3A_20 = arith.constant 0 : index
    %get3A_21 = arith.constant 0 : index
    %get3A_22 = vector.load %arg1[%get3A_18, %get3A_19, %get3A_20, %get3A_21] : memref<3x7x24x4096xf32, #tpu.memory_space<vmem>>, vector<1x1x24x4096xf32>
    %get3A_23 = vector.shape_cast %get3A_22 : vector<1x1x24x4096xf32> to vector<24x4096xf32>
    %get3A_24 = arith.constant 0 : index
    %get3A_25 = arith.constant 1 : index
    %get3A_26 = arith.constant 0 : index
    %get3A_27 = arith.constant 0 : index
    %get3A_28 = vector.load %arg1[%get3A_24, %get3A_25, %get3A_26, %get3A_27] : memref<3x7x24x4096xf32, #tpu.memory_space<vmem>>, vector<1x1x24x4096xf32>
    %get3A_29 = vector.shape_cast %get3A_28 : vector<1x1x24x4096xf32> to vector<24x4096xf32>
    %max3A = arith.maximumf %get3A_23, %get3A_29 : vector<24x4096xf32>
    %eq3A_30 = arith.constant 1 : i32
    %eq3A_31 = vector.broadcast %eq3A_30 : i32 to vector<24x4096xi32>
    %eq3A_32 = arith.cmpi eq, %get3A_12, %eq3A_31 : vector<24x4096xi32>
    %select_n3A = arith.select %eq3A_32, %get3A_29, %get3A_23 : vector<24x4096xi1>, vector<24x4096xf32>
    %get3A_33 = arith.constant 0 : index
    %get3A_34 = arith.constant 2 : index
    %get3A_35 = arith.constant 0 : index
    %get3A_36 = arith.constant 0 : index
    %get3A_37 = vector.load %arg1[%get3A_33, %get3A_34, %get3A_35, %get3A_36] : memref<3x7x24x4096xf32, #tpu.memory_space<vmem>>, vector<1x1x24x4096xf32>
    %get3A_38 = vector.shape_cast %get3A_37 : vector<1x1x24x4096xf32> to vector<24x4096xf32>
    %max3A_39 = arith.maximumf %max3A, %get3A_38 : vector<24x4096xf32>
    %eq3A_40 = arith.constant 2 : i32
    %eq3A_41 = vector.broadcast %eq3A_40 : i32 to vector<24x4096xi32>
    %eq3A_42 = arith.cmpi eq, %get3A_12, %eq3A_41 : vector<24x4096xi32>
    %select_n3A_43 = arith.select %eq3A_42, %get3A_38, %select_n3A : vector<24x4096xi1>, vector<24x4096xf32>
    %get3A_44 = arith.constant 0 : index
    %get3A_45 = arith.constant 3 : index
    %get3A_46 = arith.constant 0 : index
    %get3A_47 = arith.constant 0 : index
    %get3A_48 = vector.load %arg1[%get3A_44, %get3A_45, %get3A_46, %get3A_47] : memref<3x7x24x4096xf32, #tpu.memory_space<vmem>>, vector<1x1x24x4096xf32>
    %get3A_49 = vector.shape_cast %get3A_48 : vector<1x1x24x4096xf32> to vector<24x4096xf32>
    %max3A_50 = arith.maximumf %max3A_39, %get3A_49 : vector<24x4096xf32>
    %eq3A_51 = arith.constant 3 : i32
    %eq3A_52 = vector.broadcast %eq3A_51 : i32 to vector<24x4096xi32>
    %eq3A_53 = arith.cmpi eq, %get3A_12, %eq3A_52 : vector<24x4096xi32>
    %select_n3A_54 = arith.select %eq3A_53, %get3A_49, %select_n3A_43 : vector<24x4096xi1>, vector<24x4096xf32>
    %get3A_55 = arith.constant 0 : index
    %get3A_56 = arith.constant 4 : index
    %get3A_57 = arith.constant 0 : index
    %get3A_58 = arith.constant 0 : index
    %get3A_59 = vector.load %arg1[%get3A_55, %get3A_56, %get3A_57, %get3A_58] : memref<3x7x24x4096xf32, #tpu.memory_space<vmem>>, vector<1x1x24x4096xf32>
    %get3A_60 = vector.shape_cast %get3A_59 : vector<1x1x24x4096xf32> to vector<24x4096xf32>
    %max3A_61 = arith.maximumf %max3A_50, %get3A_60 : vector<24x4096xf32>
    %eq3A_62 = arith.constant 4 : i32
    %eq3A_63 = vector.broadcast %eq3A_62 : i32 to vector<24x4096xi32>
    %eq3A_64 = arith.cmpi eq, %get3A_12, %eq3A_63 : vector<24x4096xi32>
    %select_n3A_65 = arith.select %eq3A_64, %get3A_60, %select_n3A_54 : vector<24x4096xi1>, vector<24x4096xf32>
    %get3A_66 = arith.constant 0 : index
    %get3A_67 = arith.constant 5 : index
    %get3A_68 = arith.constant 0 : index
    %get3A_69 = arith.constant 0 : index
    %get3A_70 = vector.load %arg1[%get3A_66, %get3A_67, %get3A_68, %get3A_69] : memref<3x7x24x4096xf32, #tpu.memory_space<vmem>>, vector<1x1x24x4096xf32>
    %get3A_71 = vector.shape_cast %get3A_70 : vector<1x1x24x4096xf32> to vector<24x4096xf32>
    %max3A_72 = arith.maximumf %max3A_61, %get3A_71 : vector<24x4096xf32>
    %eq3A_73 = arith.constant 5 : i32
    %eq3A_74 = vector.broadcast %eq3A_73 : i32 to vector<24x4096xi32>
    %eq3A_75 = arith.cmpi eq, %get3A_12, %eq3A_74 : vector<24x4096xi32>
    %select_n3A_76 = arith.select %eq3A_75, %get3A_71, %select_n3A_65 : vector<24x4096xi1>, vector<24x4096xf32>
    %get3A_77 = arith.constant 0 : index
    %get3A_78 = arith.constant 6 : index
    %get3A_79 = arith.constant 0 : index
    %get3A_80 = arith.constant 0 : index
    %get3A_81 = vector.load %arg1[%get3A_77, %get3A_78, %get3A_79, %get3A_80] : memref<3x7x24x4096xf32, #tpu.memory_space<vmem>>, vector<1x1x24x4096xf32>
    %get3A_82 = vector.shape_cast %get3A_81 : vector<1x1x24x4096xf32> to vector<24x4096xf32>
    %max3A_83 = arith.maximumf %max3A_72, %get3A_82 : vector<24x4096xf32>
    %eq3A_84 = arith.constant 6 : i32
    %eq3A_85 = vector.broadcast %eq3A_84 : i32 to vector<24x4096xi32>
    %eq3A_86 = arith.cmpi eq, %get3A_12, %eq3A_85 : vector<24x4096xi32>
    %select_n3A_87 = arith.select %eq3A_86, %get3A_82, %select_n3A_76 : vector<24x4096xi1>, vector<24x4096xf32>
    %log3A = math.log %select_n3A_87 : vector<24x4096xf32>
    %mul3A = arith.mulf %get3A_17, %convert_element_type3A_7 : vector<24x4096xf32>
    %mul3A_88 = arith.mulf %log3A, %mul3A : vector<24x4096xf32>
    %reduce_sum3A = vector.shape_cast %mul3A_88 : vector<24x4096xf32> to vector<1x24x4096xf32>
    %reduce_sum3A_89 = arith.constant dense<0.000000e+00> : vector<1xf32>
    %reduce_sum3A_90 = vector.multi_reduction <add>, %reduce_sum3A, %reduce_sum3A_89 [1, 2] : vector<1x24x4096xf32> to vector<1xf32>
    %reduce_sum3A_91 = vector.shape_cast %reduce_sum3A_90 : vector<1xf32> to vector<1x1x1xf32>
    %reduce_sum3A_92 = vector.extract %reduce_sum3A_91[0, 0, 0] : f32 from vector<1x1x1xf32>
    %add3A = arith.constant 0.000000e+00 : f32
    %add3A_93 = arith.addf %add3A, %reduce_sum3A_92 : f32
    %ge3A = arith.cmpf oge, %select_n3A_87, %max3A_83 : vector<24x4096xf32>
    %and3A = arith.andi %lt3A_5, %ge3A : vector<24x4096xi1>
    %get3A_94 = arith.constant 1 : index
    %get3A_95 = arith.constant 0 : index
    %get3A_96 = arith.constant 0 : index
    %get3A_97 = vector.load %arg2[%get3A_94, %get3A_95, %get3A_96] : memref<3x24x4096xi32, #tpu.memory_space<vmem>>, vector<1x24x4096xi32>
    %get3A_98 = vector.shape_cast %get3A_97 : vector<1x24x4096xi32> to vector<24x4096xi32>
    %get3A_99 = arith.constant 1 : index
    %get3A_100 = arith.constant 0 : index
    %get3A_101 = arith.constant 0 : index
    %get3A_102 = vector.load %arg4[%get3A_99, %get3A_100, %get3A_101] : memref<3x24x4096xf32, #tpu.memory_space<vmem>>, vector<1x24x4096xf32>
    %get3A_103 = vector.shape_cast %get3A_102 : vector<1x24x4096xf32> to vector<24x4096xf32>
    %get3A_104 = arith.constant 1 : index
    %get3A_105 = arith.constant 0 : index
    %get3A_106 = arith.constant 0 : index
    %get3A_107 = arith.constant 0 : index
    %get3A_108 = vector.load %arg1[%get3A_104, %get3A_105, %get3A_106, %get3A_107] : memref<3x7x24x4096xf32, #tpu.memory_space<vmem>>, vector<1x1x24x4096xf32>
    %get3A_109 = vector.shape_cast %get3A_108 : vector<1x1x24x4096xf32> to vector<24x4096xf32>
    %get3A_110 = arith.constant 1 : index
    %get3A_111 = arith.constant 1 : index
    %get3A_112 = arith.constant 0 : index
    %get3A_113 = arith.constant 0 : index
    %get3A_114 = vector.load %arg1[%get3A_110, %get3A_111, %get3A_112, %get3A_113] : memref<3x7x24x4096xf32, #tpu.memory_space<vmem>>, vector<1x1x24x4096xf32>
    %get3A_115 = vector.shape_cast %get3A_114 : vector<1x1x24x4096xf32> to vector<24x4096xf32>
    %max3A_116 = arith.maximumf %get3A_109, %get3A_115 : vector<24x4096xf32>
    %eq3A_117 = arith.constant 1 : i32
    %eq3A_118 = vector.broadcast %eq3A_117 : i32 to vector<24x4096xi32>
    %eq3A_119 = arith.cmpi eq, %get3A_98, %eq3A_118 : vector<24x4096xi32>
    %select_n3A_120 = arith.select %eq3A_119, %get3A_115, %get3A_109 : vector<24x4096xi1>, vector<24x4096xf32>
    %get3A_121 = arith.constant 1 : index
    %get3A_122 = arith.constant 2 : index
    %get3A_123 = arith.constant 0 : index
    %get3A_124 = arith.constant 0 : index
    %get3A_125 = vector.load %arg1[%get3A_121, %get3A_122, %get3A_123, %get3A_124] : memref<3x7x24x4096xf32, #tpu.memory_space<vmem>>, vector<1x1x24x4096xf32>
    %get3A_126 = vector.shape_cast %get3A_125 : vector<1x1x24x4096xf32> to vector<24x4096xf32>
    %max3A_127 = arith.maximumf %max3A_116, %get3A_126 : vector<24x4096xf32>
    %eq3A_128 = arith.constant 2 : i32
    %eq3A_129 = vector.broadcast %eq3A_128 : i32 to vector<24x4096xi32>
    %eq3A_130 = arith.cmpi eq, %get3A_98, %eq3A_129 : vector<24x4096xi32>
    %select_n3A_131 = arith.select %eq3A_130, %get3A_126, %select_n3A_120 : vector<24x4096xi1>, vector<24x4096xf32>
    %get3A_132 = arith.constant 1 : index
    %get3A_133 = arith.constant 3 : index
    %get3A_134 = arith.constant 0 : index
    %get3A_135 = arith.constant 0 : index
    %get3A_136 = vector.load %arg1[%get3A_132, %get3A_133, %get3A_134, %get3A_135] : memref<3x7x24x4096xf32, #tpu.memory_space<vmem>>, vector<1x1x24x4096xf32>
    %get3A_137 = vector.shape_cast %get3A_136 : vector<1x1x24x4096xf32> to vector<24x4096xf32>
    %max3A_138 = arith.maximumf %max3A_127, %get3A_137 : vector<24x4096xf32>
    %eq3A_139 = arith.constant 3 : i32
    %eq3A_140 = vector.broadcast %eq3A_139 : i32 to vector<24x4096xi32>
    %eq3A_141 = arith.cmpi eq, %get3A_98, %eq3A_140 : vector<24x4096xi32>
    %select_n3A_142 = arith.select %eq3A_141, %get3A_137, %select_n3A_131 : vector<24x4096xi1>, vector<24x4096xf32>
    %get3A_143 = arith.constant 1 : index
    %get3A_144 = arith.constant 4 : index
    %get3A_145 = arith.constant 0 : index
    %get3A_146 = arith.constant 0 : index
    %get3A_147 = vector.load %arg1[%get3A_143, %get3A_144, %get3A_145, %get3A_146] : memref<3x7x24x4096xf32, #tpu.memory_space<vmem>>, vector<1x1x24x4096xf32>
    %get3A_148 = vector.shape_cast %get3A_147 : vector<1x1x24x4096xf32> to vector<24x4096xf32>
    %max3A_149 = arith.maximumf %max3A_138, %get3A_148 : vector<24x4096xf32>
    %eq3A_150 = arith.constant 4 : i32
    %eq3A_151 = vector.broadcast %eq3A_150 : i32 to vector<24x4096xi32>
    %eq3A_152 = arith.cmpi eq, %get3A_98, %eq3A_151 : vector<24x4096xi32>
    %select_n3A_153 = arith.select %eq3A_152, %get3A_148, %select_n3A_142 : vector<24x4096xi1>, vector<24x4096xf32>
    %get3A_154 = arith.constant 1 : index
    %get3A_155 = arith.constant 5 : index
    %get3A_156 = arith.constant 0 : index
    %get3A_157 = arith.constant 0 : index
    %get3A_158 = vector.load %arg1[%get3A_154, %get3A_155, %get3A_156, %get3A_157] : memref<3x7x24x4096xf32, #tpu.memory_space<vmem>>, vector<1x1x24x4096xf32>
    %get3A_159 = vector.shape_cast %get3A_158 : vector<1x1x24x4096xf32> to vector<24x4096xf32>
    %max3A_160 = arith.maximumf %max3A_149, %get3A_159 : vector<24x4096xf32>
    %eq3A_161 = arith.constant 5 : i32
    %eq3A_162 = vector.broadcast %eq3A_161 : i32 to vector<24x4096xi32>
    %eq3A_163 = arith.cmpi eq, %get3A_98, %eq3A_162 : vector<24x4096xi32>
    %select_n3A_164 = arith.select %eq3A_163, %get3A_159, %select_n3A_153 : vector<24x4096xi1>, vector<24x4096xf32>
    %get3A_165 = arith.constant 1 : index
    %get3A_166 = arith.constant 6 : index
    %get3A_167 = arith.constant 0 : index
    %get3A_168 = arith.constant 0 : index
    %get3A_169 = vector.load %arg1[%get3A_165, %get3A_166, %get3A_167, %get3A_168] : memref<3x7x24x4096xf32, #tpu.memory_space<vmem>>, vector<1x1x24x4096xf32>
    %get3A_170 = vector.shape_cast %get3A_169 : vector<1x1x24x4096xf32> to vector<24x4096xf32>
    %max3A_171 = arith.maximumf %max3A_160, %get3A_170 : vector<24x4096xf32>
    %eq3A_172 = arith.constant 6 : i32
    %eq3A_173 = vector.broadcast %eq3A_172 : i32 to vector<24x4096xi32>
    %eq3A_174 = arith.cmpi eq, %get3A_98, %eq3A_173 : vector<24x4096xi32>
    %select_n3A_175 = arith.select %eq3A_174, %get3A_170, %select_n3A_164 : vector<24x4096xi1>, vector<24x4096xf32>
    %log3A_176 = math.log %select_n3A_175 : vector<24x4096xf32>
    %mul3A_177 = arith.mulf %get3A_103, %convert_element_type3A_7 : vector<24x4096xf32>
    %mul3A_178 = arith.mulf %log3A_176, %mul3A_177 : vector<24x4096xf32>
    %reduce_sum3A_179 = vector.shape_cast %mul3A_178 : vector<24x4096xf32> to vector<1x24x4096xf32>
    %reduce_sum3A_180 = arith.constant dense<0.000000e+00> : vector<1xf32>
    %reduce_sum3A_181 = vector.multi_reduction <add>, %reduce_sum3A_179, %reduce_sum3A_180 [1, 2] : vector<1x24x4096xf32> to vector<1xf32>
    %reduce_sum3A_182 = vector.shape_cast %reduce_sum3A_181 : vector<1xf32> to vector<1x1x1xf32>
    %reduce_sum3A_183 = vector.extract %reduce_sum3A_182[0, 0, 0] : f32 from vector<1x1x1xf32>
    %add3A_184 = arith.addf %add3A_93, %reduce_sum3A_183 : f32
    %ge3A_185 = arith.cmpf oge, %select_n3A_175, %max3A_171 : vector<24x4096xf32>
    %and3A_186 = arith.andi %and3A, %ge3A_185 : vector<24x4096xi1>
    %get3A_187 = arith.constant 2 : index
    %get3A_188 = arith.constant 0 : index
    %get3A_189 = arith.constant 0 : index
    %get3A_190 = vector.load %arg2[%get3A_187, %get3A_188, %get3A_189] : memref<3x24x4096xi32, #tpu.memory_space<vmem>>, vector<1x24x4096xi32>
    %get3A_191 = vector.shape_cast %get3A_190 : vector<1x24x4096xi32> to vector<24x4096xi32>
    %get3A_192 = arith.constant 2 : index
    %get3A_193 = arith.constant 0 : index
    %get3A_194 = arith.constant 0 : index
    %get3A_195 = vector.load %arg4[%get3A_192, %get3A_193, %get3A_194] : memref<3x24x4096xf32, #tpu.memory_space<vmem>>, vector<1x24x4096xf32>
    %get3A_196 = vector.shape_cast %get3A_195 : vector<1x24x4096xf32> to vector<24x4096xf32>
    %get3A_197 = arith.constant 2 : index
    %get3A_198 = arith.constant 0 : index
    %get3A_199 = arith.constant 0 : index
    %get3A_200 = arith.constant 0 : index
    %get3A_201 = vector.load %arg1[%get3A_197, %get3A_198, %get3A_199, %get3A_200] : memref<3x7x24x4096xf32, #tpu.memory_space<vmem>>, vector<1x1x24x4096xf32>
    %get3A_202 = vector.shape_cast %get3A_201 : vector<1x1x24x4096xf32> to vector<24x4096xf32>
    %get3A_203 = arith.constant 2 : index
    %get3A_204 = arith.constant 1 : index
    %get3A_205 = arith.constant 0 : index
    %get3A_206 = arith.constant 0 : index
    %get3A_207 = vector.load %arg1[%get3A_203, %get3A_204, %get3A_205, %get3A_206] : memref<3x7x24x4096xf32, #tpu.memory_space<vmem>>, vector<1x1x24x4096xf32>
    %get3A_208 = vector.shape_cast %get3A_207 : vector<1x1x24x4096xf32> to vector<24x4096xf32>
    %max3A_209 = arith.maximumf %get3A_202, %get3A_208 : vector<24x4096xf32>
    %eq3A_210 = arith.constant 1 : i32
    %eq3A_211 = vector.broadcast %eq3A_210 : i32 to vector<24x4096xi32>
    %eq3A_212 = arith.cmpi eq, %get3A_191, %eq3A_211 : vector<24x4096xi32>
    %select_n3A_213 = arith.select %eq3A_212, %get3A_208, %get3A_202 : vector<24x4096xi1>, vector<24x4096xf32>
    %get3A_214 = arith.constant 2 : index
    %get3A_215 = arith.constant 2 : index
    %get3A_216 = arith.constant 0 : index
    %get3A_217 = arith.constant 0 : index
    %get3A_218 = vector.load %arg1[%get3A_214, %get3A_215, %get3A_216, %get3A_217] : memref<3x7x24x4096xf32, #tpu.memory_space<vmem>>, vector<1x1x24x4096xf32>
    %get3A_219 = vector.shape_cast %get3A_218 : vector<1x1x24x4096xf32> to vector<24x4096xf32>
    %max3A_220 = arith.maximumf %max3A_209, %get3A_219 : vector<24x4096xf32>
    %eq3A_221 = arith.constant 2 : i32
    %eq3A_222 = vector.broadcast %eq3A_221 : i32 to vector<24x4096xi32>
    %eq3A_223 = arith.cmpi eq, %get3A_191, %eq3A_222 : vector<24x4096xi32>
    %select_n3A_224 = arith.select %eq3A_223, %get3A_219, %select_n3A_213 : vector<24x4096xi1>, vector<24x4096xf32>
    %get3A_225 = arith.constant 2 : index
    %get3A_226 = arith.constant 3 : index
    %get3A_227 = arith.constant 0 : index
    %get3A_228 = arith.constant 0 : index
    %get3A_229 = vector.load %arg1[%get3A_225, %get3A_226, %get3A_227, %get3A_228] : memref<3x7x24x4096xf32, #tpu.memory_space<vmem>>, vector<1x1x24x4096xf32>
    %get3A_230 = vector.shape_cast %get3A_229 : vector<1x1x24x4096xf32> to vector<24x4096xf32>
    %max3A_231 = arith.maximumf %max3A_220, %get3A_230 : vector<24x4096xf32>
    %eq3A_232 = arith.constant 3 : i32
    %eq3A_233 = vector.broadcast %eq3A_232 : i32 to vector<24x4096xi32>
    %eq3A_234 = arith.cmpi eq, %get3A_191, %eq3A_233 : vector<24x4096xi32>
    %select_n3A_235 = arith.select %eq3A_234, %get3A_230, %select_n3A_224 : vector<24x4096xi1>, vector<24x4096xf32>
    %get3A_236 = arith.constant 2 : index
    %get3A_237 = arith.constant 4 : index
    %get3A_238 = arith.constant 0 : index
    %get3A_239 = arith.constant 0 : index
    %get3A_240 = vector.load %arg1[%get3A_236, %get3A_237, %get3A_238, %get3A_239] : memref<3x7x24x4096xf32, #tpu.memory_space<vmem>>, vector<1x1x24x4096xf32>
    %get3A_241 = vector.shape_cast %get3A_240 : vector<1x1x24x4096xf32> to vector<24x4096xf32>
    %max3A_242 = arith.maximumf %max3A_231, %get3A_241 : vector<24x4096xf32>
    %eq3A_243 = arith.constant 4 : i32
    %eq3A_244 = vector.broadcast %eq3A_243 : i32 to vector<24x4096xi32>
    %eq3A_245 = arith.cmpi eq, %get3A_191, %eq3A_244 : vector<24x4096xi32>
    %select_n3A_246 = arith.select %eq3A_245, %get3A_241, %select_n3A_235 : vector<24x4096xi1>, vector<24x4096xf32>
    %get3A_247 = arith.constant 2 : index
    %get3A_248 = arith.constant 5 : index
    %get3A_249 = arith.constant 0 : index
    %get3A_250 = arith.constant 0 : index
    %get3A_251 = vector.load %arg1[%get3A_247, %get3A_248, %get3A_249, %get3A_250] : memref<3x7x24x4096xf32, #tpu.memory_space<vmem>>, vector<1x1x24x4096xf32>
    %get3A_252 = vector.shape_cast %get3A_251 : vector<1x1x24x4096xf32> to vector<24x4096xf32>
    %max3A_253 = arith.maximumf %max3A_242, %get3A_252 : vector<24x4096xf32>
    %eq3A_254 = arith.constant 5 : i32
    %eq3A_255 = vector.broadcast %eq3A_254 : i32 to vector<24x4096xi32>
    %eq3A_256 = arith.cmpi eq, %get3A_191, %eq3A_255 : vector<24x4096xi32>
    %select_n3A_257 = arith.select %eq3A_256, %get3A_252, %select_n3A_246 : vector<24x4096xi1>, vector<24x4096xf32>
    %get3A_258 = arith.constant 2 : index
    %get3A_259 = arith.constant 6 : index
    %get3A_260 = arith.constant 0 : index
    %get3A_261 = arith.constant 0 : index
    %get3A_262 = vector.load %arg1[%get3A_258, %get3A_259, %get3A_260, %get3A_261] : memref<3x7x24x4096xf32, #tpu.memory_space<vmem>>, vector<1x1x24x4096xf32>
    %get3A_263 = vector.shape_cast %get3A_262 : vector<1x1x24x4096xf32> to vector<24x4096xf32>
    %max3A_264 = arith.maximumf %max3A_253, %get3A_263 : vector<24x4096xf32>
    %eq3A_265 = arith.constant 6 : i32
    %eq3A_266 = vector.broadcast %eq3A_265 : i32 to vector<24x4096xi32>
    %eq3A_267 = arith.cmpi eq, %get3A_191, %eq3A_266 : vector<24x4096xi32>
    %select_n3A_268 = arith.select %eq3A_267, %get3A_263, %select_n3A_257 : vector<24x4096xi1>, vector<24x4096xf32>
    %log3A_269 = math.log %select_n3A_268 : vector<24x4096xf32>
    %mul3A_270 = arith.mulf %get3A_196, %convert_element_type3A_7 : vector<24x4096xf32>
    %mul3A_271 = arith.mulf %log3A_269, %mul3A_270 : vector<24x4096xf32>
    %reduce_sum3A_272 = vector.shape_cast %mul3A_271 : vector<24x4096xf32> to vector<1x24x4096xf32>
    %reduce_sum3A_273 = arith.constant dense<0.000000e+00> : vector<1xf32>
    %reduce_sum3A_274 = vector.multi_reduction <add>, %reduce_sum3A_272, %reduce_sum3A_273 [1, 2] : vector<1x24x4096xf32> to vector<1xf32>
    %reduce_sum3A_275 = vector.shape_cast %reduce_sum3A_274 : vector<1xf32> to vector<1x1x1xf32>
    %reduce_sum3A_276 = vector.extract %reduce_sum3A_275[0, 0, 0] : f32 from vector<1x1x1xf32>
    %add3A_277 = arith.addf %add3A_184, %reduce_sum3A_276 : f32
    %ge3A_278 = arith.cmpf oge, %select_n3A_268, %max3A_264 : vector<24x4096xf32>
    %and3A_279 = arith.andi %and3A_186, %ge3A_278 : vector<24x4096xi1>
    %get3A_280 = arith.constant 0 : index
    %get3A_281 = memref.load %arg8[%get3A_280] : memref<2xf32, #tpu.memory_space<smem>>
    %add3A_282 = arith.addf %get3A_281, %add3A_277 : f32
    %swap3A = arith.constant 0 : index
    %swap3A_283 = memref.load %arg8[%swap3A] : memref<2xf32, #tpu.memory_space<smem>>
    memref.store %add3A_282, %arg8[%swap3A] : memref<2xf32, #tpu.memory_space<smem>>
    %get3A_284 = arith.constant 1 : index
    %get3A_285 = memref.load %arg8[%get3A_284] : memref<2xf32, #tpu.memory_space<smem>>
    %reduce_sum3A_286 = vector.shape_cast %convert_element_type3A_7 : vector<24x4096xf32> to vector<1x24x4096xf32>
    %reduce_sum3A_287 = arith.constant dense<0.000000e+00> : vector<1xf32>
    %reduce_sum3A_288 = vector.multi_reduction <add>, %reduce_sum3A_286, %reduce_sum3A_287 [1, 2] : vector<1x24x4096xf32> to vector<1xf32>
    %reduce_sum3A_289 = vector.shape_cast %reduce_sum3A_288 : vector<1xf32> to vector<1x1x1xf32>
    %reduce_sum3A_290 = vector.extract %reduce_sum3A_289[0, 0, 0] : f32 from vector<1x1x1xf32>
    %add3A_291 = arith.addf %get3A_285, %reduce_sum3A_290 : f32
    %swap3A_292 = arith.constant 1 : index
    %swap3A_293 = memref.load %arg8[%swap3A_292] : memref<2xf32, #tpu.memory_space<smem>>
    memref.store %add3A_291, %arg8[%swap3A_292] : memref<2xf32, #tpu.memory_space<smem>>
    %get3A_294 = arith.constant 0 : index
    %get3A_295 = memref.load %arg9[%get3A_294] : memref<1xi32, #tpu.memory_space<smem>>
    %convert_element_type3A_296 = arith.extui %and3A_279 : vector<24x4096xi1> to vector<24x4096xi32>
    %reduce_sum3A_297 = vector.shape_cast %convert_element_type3A_296 : vector<24x4096xi32> to vector<1x24x4096xi32>
    %reduce_sum3A_298 = arith.constant dense<0> : vector<1xi32>
    %reduce_sum3A_299 = vector.multi_reduction <add>, %reduce_sum3A_297, %reduce_sum3A_298 [1, 2] : vector<1x24x4096xi32> to vector<1xi32>
    %reduce_sum3A_300 = vector.shape_cast %reduce_sum3A_299 : vector<1xi32> to vector<1x1x1xi32>
    %reduce_sum3A_301 = vector.extract %reduce_sum3A_300[0, 0, 0] : i32 from vector<1x1x1xi32>
    %add3A_302 = arith.addi %get3A_295, %reduce_sum3A_301 : i32
    %swap3A_303 = arith.constant 0 : index
    %swap3A_304 = memref.load %arg9[%swap3A_303] : memref<1xi32, #tpu.memory_space<smem>>
    memref.store %add3A_302, %arg9[%swap3A_303] : memref<1xi32, #tpu.memory_space<smem>>
    %eq3A_305 = arith.constant 6 : i32
    %eq3A_306 = arith.cmpi eq, %arg0, %eq3A_305 : i32
    %convert_element_type3A_307 = arith.extui %eq3A_306 : i1 to i32
    %cond3A_308 = arith.constant 0 : i32
    %cond3A_309 = arith.cmpi ne, %convert_element_type3A_307, %cond3A_308 : i32
    scf.if %cond3A_309 {
      %get3A_310 = arith.constant 0 : index
      %get3A_311 = memref.load %arg8[%get3A_310] : memref<2xf32, #tpu.memory_space<smem>>
      %swap3A_312 = arith.constant 0 : index
      %swap3A_313 = memref.load %arg5[%swap3A_312] : memref<1xf32, #tpu.memory_space<smem>>
      memref.store %get3A_311, %arg5[%swap3A_312] : memref<1xf32, #tpu.memory_space<smem>>
      %get3A_314 = arith.constant 0 : index
      %get3A_315 = memref.load %arg9[%get3A_314] : memref<1xi32, #tpu.memory_space<smem>>
      %swap3A_316 = arith.constant 0 : index
      %swap3A_317 = memref.load %arg6[%swap3A_316] : memref<1xi32, #tpu.memory_space<smem>>
      memref.store %get3A_315, %arg6[%swap3A_316] : memref<1xi32, #tpu.memory_space<smem>>
      %get3A_318 = arith.constant 1 : index
      %get3A_319 = memref.load %arg8[%get3A_318] : memref<2xf32, #tpu.memory_space<smem>>
      %swap3A_320 = arith.constant 0 : index
      %swap3A_321 = memref.load %arg7[%swap3A_320] : memref<1xf32, #tpu.memory_space<smem>>
      memref.store %get3A_319, %arg7[%swap3A_320] : memref<1xf32, #tpu.memory_space<smem>>
    } else {
    }
    return
  }
  func.func @transform_0(%arg0: i32) -> (i32, i32, i32, i32) {
    %c0_i32 = arith.constant 0 : i32
    %c0_i32_0 = arith.constant 0 : i32
    %c0_i32_1 = arith.constant 0 : i32
    %c0_i32_2 = arith.constant 0 : i32
    return %c0_i32, %c0_i32_0, %arg0, %c0_i32_1 : i32, i32, i32, i32
  }
  func.func @transform_1(%arg0: i32) -> (i32, i32, i32) {
    %c0_i32 = arith.constant 0 : i32
    %c0_i32_0 = arith.constant 0 : i32
    %c0_i32_1 = arith.constant 0 : i32
    return %c0_i32, %arg0, %c0_i32_0 : i32, i32, i32
  }
  func.func @transform_2(%arg0: i32) -> (i32, i32) {
    %c0_i32 = arith.constant 0 : i32
    %c0_i32_0 = arith.constant 0 : i32
    return %arg0, %c0_i32 : i32, i32
  }
  func.func @transform_3(%arg0: i32) -> (i32, i32, i32) {
    %c0_i32 = arith.constant 0 : i32
    %c0_i32_0 = arith.constant 0 : i32
    %c0_i32_1 = arith.constant 0 : i32
    return %c0_i32, %arg0, %c0_i32_0 : i32, i32, i32
  }
  func.func @transform_4(%arg0: i32) -> i32 {
    %c0_i32 = arith.constant 0 : i32
    %c0_i32_0 = arith.constant 0 : i32
    return %c0_i32 : i32
  }
  func.func @transform_5(%arg0: i32) -> i32 {
    %c0_i32 = arith.constant 0 : i32
    %c0_i32_0 = arith.constant 0 : i32
    return %c0_i32 : i32
  }
  func.func @transform_6(%arg0: i32) -> i32 {
    %c0_i32 = arith.constant 0 : i32
    %c0_i32_0 = arith.constant 0 : i32
    return %c0_i32 : i32
  }
}

</mosaic_0001>

<sc_bundles>
// kernel: _impl.4.cloned.1.call-start
scs
__scs_entry_jumppad:
0x0: {  	(pc) =	sbr.rel $0x88, $3  }
0x1: {  	(tag) =	ssettag $0x0;
	lr =	simm.s32 $0x1  }
0x2: {  	[smem:$0x3F9D] =	sst lr;
	_ =	strace $0xD0000000  }
0x3: {  	_ = 	snop  }
0x4: {  	_ = 	snop  }
0x5: {  	_ = 	snop  }
0x6: {  	_ = 	snop  }
0x7: {  	_ = 	snop  }
__scs_overlays_trampoline_lowered:
0x8: {  	[smem:$0x3FAC] =	sst s0  }
0x9: {  	[smem:$0x3FAD] =	sst s1  }
0xa: {  	[smem:$0x3FAE] =	sst s2  }
0xb: {  	[smem:$0x3FAF] =	sst s3  }
0xc: {  	[smem:$0x3FB0] =	sst s4  }
0xd: {  	[smem:$0x3FB1] =	sst s5  }
0xe: {  	[smem:$0x3FB2] =	sst s6  }
0xf: {  	[smem:$0x3FB3] =	sst s7  }
0x10: {  	[smem:$0x3FB4] =	sst s8  }
0x11: {  	[smem:$0x3FB5] =	sst s9;
	s0 =	simm.s32 @!p0 $0x0  }
0x12: {  	s1 =	sld [smem:$0x3F9B];
	s0 =	simm.s32 @p0 $0x1  }
0x13: {  	[smem:$0x3FB6] =	sst s0;
	s0 =	simm.s32 @!p1 $0x0  }
0x14: {  	s2 =	sld [smem:$0x3F9A];
	s0 =	simm.s32 @p1 $0x1  }
0x15: {  	[smem:$0x3FB7] =	sst s0;
	s0 =	simm.s32 @!p2 $0x0  }
0x16: {  	s3 =	sld [smem:$0x3FDB];
	s0 =	simm.s32 @p2 $0x1  }
0x17: {  	s4 =	simm.s32 $0x1BF5;
	[smem:$0x3FB9] =	sst s0  }
0x18: {  	s0 =	sld [smem:$0x3F9C];
	_ =	swait.ge [sflag:s4], $0x0  }
0x19: {  	s7 =	sld [smem:$0x3F9D]  }
0x1a: {  	s8 =	sadd.s32 $0xFFFFE003, lr  }
0x1b: {  	s9 =	sadd.s32 $0xFFFFFEF7, lr;
	s5 =	simm.s32 $0xFFFFFFFF;
	p2 =	slt.u32 s8, $0xFFFFF086  }
0x1c: {  	p1 =	slt.u32 s9, $0xF7A;
	s5 =	simm.s32 @!p2 $0x0  }
0x1d: {  	s5 =	simm.s32 @p1 $0x1;
	p0 =	seq.s32 s7, s2  }
0x1e: {  	s7 =	smul.u32 @!p0 $0xF7A, s2;
	p2 =	seq.s32 @!p0 s5, $0x0  }
0x1f: {  	s9 =	smul.u32 $0xF7A, s1;
	s8 =	simm.s32 @!p0 $0x1BF5;
	p2 =	por !p2, p0  }
0x20: {  	[sflag:s8] =	ssyncset.s32 @!p0 $0xFFFFF086;
	s6 =	sadd.s32 @!p0 s3, s7;
	s7 =	simm.s32 @!p0 $0x108  }
0x21: {  	s3 =	sadd.s32 s3, s9;
	s6 =	sadd.s32 @!p0 $0x88, s6;
	s7 =	simm.s32 @p2 $0x1082  }
0x22: {  	[simem:s7], [sflag:s8] =	dma.local @!p0 [hbm:s6], $0xF7A  }
0x23: {  	s9 =	sor.u32 $0xD0000000, s2;
	s6 =	simm.s32 $0x108;
	_ =	swait.ge @!p0 [sflag:s8], $0x0  }
0x24: {  	s3 =	sadd.s32 $0x88, s3;
	s6 =	simm.s32 @!p1 $0x1082;
	[sflag:s4] =	ssyncset.s32 $0xFFFFF086  }
0x25: {  	[simem:s6], [sflag:s4] =	dma.local [hbm:s3], $0xF7A  }
0x26: {  	[smem:$0x3F9D] =	sst s1;
	(tag) =	ssettag s2;
	_ =	strace s9  }
0x27: {  	s1 =	sld [smem:$0x3FAD]  }
0x28: {  	s2 =	sld [smem:$0x3FAE]  }
0x29: {  	s4 =	sld [smem:$0x3FB0]  }
0x2a: {  	p0 =	seq.s32 s5, $0x0;
	s5 =	sld [smem:$0x3FB1]  }
0x2b: {  	s6 =	sld [smem:$0x3FB2]  }
0x2c: {  	s7 =	sld [smem:$0x3FB3]  }
0x2d: {  	s3 =	simm.s32 $0x108;
	s8 =	sld [smem:$0x3FB4]  }
0x2e: {  	s3 =	simm.s32 @!p0 $0x1082;
	s9 =	sld [smem:$0x3FB5]  }
0x2f: {  	lr =	sadd.s32 s0, s3;
	s0 =	sld [smem:$0x3FAC]  }
0x30: {  	s3 =	sld [smem:$0x3FAF]  }
0x31: {  	[smem:$0x3FB8] =	sst s10  }
0x32: {  	s10 =	sld [smem:$0x3FB6];
	_ =	sdelay $0x3  }
0x33: {  	p0 =	seq.s32 s10, $0x1;
	s10 =	sld [smem:$0x3FB8];
	_ =	sdelay $0x3  }
0x34: {  	[smem:$0x3FB8] =	sst s10  }
0x35: {  	s10 =	sld [smem:$0x3FB7];
	_ =	sdelay $0x3  }
0x36: {  	p1 =	seq.s32 s10, $0x1;
	s10 =	sld [smem:$0x3FB8];
	_ =	sdelay $0x3  }
0x37: {  	[smem:$0x3FB8] =	sst s10  }
0x38: {  	s10 =	sld [smem:$0x3FB9]  }
0x39: {  	_ = 	snop;
	(pc) =	sbr.ind lr, $3  }
0x3a: {  	_ = 	snop  }
0x3b: {  	_ = 	snop  }
0x3c: {  	p2 =	seq.s32 s10, $0x1;
	s10 =	sld [smem:$0x3FB8]  }
0x3d: {  	_ =	shalt  }
0x3e: {  	_ =	shalt  }
0x3f: {  	_ =	shalt  }
0x40: {  	_ =	shalt  }
0x41: {  	_ =	shalt  }
0x42: {  	_ =	shalt  }
0x43: {  	_ =	shalt  }
0x44: {  	_ =	shalt  }
0x45: {  	_ =	shalt  }
0x46: {  	_ =	shalt  }
0x47: {  	_ =	shalt  }
0x48: {  	_ =	shalt  }
0x49: {  	_ =	shalt  }
0x4a: {  	_ =	shalt  }
0x4b: {  	_ =	shalt  }
0x4c: {  	_ =	shalt  }
0x4d: {  	_ =	shalt  }
0x4e: {  	_ =	shalt  }
0x4f: {  	_ =	shalt  }
0x50: {  	_ =	shalt  }
0x51: {  	_ =	shalt  }
0x52: {  	_ =	shalt  }
0x53: {  	_ =	shalt  }
0x54: {  	_ =	shalt  }
0x55: {  	_ =	shalt  }
0x56: {  	_ =	shalt  }
0x57: {  	_ =	shalt  }
0x58: {  	_ =	shalt  }
0x59: {  	_ =	shalt  }
0x5a: {  	_ =	shalt  }
0x5b: {  	_ =	shalt  }
0x5c: {  	_ =	shalt  }
0x5d: {  	_ =	shalt  }
0x5e: {  	_ =	shalt  }
0x5f: {  	_ =	shalt  }
0x60: {  	_ =	shalt  }
0x61: {  	_ =	shalt  }
0x62: {  	_ =	shalt  }
0x63: {  	_ =	shalt  }
0x64: {  	_ =	shalt  }
0x65: {  	_ =	shalt  }
0x66: {  	_ =	shalt  }
0x67: {  	_ =	shalt  }
0x68: {  	_ =	shalt  }
0x69: {  	_ =	shalt  }
0x6a: {  	_ =	shalt  }
0x6b: {  	_ =	shalt  }
0x6c: {  	_ =	shalt  }
0x6d: {  	_ =	shalt  }
0x6e: {  	_ =	shalt  }
0x6f: {  	_ =	shalt  }
0x70: {  	_ =	shalt  }
0x71: {  	_ =	shalt  }
0x72: {  	_ =	shalt  }
0x73: {  	_ =	shalt  }
0x74: {  	_ =	shalt  }
0x75: {  	_ =	shalt  }
0x76: {  	_ =	shalt  }
0x77: {  	_ =	shalt  }
0x78: {  	_ =	shalt  }
0x79: {  	_ =	shalt  }
0x7a: {  	_ =	shalt  }
0x7b: {  	_ =	shalt  }
0x7c: {  	_ =	shalt  }
0x7d: {  	_ =	shalt  }
0x7e: {  	_ =	shalt  }
0x7f: {  	_ =	shalt  }
0x80: {  	_ =	shalt  }
0x81: {  	_ =	shalt  }
0x82: {  	_ =	shalt  }
0x83: {  	_ =	shalt  }
0x84: {  	_ =	shalt  }
0x85: {  	_ =	shalt  }
0x86: {  	_ =	shalt  }
0x87: {  	_ =	shalt  }
.Lfunc_end0:
.L_simem_size_0:
called_computation_lowered:
.L_overlay_start_0:
0x88: {  	s2 =	sld [smem:$0x3FD9]  }
0x89: {  	s3 =	sld [smem:$0x3FFE];
	_ =	sdelay $0x1  }
0x8a: {  	s1 =	srdreg.scid  }
0x8b: {  	s0 =	sand.u32 $0x1, s1  }
0x8c: {  	s17 =	sshll.u32 s0, $0xA;
	s2 =	sadd.s32 s3, s2  }
0x8d: {  	s2 =	sadd.s32 s2, s17  }
0x8e: {  	[smem:$0x3FC4] =	sst s2  }
0x8f: {  	_ = 	snop  }
0x90: {  	s2 =	sld [smem:$0x3FC9]  }
0x91: {  	s18 =	sld [smem:$0x3FC8]  }
0x92: {  	s4 =	sld [smem:$0x3FC7]  }
0x93: {  	s5 =	sld [smem:$0x3FC6];
	(tm) =	ssettm $0x1  }
0x94: {  	s6 =	sld [smem:$0x3FFB];
	_ =	sdelay $0x3  }
0x95: {  	_ =	strace s6  }
0x96: {  	s6 =	sld [smem:$0x3FFC];
	_ =	sdelay $0x3  }
0x97: {  	_ =	strace s6  }
0x98: {  	s6 =	sld [smem:$0x3FFD];
	_ =	sdelay $0x3  }
0x99: {  	_ =	strace s6  }
0x9a: {  	_ =	strace $0x8FFFFFFF  }
0x9b: {  	s19 =	sld [smem:$0x3FDB];
	_ =	sdelay $0x1  }
0x9c: {  	s7 =	simm.s32 $_scs_section_size  }
0x9d: {  	s8 =	simm.s32 $_size__tile_overlayer_lowered;
	s9 =	simm.s32 $_tile_overlayer_lowered  }
0x9e: {  	s22 =	simm.s32 $0x1BFF;
	s21 =	sshll.u32 s9, $0x1;
	s6 =	sadd.s32 s7, s19  }
0x9f: {  	s10 =	simm.s32 $0x0;
	s20 =	sshll.u32 s8, $0x1;
	s8 =	sadd.s32 s21, s6  }
0xa0: {  	[timem:s10], [sflag:s22] =	dma.local [hbm:s8], s20  }
0xa1: {  	_ =	swait.ge [sflag:s22], s20  }
0xa2: {  	s7 =	ssub.s32 $0x0, s20;
	[sflag:s22] =	ssyncset.done $0x0  }
0xa3: {  	[sflag:s22] =	ssyncadd.s32 s7;
	_ =	sdelay $0x1  }
0xa4: {  	s23 =	simm.s32 $0x1B8B  }
0xa5: {  	_ =	swait.ge [sflag:s23], $0x1  }
0xa6: {  	[sflag:s23] =	ssyncset.done $0x0  }
0xa7: {  	s25 =	simm.s32 $0x1B8E;
	s24 =	sld [smem:$0x3FFE];
	[sflag:s23] =	ssyncadd.s32 $0xFFFFFFFF  }
0xa8: {  	s26 =	simm.s32 $execute0_lowered;
	[smem:$0x3FD2] =	sst s25  }
0xa9: {  	s8 =	sshll.u32 s26, $0x1;
	_ =	strace $0x80000046;
	[dreg:$0x1] =	wrdreg $0xFFFFFFFF  }
0xaa: {  	s28 =	simm.s32 $_size_execute0_lowered;
	s6 =	sadd.s32 s6, s8;
	[dreg:$0x0] =	wrdreg $0x0  }
0xab: {  	s8 =	sshll.u32 s28, $0x1;
	[dreg:$0x2] =	wrdreg s6  }
0xac: {  	[dreg:$0x3] =	wrdreg s8  }
0xad: {  	[dreg:$0x4] =	wrdreg $0xC0  }
0xae: {  	_ =	task [dreg:s10], $0x5FFFF  }
0xaf: {  	[dreg:$0x1] =	wrdreg $0xFFFFFFFF  }
0xb0: {  	[dreg:$0x0] =	wrdreg $0x60  }
0xb1: {  	[dreg:$0x2] =	wrdreg s2  }
0xb2: {  	[dreg:$0x3] =	wrdreg s18  }
0xb3: {  	[dreg:$0x4] =	wrdreg s4  }
0xb4: {  	[dreg:$0x5] =	wrdreg s5  }
0xb5: {  	[dreg:$0x6] =	wrdreg s24  }
0xb6: {  	[dreg:$0x7] =	wrdreg $0x9  }
0xb7: {  	_ =	task.clear_ibuf [dreg:s10], $0x8FFFF;
	_ =	strace $0x90000046  }
0xb8: {  	s29 =	simm.s32 $0x9;
	_ =	strace $0x80000048  }
0xb9: {  	_ =	swait.ge [sflag:s29], $0x1  }
0xba: {  	[sflag:s29] =	ssyncadd.s32 $0xFFFFFFFF  }
0xbb: {  	_ =	strace $0x90000048  }
0xbc: {  	_ =	sfence  }
0xbd: {  	s30 =	sld [smem:$0x0];
	_ =	sdelay $0x2  }
0xbe: {  	s31 =	sshll.u32 s1, $0xD;
	s1 =	sshrl.u32 s1, $0x2  }
0xbf: {  	s3 =	sand.u32 $0x4000, s31;
	s1 =	sadd.s32 s1, s30  }
0xc0: {  	s0 =	sor.u32 s3, s0;
	s1 =	sshll.u32 s1, $0x11  }
0xc1: {  	s0 =	sor.u32 s1, s0  }
0xc2: {  	s0 =	sadd.s32 $0x8F2B, s0  }
0xc3: {  	[sflag:s0] =	ssyncadd.remote.s32 $0x1  }
0xc4: {  	_ =	sfence.sel $0xFFFF  }
0xc5: {  	[dreg:$0x0] =	wrdreg $0xFFFFFFFF;
	(pc) =	sbr.abs _section_cstart, $3  }
0xc6: {  	[dreg:$0x1] =	wrdreg $0xFFFFFFFF  }
0xc7: {  	_ =	task.clear_ibuf [dreg:s10], $0x2FFFF;
	_ =	strace $0x9FFFFFFF  }
0xc8: {  	(tm) =	ssettm $0x7FFFFFFF  }
0xc9: {  	_ =	shalt  }
tec
execute0_lowered:
.L_overlay_start_1:
0x0: {  	(tag) =	ssettag $0x1  }
0x1: {  	s0 =	rddreg [dreg:$0x0]  }
0x2: {  	s1 =	rddreg [dreg:$0x1]  }
0x3: {  	s3 =	rddreg [dreg:$0x2]  }
0x4: {  	s2 =	srdreg.scid;
	s7 =	stileid.u32  }
0x5: {  	s4 =	rddreg [dreg:$0x3];
	s6 =	sand.u32 $0x1, s2;
	s7 =	sshll.u32 s7, $0x1  }
0x6: {  	s5 =	rddreg [dreg:$0x4];
	s2 =	simm.s32 $0x0;
	s7 =	sor.u32 s6, s7  }
0x7: {  	[smem:$0x7FF] =	sst s2;
	s6 =	ssub.s32 $0x2, s6;
	s8 =	sshll.u32 s7, $0x7  }
0x8: {  	_ =	strace $0x80000047;
	s9 =	sshrl.u32 s6, $0x1;
	s26 =	sshll.u32 s7, $0x6  }
0x9: {  	s7 =	simm.s32 $0x0;
	s10 =	sor.u32 $0x15000, s8;
	s6 =	ssub.s32 s6, s9  }
0xa: {  	s12 =	sor.u32 $0x2E000, s8;
	s13 =	sor.u32 $0x47000, s8;
	s8 =	sadd.s32 s8, s0  }
0xb: {  	s11 =	sadd.s32 s0, s10;
	s18 =	sadd.s32 $0x60000, s8;
	s19 =	sadd.s32 $0x79000, s8  }
0xc: {  	s20 =	sadd.s32 $0x92000, s8;
	s21 =	sadd.s32 $0xAB000, s8;
	[dreg:$0x6] =	wrdreg s11  }
0xd: {  	s22 =	sadd.s32 s1, s10;
	s23 =	sadd.s32 s4, s10;
	[dreg:$0x9] =	wrdreg s18  }
0xe: {  	s24 =	sadd.s32 $0xC4000, s8;
	s25 =	sadd.s32 $0xDD000, s8;
	[dreg:$0xa] =	wrdreg s19  }
0xf: {  	s14 =	sadd.s32 $0xF6000, s8;
	s15 =	sadd.s32 s1, s12;
	[dreg:$0xb] =	wrdreg s20  }
0x10: {  	s16 =	sadd.s32 s4, s12;
	s17 =	sadd.s32 s1, s13;
	[dreg:$0xc] =	wrdreg s21  }
0x11: {  	s28 =	sadd.s32 $0x1A5000, s8;
	s29 =	sadd.s32 $0x1BE000, s8;
	[dreg:$0xd] =	wrdreg s22  }
0x12: {  	s30 =	sadd.s32 $0x1D7000, s8;
	s31 =	sadd.s32 $0x1F0000, s8;
	[dreg:$0xe] =	wrdreg s23  }
0x13: {  	s1 =	sadd.s32 $0x209000, s8;
	s11 =	sadd.s32 s0, s12;
	[dreg:$0xf] =	wrdreg s24  }
0x14: {  	s0 =	sadd.s32 s0, s13;
	[dreg:$0x10] =	wrdreg s25;
	s18 =	sadd.s32 s4, s13  }
0x15: {  	s19 =	sadd.s32 $0x10F000, s8;
	s20 =	sadd.s32 s3, s10;
	s21 =	sadd.s32 $0x128000, s8  }
0x16: {  	s22 =	sadd.s32 s5, s26;
	s23 =	sadd.s32 $0x141000, s8;
	s24 =	sadd.s32 $0x15A000, s8  }
0x17: {  	s25 =	sadd.s32 $0x173000, s8;
	s26 =	sadd.s32 $0x18C000, s8;
	s3 =	simm.s32 $0x400  }
0x18: {  	s4 =	simm.s32 $0x8000;
	s5 =	simm.s32 $0x1;
	[dreg:$0x7] =	wrdreg s11  }
0x19: {  	v0 =	vimm.f32 $0.0e+00;
	[dreg:$0x8] =	wrdreg s0;
	s0 =	smax.u32 s6, $0x1;
	s6 =	simm.s32 $0x2  }
.LBB2_1:
0x1a: {  	s8 =	rddreg [dreg:$0x6]  }
0x1b: {  	[tilespmem:s2], [sflag:$0x1] =	stream.strided.gather [hbm4b:s8+s3], $0x1000, s4, s3, $0x38;
	[tilespmem:$0x1C200] =	vst v63  }
0x1c: {  	s10 =	simm.s32 $0x1000;
	s9 =	rddreg [dreg:$0x7]  }
0x1d: {  	[tilespmem:s10], [sflag:$0x1] =	stream.strided.gather [hbm4b:s9+s3], $0x1000, s4, s3, $0x38;
	[tilespmem:$0x1C200] =	vst v63  }
0x1e: {  	s11 =	rddreg [dreg:$0x8];
	s9 =	simm.s32 $0x2000  }
0x1f: {  	[tilespmem:s9], [sflag:$0x1] =	stream.strided.gather [hbm4b:s11+s3], $0x1000, s4, s3, $0x38;
	[tilespmem:$0x1C200] =	vst v63  }
0x20: {  	s12 =	rddreg [dreg:$0x9];
	s13 =	simm.s32 $0x3000  }
0x21: {  	[tilespmem:s13], [sflag:$0x1] =	stream.strided.gather [hbm4b:s12+s3], $0x1000, s4, s3, $0x38;
	[tilespmem:$0x1C200] =	vst v63  }
0x22: {  	s9 =	rddreg [dreg:$0xa];
	s11 =	simm.s32 $0x4000  }
0x23: {  	[tilespmem:s11], [sflag:$0x1] =	stream.strided.gather [hbm4b:s9+s3], $0x1000, s4, s3, $0x38;
	[tilespmem:$0x1C200] =	vst v63  }
0x24: {  	s12 =	rddreg [dreg:$0xb];
	s13 =	simm.s32 $0x5000  }
0x25: {  	[tilespmem:s13], [sflag:$0x1] =	stream.strided.gather [hbm4b:s12+s3], $0x1000, s4, s3, $0x38;
	[tilespmem:$0x1C200] =	vst v63  }
0x26: {  	s9 =	rddreg [dreg:$0xc];
	s11 =	simm.s32 $0x6000  }
0x27: {  	[tilespmem:s11], [sflag:$0x1] =	stream.strided.gather [hbm4b:s9+s3], $0x1000, s4, s3, $0x38;
	[tilespmem:$0x1C200] =	vst v63  }
0x28: {  	s12 =	rddreg [dreg:$0xd];
	s13 =	simm.s32 $0x15000  }
0x29: {  	[tilespmem:s13], [sflag:$0x1] =	stream.strided.gather [hbm4b:s12+s3], $0x1000, s4, s3, $0x38;
	[tilespmem:$0x1C200] =	vst v63  }
0x2a: {  	s9 =	rddreg [dreg:$0xe];
	s11 =	simm.s32 $0x18000  }
0x2b: {  	[tilespmem:s11], [sflag:$0x1] =	stream.strided.gather [hbm4b:s9+s3], $0x1000, s4, s3, $0x38;
	[tilespmem:$0x1C200] =	vst v63  }
0x2c: {  	s12 =	rddreg [dreg:$0xf];
	s13 =	simm.s32 $0x7000  }
0x2d: {  	[tilespmem:s13], [sflag:$0x1] =	stream.strided.gather [hbm4b:s12+s3], $0x1000, s4, s3, $0x38;
	[tilespmem:$0x1C200] =	vst v63  }
0x2e: {  	s9 =	rddreg [dreg:$0x10]  }
0x2f: {  	[tilespmem:s4], [sflag:$0x1] =	stream.strided.gather [hbm4b:s9+s3], $0x1000, s4, s3, $0x38;
	[tilespmem:$0x1C200] =	vst v63  }
0x30: {  	s11 =	simm.s32 $0x9000  }
0x31: {  	[tilespmem:s11], [sflag:$0x1] =	stream.strided.gather [hbm4b:s14+s3], $0x1000, s4, s3, $0x38;
	[tilespmem:$0x1C200] =	vst v63  }
0x32: {  	s12 =	simm.s32 $0xA000  }
0x33: {  	[tilespmem:s12], [sflag:$0x1] =	stream.strided.gather [hbm4b:s19+s3], $0x1000, s4, s3, $0x38;
	[tilespmem:$0x1C200] =	vst v63  }
0x34: {  	s13 =	simm.s32 $0xB000  }
0x35: {  	[tilespmem:s13], [sflag:$0x1] =	stream.strided.gather [hbm4b:s21+s3], $0x1000, s4, s3, $0x38;
	[tilespmem:$0x1C200] =	vst v63  }
0x36: {  	s9 =	simm.s32 $0xC000  }
0x37: {  	[tilespmem:s9], [sflag:$0x1] =	stream.strided.gather [hbm4b:s23+s3], $0x1000, s4, s3, $0x38;
	[tilespmem:$0x1C200] =	vst v63  }
0x38: {  	s11 =	simm.s32 $0xD000  }
0x39: {  	[tilespmem:s11], [sflag:$0x1] =	stream.strided.gather [hbm4b:s24+s3], $0x1000, s4, s3, $0x38;
	[tilespmem:$0x1C200] =	vst v63  }
0x3a: {  	s11 =	simm.s32 $0x16000  }
0x3b: {  	[tilespmem:s11], [sflag:$0x1] =	stream.strided.gather [hbm4b:s15+s3], $0x1000, s4, s3, $0x38;
	[tilespmem:$0x1C200] =	vst v63  }
0x3c: {  	s8 =	simm.s32 $0x19000  }
0x3d: {  	[tilespmem:s8], [sflag:$0x1] =	stream.strided.gather [hbm4b:s16+s3], $0x1000, s4, s3, $0x38;
	[tilespmem:$0x1C200] =	vst v63  }
0x3e: {  	s12 =	simm.s32 $0xE000  }
0x3f: {  	[tilespmem:s12], [sflag:$0x1] =	stream.strided.gather [hbm4b:s25+s3], $0x1000, s4, s3, $0x38;
	[tilespmem:$0x1C200] =	vst v63  }
0x40: {  	s13 =	simm.s32 $0xF000  }
0x41: {  	[tilespmem:s13], [sflag:$0x1] =	stream.strided.gather [hbm4b:s26+s3], $0x1000, s4, s3, $0x38;
	[tilespmem:$0x1C200] =	vst v63  }
0x42: {  	s12 =	simm.s32 $0x10000  }
0x43: {  	[tilespmem:s12], [sflag:$0x1] =	stream.strided.gather [hbm4b:s28+s3], $0x1000, s4, s3, $0x38;
	[tilespmem:$0x1C200] =	vst v63  }
0x44: {  	s13 =	simm.s32 $0x11000  }
0x45: {  	[tilespmem:s13], [sflag:$0x1] =	stream.strided.gather [hbm4b:s29+s3], $0x1000, s4, s3, $0x38;
	[tilespmem:$0x1C200] =	vst v63  }
0x46: {  	s12 =	simm.s32 $0x12000  }
0x47: {  	[tilespmem:s12], [sflag:$0x1] =	stream.strided.gather [hbm4b:s30+s3], $0x1000, s4, s3, $0x38;
	[tilespmem:$0x1C200] =	vst v63  }
0x48: {  	s13 =	simm.s32 $0x13000  }
0x49: {  	[tilespmem:s13], [sflag:$0x1] =	stream.strided.gather [hbm4b:s31+s3], $0x1000, s4, s3, $0x38;
	[tilespmem:$0x1C200] =	vst v63  }
0x4a: {  	s12 =	simm.s32 $0x14000  }
0x4b: {  	[tilespmem:s12], [sflag:$0x1] =	stream.strided.gather [hbm4b:s1+s3], $0x1000, s4, s3, $0x38;
	[tilespmem:$0x1C200] =	vst v63  }
0x4c: {  	s13 =	simm.s32 $0x17000  }
0x4d: {  	[tilespmem:s13], [sflag:$0x1] =	stream.strided.gather [hbm4b:s17+s3], $0x1000, s4, s3, $0x38;
	[tilespmem:$0x1C200] =	vst v63  }
0x4e: {  	s12 =	simm.s32 $0x1A000  }
0x4f: {  	[tilespmem:s12], [sflag:$0x1] =	stream.strided.gather [hbm4b:s18+s3], $0x1000, s4, s3, $0x38;
	[tilespmem:$0x1C200] =	vst v63  }
0x50: {  	s9 =	simm.s32 $0x1B000  }
0x51: {  	[tilespmem:s9], [sflag:$0x1] =	stream.strided.gather [hbm4b:s20+s3], $0x1000, s4, s3, $0x38;
	[tilespmem:$0x1C200] =	vst v63  }
0x52: {  	_ =	swait.ge [sflag:s5], $0x1000  }
0x53: {  	[sflag:s5] =	ssyncset.done $0x0  }
0x54: {  	[sflag:s5] =	ssyncadd.s32 $0xFFFFF000  }
0x55: {  	_ =	swait.ge [sflag:s5], $0x1000  }
0x56: {  	[sflag:s5] =	ssyncset.done $0x0  }
0x57: {  	[sflag:s5] =	ssyncadd.s32 $0xFFFFF000  }
0x58: {  	_ =	swait.ge [sflag:s5], $0x1000  }
0x59: {  	[sflag:s5] =	ssyncset.done $0x0  }
0x5a: {  	[sflag:s5] =	ssyncadd.s32 $0xFFFFF000  }
0x5b: {  	_ =	swait.ge [sflag:s5], $0x1000  }
0x5c: {  	[sflag:s5] =	ssyncset.done $0x0  }
0x5d: {  	[sflag:s5] =	ssyncadd.s32 $0xFFFFF000  }
0x5e: {  	_ =	swait.ge [sflag:s5], $0x1000  }
0x5f: {  	[sflag:s5] =	ssyncset.done $0x0  }
0x60: {  	[sflag:s5] =	ssyncadd.s32 $0xFFFFF000  }
0x61: {  	_ =	swait.ge [sflag:s5], $0x1000  }
0x62: {  	[sflag:s5] =	ssyncset.done $0x0  }
0x63: {  	[sflag:s5] =	ssyncadd.s32 $0xFFFFF000  }
0x64: {  	_ =	swait.ge [sflag:s5], $0x1000  }
0x65: {  	[sflag:s5] =	ssyncset.done $0x0  }
0x66: {  	[sflag:s5] =	ssyncadd.s32 $0xFFFFF000  }
0x67: {  	_ =	swait.ge [sflag:s5], $0x1000  }
0x68: {  	[sflag:s5] =	ssyncset.done $0x0  }
0x69: {  	[sflag:s5] =	ssyncadd.s32 $0xFFFFF000  }
0x6a: {  	_ =	swait.ge [sflag:s5], $0x1000  }
0x6b: {  	[sflag:s5] =	ssyncset.done $0x0  }
0x6c: {  	[sflag:s5] =	ssyncadd.s32 $0xFFFFF000  }
0x6d: {  	_ =	swait.ge [sflag:s5], $0x1000  }
0x6e: {  	[sflag:s5] =	ssyncset.done $0x0  }
0x6f: {  	[sflag:s5] =	ssyncadd.s32 $0xFFFFF000  }
0x70: {  	_ =	swait.ge [sflag:s5], $0x1000  }
0x71: {  	[sflag:s5] =	ssyncset.done $0x0  }
0x72: {  	[sflag:s5] =	ssyncadd.s32 $0xFFFFF000  }
0x73: {  	_ =	swait.ge [sflag:s5], $0x1000  }
0x74: {  	[sflag:s5] =	ssyncset.done $0x0  }
0x75: {  	[sflag:s5] =	ssyncadd.s32 $0xFFFFF000  }
0x76: {  	_ =	swait.ge [sflag:s5], $0x1000  }
0x77: {  	[sflag:s5] =	ssyncset.done $0x0  }
0x78: {  	[sflag:s5] =	ssyncadd.s32 $0xFFFFF000  }
0x79: {  	_ =	swait.ge [sflag:s5], $0x1000  }
0x7a: {  	[sflag:s5] =	ssyncset.done $0x0  }
0x7b: {  	[sflag:s5] =	ssyncadd.s32 $0xFFFFF000  }
0x7c: {  	_ =	swait.ge [sflag:s5], $0x1000  }
0x7d: {  	[sflag:s5] =	ssyncset.done $0x0  }
0x7e: {  	[sflag:s5] =	ssyncadd.s32 $0xFFFFF000  }
0x7f: {  	_ =	swait.ge [sflag:s5], $0x1000  }
0x80: {  	[sflag:s5] =	ssyncset.done $0x0  }
0x81: {  	[sflag:s5] =	ssyncadd.s32 $0xFFFFF000  }
0x82: {  	_ =	swait.ge [sflag:s5], $0x1000  }
0x83: {  	[sflag:s5] =	ssyncset.done $0x0  }
0x84: {  	[sflag:s5] =	ssyncadd.s32 $0xFFFFF000  }
0x85: {  	_ =	swait.ge [sflag:s5], $0x1000  }
0x86: {  	[sflag:s5] =	ssyncset.done $0x0  }
0x87: {  	[sflag:s5] =	ssyncadd.s32 $0xFFFFF000  }
0x88: {  	_ =	swait.ge [sflag:s5], $0x1000  }
0x89: {  	[sflag:s5] =	ssyncset.done $0x0  }
0x8a: {  	[sflag:s5] =	ssyncadd.s32 $0xFFFFF000  }
0x8b: {  	_ =	swait.ge [sflag:s5], $0x1000  }
0x8c: {  	[sflag:s5] =	ssyncset.done $0x0  }
0x8d: {  	[sflag:s5] =	ssyncadd.s32 $0xFFFFF000  }
0x8e: {  	_ =	swait.ge [sflag:s5], $0x1000  }
0x8f: {  	[sflag:s5] =	ssyncset.done $0x0  }
0x90: {  	[sflag:s5] =	ssyncadd.s32 $0xFFFFF000  }
0x91: {  	_ =	swait.ge [sflag:s5], $0x1000  }
0x92: {  	[sflag:s5] =	ssyncset.done $0x0  }
0x93: {  	[sflag:s5] =	ssyncadd.s32 $0xFFFFF000  }
0x94: {  	_ =	swait.ge [sflag:s5], $0x1000  }
0x95: {  	[sflag:s5] =	ssyncset.done $0x0  }
0x96: {  	[sflag:s5] =	ssyncadd.s32 $0xFFFFF000  }
0x97: {  	_ =	swait.ge [sflag:s5], $0x1000  }
0x98: {  	[sflag:s5] =	ssyncset.done $0x0  }
0x99: {  	[sflag:s5] =	ssyncadd.s32 $0xFFFFF000  }
0x9a: {  	_ =	swait.ge [sflag:s5], $0x1000  }
0x9b: {  	[sflag:s5] =	ssyncset.done $0x0  }
0x9c: {  	[sflag:s5] =	ssyncadd.s32 $0xFFFFF000  }
0x9d: {  	_ =	swait.ge [sflag:s5], $0x1000  }
0x9e: {  	[sflag:s5] =	ssyncset.done $0x0  }
0x9f: {  	[sflag:s5] =	ssyncadd.s32 $0xFFFFF000  }
0xa0: {  	_ =	swait.ge [sflag:s5], $0x1000  }
0xa1: {  	[sflag:s5] =	ssyncset.done $0x0  }
0xa2: {  	[sflag:s5] =	ssyncadd.s32 $0xFFFFF000  }
0xa3: {  	_ =	swait.ge [sflag:s5], $0x1000  }
0xa4: {  	[sflag:s5] =	ssyncset.done $0x0  }
0xa5: {  	s12 =	sand.u32 $0xFF0, s2;
	[sflag:s5] =	ssyncadd.s32 $0xFFFFF000  }
0xa6: {  	v1 =	vld [tilespmem:s12+$0xD000]  }
0xa7: {  	v2 =	vld [tilespmem:s12+$0xC000]  }
0xa8: {  	v3 =	vld [tilespmem:s12+$0x6000]  }
0xa9: {  	v5 =	vld [tilespmem:s12+$0x5000]  }
0xaa: {  	v7 =	vld [tilespmem:s11+$0x1000]  }
0xab: {  	v8 =	vld [tilespmem:s12+$0xE000]  }
0xac: {  	v9 =	vld [tilespmem:s12+$0x4000]  }
0xad: {  	v10 =	vld [tilespmem:s10+$0x1000]  }
0xae: {  	v11 =	vld [tilespmem:s11+$0x0]  }
0xaf: {  	v12 =	vld [tilespmem:s12+$0x3000]  }
0xb0: {  	v13 =	vld [tilespmem:s11+$0xFFFFF000]  }
0xb1: {  	v14 =	vld [tilespmem:s10+$0xFFFFF000]  }
0xb2: {  	v15 =	vld [tilespmem:s10+$0x0]  }
0xb3: {  	v16 =	vld [tilespmem:s12+$0x7000];
	vm0 =	veq.s32 v7, $0x6  }
0xb4: {  	v17 =	vld [tilespmem:s12+$0x8000];
	vm2 =	veq.s32 v11, $0x6;
	vm3 =	veq.s32 v7, $0x4;
	vm1 =	veq.s32 v7, $0x5  }
0xb5: {  	v19 =	vld [tilespmem:s12+$0xF000];
	vm4 =	veq.s32 v11, $0x5;
	vm5 =	veq.s32 v7, $0x3;
	vm6 =	veq.s32 v13, $0x6  }
0xb6: {  	v18 =	vld [tilespmem:s12+$0x9000];
	vm7 =	veq.s32 v11, $0x4;
	vm8 =	veq.s32 v7, $0x2;
	vm9 =	veq.s32 v13, $0x1  }
0xb7: {  	v21 =	vld [tilespmem:s12+$0x10000];
	vm10 =	veq.s32 v13, $0x5;
	vm11 =	veq.s32 v11, $0x3;
	vm12 =	veq.s32 v13, $0x4  }
0xb8: {  	v6 =	vld [tilespmem:s12+$0xA000];
	vm13 =	veq.s32 v11, $0x1;
	vm14 =	veq.s32 v11, $0x2;
	vm15 =	veq.s32 v7, $0x1  }
0xb9: {  	v4 =	vld [tilespmem:s12+$0xB000];
	v20 =	vsel vm9, v15, v14;
	vm9 =	veq.s32 v13, $0x2;
	v22 =	vsel vm13, v17, v16  }
0xba: {  	v23 =	vsel vm15, v19, v8;
	v20 =	vsel vm9, v10, v20;
	vm9 =	veq.s32 v13, $0x3;
	v13 =	vld [tilespmem:s12+$0x11000]  }
0xbb: {  	v11 =	vld [tilespmem:s12+$0x12000];
	v16 =	vmax.f32 v16, v17;
	v14 =	vmax.f32 v14, v15;
	v20 =	vsel vm9, v12, v20  }
0xbc: {  	v7 =	vld [tilespmem:s12+$0x13000];
	v22 =	vsel vm14, v18, v22;
	v23 =	vsel vm8, v21, v23;
	v20 =	vsel vm12, v9, v20  }
0xbd: {  	v24 =	vld [tilespmem:s12+$0x14000];
	v15 =	vmax.f32 v16, v18;
	v22 =	vsel vm11, v6, v22;
	v20 =	vsel vm10, v5, v20  }
0xbe: {  	v10 =	vmax.f32 v14, v10;
	v22 =	vsel vm7, v4, v22;
	v20 =	vsel vm6, v3, v20  }
0xbf: {  	v22 =	vsel vm4, v2, v22;
	v25 =	vand.u32 $0x7FFFFF, v20;
	v23 =	vsel vm5, v13, v23  }
0xc0: {  	v22 =	vsel vm2, v1, v22;
	v25 =	vor.u32 $0x3F800000, v25;
	v23 =	vsel vm3, v11, v23  }
0xc1: {  	v26 =	vand.u32 $0x7FFFFF, v22;
	v25 =	vadd.f32 $-1.000000000e+00, v25;
	v23 =	vsel vm1, v7, v23  }
0xc2: {  	v6 =	vmax.f32 v15, v6;
	v17 =	vor.u32 $0x3F800000, v26;
	v23 =	vsel vm0, v24, v23  }
0xc3: {  	v17 =	vadd.f32 $-1.000000000e+00, v17;
	v62 =	vmul.f32 $4.342836510e-02, v25;
	v27 =	vand.u32 $0x7FFFFF, v23  }
0xc4: {  	v10 =	vmax.f32 v10, v12;
	v4 =	vmax.f32 v6, v4;
	v16 =	vor.u32 $0x3F800000, v27  }
0xc5: {  	v63 =	vmul.f32 $4.342836510e-02, v17;
	v18 =	vadd.f32 $-1.877204920e-01, v62;
	v16 =	vadd.f32 $-1.000000000e+00, v16  }
0xc6: {  	v8 =	vmax.f32 v8, v19;
	v9 =	vmax.f32 v10, v9;
	v2 =	vmax.f32 v4, v2  }
0xc7: {  	v15 =	vadd.f32 $-1.877204920e-01, v63;
	v14 =	vmul.f32 v18, v25;
	v18 =	vmul.f32 $4.342836510e-02, v16  }
0xc8: {  	v8 =	vmax.f32 v8, v21;
	v5 =	vmax.f32 v9, v5;
	v1 =	vmax.f32 v2, v1  }
0xc9: {  	v2 =	vld [tilespmem:s9+$0x0];
	v12 =	vmul.f32 v15, v17;
	v6 =	vadd.f32 $4.087189440e-01, v14;
	v14 =	vadd.f32 $-1.877204920e-01, v18  }
0xca: {  	v3 =	vmax.f32 v5, v3;
	v8 =	vmax.f32 v8, v13  }
0xcb: {  	v4 =	vmul.f32 v6, v25;
	v6 =	vadd.f32 $4.087189440e-01, v12;
	v10 =	vmul.f32 v14, v16  }
0xcc: {  	vm2 =	vge.f32 v20, v3;
	v8 =	vmax.f32 v8, v11  }
0xcd: {  	v4 =	vadd.f32 $-7.057026020e-01, v4;
	v6 =	vmul.f32 v6, v17;
	v9 =	vadd.f32 $4.087189440e-01, v10  }
0xce: {  	v13 =	vld [tilespmem:s8+$0x1000];
	vm0 =	vge.f32 v22, v1;
	vm1 =	vlt.f32 v2, $5.000000000e-01;
	v10 =	vshrl.u32 v22, $0x17  }
0xcf: {  	s13 =	simm.s32 $0x10;
	v12 =	vld [tilespmem:s8+$0x0];
	v1 =	vmul.f32 v4, v25;
	v5 =	vadd.f32 $-7.057026020e-01, v6;
	v6 =	vmul.f32 v9, v16  }
0xd0: {  	s12 =	sand.u32 $0xFF0, s13;
	v11 =	vld [tilespmem:s8+$0xFFFFF000];
	v10 =	vadd.s32 $0xFFFFFF81, v10;
	v9 =	vmax.f32 v8, v7;
	v7 =	vshrl.u32 v20, $0x17  }
0xd1: {  	v4 =	vld [tilespmem:s12+$0xD000];
	v3 =	vadd.f32 $1.441267130e+00, v1;
	v8 =	vmul.f32 v5, v17;
	v6 =	vadd.f32 $-7.057026020e-01, v6  }
0xd2: {  	s10 =	simm.s32 $0x16010;
	v21 =	vsel vm1, $0x3F800000, v0;
	v19 =	vcvt.s32.f32 v10;
	v10 =	vld [tilespmem:s12+$0xE000];
	v2 =	vadd.s32 $0xFFFFFF81, v7  }
0xd3: {  	v20 =	vld [tilespmem:s10+$0xFFFFF000];
	v3 =	vmul.f32 v3, v25;
	v8 =	vadd.f32 $1.441267130e+00, v8;
	v14 =	vmul.f32 v6, v16  }
0xd4: {  	v15 =	vshrl.u32 v23, $0x17;
	v7 =	vld [tilespmem:s12+$0xB000];
	v22 =	vmul.f32 v12, v21;
	v2 =	vcvt.s32.f32 v2  }
0xd5: {  	v12 =	vld [tilespmem:s12+$0x3000];
	v3 =	vadd.f32 $3.193085650e-05, v3;
	v17 =	vmul.f32 v8, v17;
	v18 =	vadd.f32 $1.441267130e+00, v14  }
0xd6: {  	v15 =	vadd.s32 $0xFFFFFF81, v15;
	v5 =	vld [tilespmem:s12+$0xC000]  }
0xd7: {  	v1 =	vld [tilespmem:s12+$0x6000];
	v2 =	vadd.f32 v2, v3;
	v3 =	vadd.f32 $3.193085650e-05, v17;
	v16 =	vmul.f32 v18, v16  }
0xd8: {  	v15 =	vcvt.s32.f32 v15;
	v6 =	vld [tilespmem:s12+$0x5000];
	v17 =	vmax.f32 v9, v24;
	v18 =	vmul.f32 v21, v11  }
0xd9: {  	v8 =	vld [tilespmem:s12+$0xA000];
	v2 =	vmul.f32 $6.931471820e-01, v2;
	v3 =	vadd.f32 v19, v3;
	v19 =	vadd.f32 $3.193085650e-05, v16  }
0xda: {  	vm0 =	vmand vm2, vm0;
	v14 =	vld [tilespmem:s10+$0x1000];
	vm2 =	vge.f32 v23, v17  }
0xdb: {  	v16 =	vld [tilespmem:s10+$0x0];
	v2 =	vmul.f32 v2, v18;
	v3 =	vmul.f32 $6.931471820e-01, v3;
	v15 =	vadd.f32 v15, v19  }
0xdc: {  	s11 =	simm.s32 $0x1010;
	v9 =	vld [tilespmem:s12+$0x4000];
	v17 =	vmul.f32 v13, v21;
	vm0 =	vmand vm0, vm2  }
0xdd: {  	v11 =	vld [tilespmem:s11+$0x1000];
	v13 =	vadd.f32 v2, v0;
	v18 =	vmul.f32 v3, v22;
	v19 =	vmul.f32 $6.931471820e-01, v15  }
0xde: {  	s13 =	simm.s32 $0x20;
	vm0 =	vmand vm1, vm0;
	v15 =	vld [tilespmem:s11+$0xFFFFF000];
	v2 =	vadd.f32 v21, v0;
	v3 =	vimm.f32 $0.0e+00  }
.LBB2_2:
0xdf: {  	p0 =	sne.s32 s13, $0xFF0;
	v21 =	vld [tilespmem:s11+$0x0];
	vm1 =	veq.s32 v14, $0x6;
	v13 =	vadd.f32 v18, v13;
	v17 =	vmul.f32 v19, v17  }
0xe0: {  	vm4 =	veq.s32 v14, $0x4;
	vm2 =	veq.s32 v14, $0x5;
	v18 =	vld [tilespmem:s12+$0x7000];
	vm3 =	veq.s32 v16, $0x6  }
0xe1: {  	vm6 =	veq.s32 v14, $0x3;
	vm5 =	veq.s32 v16, $0x5;
	v19 =	vld [tilespmem:s12+$0x8000];
	v13 =	vadd.f32 v17, v13  }
0xe2: {  	vm9 =	veq.s32 v14, $0x2;
	vm8 =	veq.s32 v16, $0x4;
	vm7 =	veq.s32 v20, $0x6;
	v17 =	vld [tilespmem:s12+$0x9000]  }
0xe3: {  	vm12 =	veq.s32 v16, $0x3;
	vm10 =	veq.s32 v20, $0x1;
	vm11 =	veq.s32 v20, $0x5;
	v22 =	vld [tilespmem:s12+$0xF000]  }
0xe4: {  	vm13 =	veq.s32 v20, $0x4;
	v23 =	vsel vm10, v21, v15;
	vm10 =	veq.s32 v20, $0x2;
	v24 =	vld [tilespmem:s12+$0x10000]  }
0xe5: {  	vm14 =	veq.s32 v16, $0x1;
	v23 =	vsel vm10, v11, v23;
	vm10 =	veq.s32 v20, $0x3;
	v20 =	vld [tilespmem:s12+$0x11000]  }
0xe6: {  	v23 =	vsel vm10, v12, v23;
	v25 =	vsel vm14, v19, v18;
	vm10 =	veq.s32 v16, $0x2;
	v16 =	vld [tilespmem:s12+$0x12000]  }
0xe7: {  	v23 =	vsel vm13, v9, v23;
	v25 =	vsel vm10, v17, v25;
	vm10 =	veq.s32 v14, $0x1;
	v14 =	vld [tilespmem:s12+$0x13000]  }
0xe8: {  	v23 =	vsel vm11, v6, v23;
	v25 =	vsel vm12, v8, v25;
	v26 =	vsel vm10, v22, v10;
	v27 =	vld [tilespmem:s12+$0x14000]  }
0xe9: {  	v23 =	vsel vm7, v1, v23;
	v25 =	vsel vm8, v7, v25;
	v26 =	vsel vm9, v24, v26  }
0xea: {  	v28 =	vand.u32 $0x7FFFFF, v23;
	v25 =	vsel vm5, v5, v25;
	v26 =	vsel vm6, v20, v26  }
0xeb: {  	v28 =	vor.u32 $0x3F800000, v28;
	v25 =	vsel vm3, v4, v25;
	v26 =	vsel vm4, v16, v26  }
0xec: {  	v28 =	vadd.f32 $-1.000000000e+00, v28;
	v29 =	vand.u32 $0x7FFFFF, v25;
	v26 =	vsel vm2, v14, v26  }
0xed: {  	v18 =	vmax.f32 v18, v19;
	v19 =	vor.u32 $0x3F800000, v29;
	v26 =	vsel vm1, v27, v26  }
0xee: {  	v29 =	vmul.f32 $4.342836510e-02, v28;
	v19 =	vadd.f32 $-1.000000000e+00, v19;
	v30 =	vand.u32 $0x7FFFFF, v26  }
0xef: {  	v15 =	vmax.f32 v15, v21;
	v17 =	vmax.f32 v18, v17;
	v18 =	vor.u32 $0x3F800000, v30  }
0xf0: {  	v21 =	vadd.f32 $-1.877204920e-01, v29;
	v29 =	vmul.f32 $4.342836510e-02, v19;
	v18 =	vadd.f32 $-1.000000000e+00, v18  }
0xf1: {  	v11 =	vmax.f32 v15, v11;
	v8 =	vmax.f32 v17, v8;
	v10 =	vmax.f32 v10, v22  }
0xf2: {  	v15 =	vmul.f32 v21, v28;
	v17 =	vadd.f32 $-1.877204920e-01, v29;
	v21 =	vmul.f32 $4.342836510e-02, v18  }
0xf3: {  	v11 =	vmax.f32 v11, v12;
	v7 =	vmax.f32 v8, v7;
	v8 =	vmax.f32 v10, v24  }
0xf4: {  	v10 =	vadd.f32 $4.087189440e-01, v15;
	v12 =	vmul.f32 v17, v19;
	v15 =	vadd.f32 $-1.877204920e-01, v21  }
0xf5: {  	v9 =	vmax.f32 v11, v9;
	v5 =	vmax.f32 v7, v5;
	v7 =	vmax.f32 v8, v20  }
0xf6: {  	v8 =	vmul.f32 v10, v28;
	v10 =	vadd.f32 $4.087189440e-01, v12;
	v11 =	vmul.f32 v15, v18  }
0xf7: {  	s9 =	sadd.s32 $0x10, s9;
	v6 =	vmax.f32 v9, v6;
	v4 =	vmax.f32 v5, v4;
	v5 =	vmax.f32 v7, v16  }
0xf8: {  	s8 =	sadd.s32 $0x10, s8;
	v7 =	vld [tilespmem:s9+$0x0];
	v8 =	vadd.f32 $-7.057026020e-01, v8;
	v9 =	vmul.f32 v10, v19;
	v10 =	vadd.f32 $4.087189440e-01, v11  }
0xf9: {  	v1 =	vmax.f32 v6, v1;
	vm2 =	vge.f32 v25, v4;
	v4 =	vmax.f32 v5, v14;
	v15 =	vld [tilespmem:s8+$0x1000]  }
0xfa: {  	v5 =	vmul.f32 v8, v28;
	v12 =	vld [tilespmem:s8+$0x0];
	v6 =	vadd.f32 $-7.057026020e-01, v9;
	v8 =	vmul.f32 v10, v18  }
0xfb: {  	s12 =	sand.u32 $0xFF0, s13;
	vm3 =	vge.f32 v23, v1;
	v16 =	vmax.f32 v4, v27;
	v10 =	vshrl.u32 v23, $0x17;
	v9 =	vld [tilespmem:s8+$0xFFFFF000]  }
0xfc: {  	v4 =	vld [tilespmem:s12+$0xD000];
	v11 =	vadd.f32 $1.441267130e+00, v5;
	v6 =	vmul.f32 v6, v19;
	v8 =	vadd.f32 $-7.057026020e-01, v8  }
0xfd: {  	v14 =	vshrl.u32 v25, $0x17;
	v10 =	vadd.s32 $0xFFFFFF81, v10;
	v5 =	vld [tilespmem:s12+$0xC000];
	vm1 =	vlt.f32 v7, $5.000000000e-01  }
0xfe: {  	v1 =	vld [tilespmem:s12+$0x6000];
	v11 =	vmul.f32 v11, v28;
	v17 =	vadd.f32 $1.441267130e+00, v6;
	v8 =	vmul.f32 v8, v18  }
0xff: {  	v14 =	vadd.s32 $0xFFFFFF81, v14;
	v20 =	vshrl.u32 v26, $0x17;
	v10 =	vcvt.s32.f32 v10;
	v7 =	vld [tilespmem:s12+$0xB000]  }
0x100: {  	v6 =	vld [tilespmem:s12+$0x5000];
	v11 =	vadd.f32 $3.193085650e-05, v11;
	v17 =	vmul.f32 v17, v19;
	v19 =	vadd.f32 $1.441267130e+00, v8  }
0x101: {  	s10 =	sadd.s32 $0x10, s10;
	v22 =	vcvt.s32.f32 v14;
	v20 =	vadd.s32 $0xFFFFFF81, v20;
	v21 =	vsel vm1, $0x3F800000, v0;
	v8 =	vld [tilespmem:s12+$0xA000]  }
0x102: {  	v14 =	vld [tilespmem:s10+$0x1000];
	v11 =	vadd.f32 v10, v11;
	v17 =	vadd.f32 $3.193085650e-05, v17;
	v18 =	vmul.f32 v19, v18  }
0x103: {  	vm2 =	vmand vm3, vm2;
	v20 =	vcvt.s32.f32 v20;
	v19 =	vmul.f32 v21, v9;
	v10 =	vld [tilespmem:s12+$0xE000]  }
0x104: {  	s11 =	sadd.s32 $0x10, s11;
	v9 =	vld [tilespmem:s12+$0x4000];
	v23 =	vmul.f32 $6.931471820e-01, v11;
	v17 =	vadd.f32 v22, v17;
	v18 =	vadd.f32 $3.193085650e-05, v18  }
.Ltmp0:
0x105: {  	v24 =	vsel vm0, $0x3F800000, v0;
	vm3 =	vge.f32 v26, v16;
	v22 =	vmul.f32 v12, v21;
	v11 =	vld [tilespmem:s11+$0x1000];
	(pc) =	sbr.rel @p0 .LBB2_2-.Ltmp0, $4  }
0x106: {  	v16 =	vld [tilespmem:s10+$0x0];
	v19 =	vmul.f32 v23, v19;
	v23 =	vmul.f32 $6.931471820e-01, v17;
	v25 =	vadd.f32 v20, v18  }
0x107: {  	v3 =	vadd.f32 v24, v3;
	vm0 =	vmand vm2, vm3;
	v17 =	vmul.f32 v15, v21;
	v12 =	vld [tilespmem:s12+$0x3000]  }
0x108: {  	v20 =	vld [tilespmem:s10+$0xFFFFF000];
	v13 =	vadd.f32 v19, v13;
	v18 =	vmul.f32 v23, v22;
	v19 =	vmul.f32 $6.931471820e-01, v25  }
0x109: {  	s13 =	sadd.s32 $0x10, s13;
	vm0 =	vmand vm1, vm0;
	v2 =	vadd.f32 v21, v2;
	v15 =	vld [tilespmem:s11+$0xFFFFF000]  }
0x10a: {  	v21 =	vld [tilespmem:s11+$0x0]  }
0x10b: {  	v22 =	vld [tilespmem:s12+$0x7000];
	vm1 =	veq.s32 v14, $0x6;
	vm4 =	veq.s32 v14, $0x4  }
0x10c: {  	v23 =	vld [tilespmem:s12+$0x8000];
	vm2 =	veq.s32 v14, $0x5;
	v13 =	vadd.f32 v18, v13;
	v17 =	vmul.f32 v19, v17  }
0x10d: {  	v24 =	vld [tilespmem:s12+$0x9000];
	vm3 =	veq.s32 v16, $0x6;
	vm5 =	veq.s32 v16, $0x5;
	vm7 =	veq.s32 v16, $0x4  }
0x10e: {  	vm11 =	veq.s32 v16, $0x1;
	vm12 =	veq.s32 v16, $0x2;
	vm8 =	veq.s32 v20, $0x1  }
0x10f: {  	v25 =	vld [tilespmem:s12+$0xF000];
	vm13 =	veq.s32 v16, $0x3;
	vm14 =	veq.s32 v20, $0x2;
	v26 =	vsel vm8, v21, v15  }
0x110: {  	v27 =	vld [tilespmem:s12+$0x10000];
	vm6 =	veq.s32 v20, $0x6;
	vm15 =	veq.s32 v20, $0x3;
	v26 =	vsel vm14, v11, v26  }
0x111: {  	v46 =	vld [tilespmem:s12+$0x11000];
	vm10 =	veq.s32 v20, $0x4;
	v28 =	vsel vm11, v23, v22;
	v26 =	vsel vm15, v12, v26  }
0x112: {  	vm9 =	veq.s32 v20, $0x5;
	v28 =	vsel vm12, v24, v28;
	v47 =	vsel vm10, v9, v26;
	v26 =	vld [tilespmem:s12+$0x12000]  }
0x113: {  	v29 =	vld [tilespmem:s12+$0x13000];
	vm14 =	veq.s32 v14, $0x1;
	v28 =	vsel vm13, v8, v28;
	vm15 =	veq.s32 v14, $0x2  }
0x114: {  	v31 =	vld [tilespmem:s12+$0x14000];
	v30 =	vsel vm14, v25, v10;
	vm10 =	veq.s32 v14, $0x3;
	v16 =	vsel vm9, v6, v47  }
0x115: {  	v48 =	vsel vm7, v7, v28;
	v49 =	vsel vm15, v27, v30;
	v16 =	vsel vm6, v1, v16  }
0x116: {  	v14 =	vsel vm5, v5, v48;
	v28 =	vsel vm10, v46, v49;
	v50 =	vand.u32 $0x7FFFFF, v16  }
0x117: {  	v14 =	vsel vm3, v4, v14;
	v30 =	vor.u32 $0x3F800000, v50;
	v28 =	vsel vm4, v26, v28  }
0x118: {  	v32 =	vand.u32 $0x7FFFFF, v14;
	v30 =	vadd.f32 $-1.000000000e+00, v30;
	v28 =	vsel vm2, v29, v28  }
0x119: {  	v51 =	vmax.f32 v22, v23;
	v32 =	vor.u32 $0x3F800000, v32;
	v28 =	vsel vm1, v31, v28  }
0x11a: {  	v32 =	vadd.f32 $-1.000000000e+00, v32;
	v33 =	vmul.f32 $4.342836510e-02, v30;
	v34 =	vand.u32 $0x7FFFFF, v28  }
0x11b: {  	v55 =	vmax.f32 v15, v21;
	v56 =	vmax.f32 v51, v24;
	v34 =	vor.u32 $0x3F800000, v34  }
0x11c: {  	v35 =	vmul.f32 $4.342836510e-02, v32;
	v33 =	vadd.f32 $-1.877204920e-01, v33;
	v34 =	vadd.f32 $-1.000000000e+00, v34  }
0x11d: {  	v13 =	vadd.f32 v17, v13;
	v60 =	vmax.f32 v55, v11;
	v61 =	vmax.f32 v56, v8  }
0x11e: {  	v53 =	vadd.f32 $-1.877204920e-01, v35;
	v52 =	vmul.f32 v33, v30;
	v54 =	vmul.f32 $4.342836510e-02, v34  }
0x11f: {  	v62 =	vmax.f32 v10, v25;
	v11 =	vmax.f32 v60, v12;
	v24 =	vmax.f32 v61, v7  }
0x120: {  	v58 =	vmul.f32 v53, v32;
	v57 =	vadd.f32 $4.087189440e-01, v52;
	v59 =	vadd.f32 $-1.877204920e-01, v54  }
0x121: {  	v25 =	vmax.f32 v62, v27;
	v37 =	vmax.f32 v11, v9;
	v38 =	vmax.f32 v24, v5  }
0x122: {  	v22 =	vadd.f32 $4.087189440e-01, v58;
	v63 =	vmul.f32 v57, v30;
	v23 =	vmul.f32 v59, v34  }
0x123: {  	s9 =	sadd.s32 $0x10, s9;
	v39 =	vmax.f32 v25, v46;
	v43 =	vmax.f32 v37, v6;
	v44 =	vmax.f32 v38, v4  }
0x124: {  	v27 =	vld [tilespmem:s9+$0x0];
	v35 =	vmul.f32 v22, v32;
	v33 =	vadd.f32 $-7.057026020e-01, v63;
	v36 =	vadd.f32 $4.087189440e-01, v23  }
0x125: {  	v1 =	vmax.f32 v43, v1;
	v45 =	vshrl.u32 v16, $0x17;
	v48 =	vshrl.u32 v14, $0x17  }
0x126: {  	v41 =	vadd.f32 $-7.057026020e-01, v35;
	v40 =	vmul.f32 v33, v30;
	v42 =	vmul.f32 v36, v34  }
0x127: {  	vm12 =	vge.f32 v14, v44;
	vm13 =	vge.f32 v16, v1;
	v5 =	vadd.s32 $0xFFFFFF81, v45  }
0x128: {  	v46 =	vmul.f32 v41, v32;
	v8 =	vadd.f32 $1.441267130e+00, v40;
	v47 =	vadd.f32 $-7.057026020e-01, v42  }
0x129: {  	s8 =	sadd.s32 $0x10, s8;
	v10 =	vadd.s32 $0xFFFFFF81, v48;
	vm11 =	vlt.f32 v27, $5.000000000e-01;
	v5 =	vcvt.s32.f32 v5  }
0x12a: {  	v49 =	vld [tilespmem:s8+$0xFFFFF000];
	v9 =	vadd.f32 $1.441267130e+00, v46;
	v8 =	vmul.f32 v8, v30;
	v11 =	vmul.f32 v47, v34  }
0x12b: {  	v10 =	vcvt.s32.f32 v10;
	v7 =	vmax.f32 v39, v26;
	v50 =	vshrl.u32 v28, $0x17  }
0x12c: {  	v51 =	vld [tilespmem:s8+$0x0];
	v9 =	vmul.f32 v9, v32;
	v8 =	vadd.f32 $3.193085650e-05, v8;
	v11 =	vadd.f32 $1.441267130e+00, v11  }
0x12d: {  	v7 =	vmax.f32 v7, v29;
	v15 =	vadd.s32 $0xFFFFFF81, v50;
	v52 =	vsel vm11, $0x3F800000, v0  }
0x12e: {  	v53 =	vld [tilespmem:s8+$0x1000];
	v54 =	vadd.f32 $3.193085650e-05, v9;
	v5 =	vadd.f32 v5, v8;
	v55 =	vmul.f32 v11, v34  }
0x12f: {  	v7 =	vmax.f32 v7, v31;
	v56 =	vmul.f32 v52, v49;
	v57 =	vcvt.s32.f32 v15  }
0x130: {  	v8 =	vadd.f32 v10, v54;
	v5 =	vmul.f32 $6.931471820e-01, v5;
	v9 =	vadd.f32 $3.193085650e-05, v55  }
0x131: {  	vm2 =	vmand vm13, vm12;
	vm14 =	vge.f32 v28, v7;
	v58 =	vmul.f32 v51, v52  }
0x132: {  	v59 =	vmul.f32 $6.931471820e-01, v8;
	v5 =	vmul.f32 v5, v56;
	v60 =	vadd.f32 v57, v9  }
0x133: {  	v62 =	vsel vm0, $0x3F800000, v0;
	vm15 =	vmand vm2, vm14;
	v1 =	vmul.f32 v53, v52  }
0x134: {  	v4 =	vmul.f32 v59, v58;
	v5 =	vadd.f32 v5, v13;
	v61 =	vmul.f32 $6.931471820e-01, v60  }
0x135: {  	v3 =	vadd.f32 v62, v3;
	vm0 =	vmand vm11, vm15;
	v2 =	vadd.f32 v52, v2  }
0x136: {  	v63 =	vsel vm0, $0x3F800000, v0;
	v4 =	vadd.f32 v4, v5;
	v1 =	vmul.f32 v61, v1  }
0x137: {  	v3 =	vadd.f32 v63, v3  }
0x138: {  	s7 =	sadd.s32 $0x1, s7;
	[tilespmem:$0x1C080] =	vst v2;
	v1 =	vadd.f32 v1, v4  }
0x139: {  	p0 =	sne.s32 s7, s0;
	[tilespmem:$0x1C100] =	vst v3  }
.Ltmp1:
0x13a: {  	s13 =	simm.s32 $0x1C000;
	[tilespmem:$0x1C000] =	vst v1;
	(pc) =	sbr.rel @p0 .LBB2_1-.Ltmp1, $4  }
0x13b: {  	[hbm4b:s22+s2] =	stream.linear.scatter [tilespmem:s13], [sflag:$0x2], $0x180, $0x38;
	[tilespmem:$0x1C200] =	vst v63  }
0x13c: {  	_ =	swait.ge [sflag:s6], $0x180  }
0x13d: {  	[sflag:s6] =	ssyncset.done $0x0  }
0x13e: {  	[sflag:s6] =	ssyncadd.s32 $0xFFFFFE80  }
0x13f: {  	_ =	sfence.sel $0x180000  }
0x140: {  	[bflag:$0x0] =	sbarrier.arrive $0xFFFF  }
0x141: {  	_ =	strace $0x90000047  }
0x142: {  	s0 =	stileid.u32;
	[bflag:$0x2] =	sbarrier.arrive $0xFFFF  }
0x143: {  	p0 =	sne.s32 s0, $0x0;
	s0 =	rddreg [dreg:$0x5]  }
0x144: {  	s0 =	sadd.s32 @!p0 $0x100000, s0  }
0x145: {  	[sflag:s0] =	ssyncadd.tile.s32 @!p0 $0x1;
	_ =	shalt  }
.Lfunc_end2:
_tile_overlayer_lowered:
.L_overlay_start_2:
0x146: {  	(tag) =	ssettag $0x2  }
0x147: {  	s0 =	rddreg [dreg:$0x0];
	s2 =	stileid.u32  }
0x148: {  	s1 =	rddreg [dreg:$0x1];
	p0 =	sne.s32 s2, $0x0  }
0x149: {  	s3 =	rddreg [dreg:$0x2];
	[bflag:$0x3] =	sbarrier.arrive $0xFFFF;
	s2 =	simm.s32 @!p0 $0x1C02  }
0x14a: {  	[timem:s3], [sflag:s2] =	dma.local @!p0 [hbm:s0], s1  }
0x14b: {  	s0 =	simm.s32 @!p0 $0x2  }
0x14c: {  	_ =	swait.ge @!p0 [sflag:s0], s1  }
0x14d: {  	s1 =	ssub.s32 @!p0 $0x0, s1;
	[sflag:s0] =	ssyncset.done @!p0 $0x0  }
0x14e: {  	[sflag:s0] =	ssyncadd.s32 @!p0 s1  }
0x14f: {  	[bflag:$0x3] =	sbarrier.arrive $0xFFFF  }
0x150: {  	_ =	shalt  }

</sc_bundles>
